<compile_context>
chip_gen: v7x
topology: tpu7x:2x2x1
jax: 0.10.2.dev20260603
libtpu: 0.0.44.dev20260713+nightly
codegen_flags: <defaults>
</compile_context>

<pallas_src>
import functools

import jax
import jax.numpy as jnp
from jax import lax
from jax.experimental import pallas as pl
from jax.experimental.pallas import tpu as pltpu
from jax.experimental.pallas import tpu_sc as plsc

NC = 2
NS = 16
NW = NC * NS
LANES = 16
CHUNK = 80
NBUF = 4
ECHUNK = 128
EBUF = 3
DEG_COLS = 16

_SELU_ALPHA = 1.6732632423543772
_SELU_SCALE = 1.0507009873554805


def _plan(n_chunks, nbuf):
    base = (n_chunks // (NW * nbuf)) * nbuf
    extra = n_chunks - base * NW
    assert 0 <= extra <= NW
    return base, extra


def _sc_feat_deg(feat, ei):
    n, df = feat.shape
    n_edges = ei.shape[1]
    assert n_edges % CHUNK == 0 and df % LANES == 0
    base_per_w, extra = _plan(n_edges // CHUNK, NBUF)
    outer_iters = base_per_w // NBUF
    rows_per_sub = n // NS
    wfull = rows_per_sub // CHUNK
    wrem = rows_per_sub - wfull * CHUNK

    mesh = plsc.VectorSubcoreMesh(
        core_axis_name="c", subcore_axis_name="s",
        num_cores=NC, num_subcores=NS)

    scratch = [
        pltpu.VMEM_SHARED((n, df), jnp.float32),
    ]
    half = CHUNK // 2
    for _ in range(NBUF):
        scratch += [
            pltpu.VMEM((half,), jnp.int32),
            pltpu.VMEM((half,), jnp.int32),
            pltpu.VMEM((CHUNK,), jnp.int32),
            pltpu.VMEM((CHUNK, df), jnp.float32),
            pltpu.SemaphoreType.DMA,
            pltpu.SemaphoreType.DMA,
            pltpu.SemaphoreType.DMA,
        ]

    @functools.partial(
        pl.kernel,
        out_type=jax.ShapeDtypeStruct((NC, n, df), jnp.float32),
        mesh=mesh,
        compiler_params=pltpu.CompilerParams(use_tc_tiling_on_sc=False),
        scratch_types=scratch,
    )
    def sc_kernel(feat_hbm, ei_hbm, outf_hbm,
                  acc_f, *bufs):
        src_a = [bufs[7 * b + 0] for b in range(NBUF)]
        src_b = [bufs[7 * b + 1] for b in range(NBUF)]
        dst_v = [bufs[7 * b + 2] for b in range(NBUF)]
        rows_v = [bufs[7 * b + 3] for b in range(NBUF)]
        sem_ld = [bufs[7 * b + 4] for b in range(NBUF)]
        sem_g = [bufs[7 * b + 5] for b in range(NBUF)]
        sem_s = [bufs[7 * b + 6] for b in range(NBUF)]

        cid = lax.axis_index("c")
        sid = lax.axis_index("s")
        wid = sid * NC + cid
        c0 = wid * base_per_w
        nck = base_per_w

        zvec = jnp.zeros((LANES,), jnp.float32)

        def fillrow(i, _):
            for j in range(df // LANES):
                rows_v[0][i, pl.ds(j * LANES, LANES)] = zvec
            return _

        lax.fori_loop(0, CHUNK, fillrow, 0)
        row0 = sid * rows_per_sub

        def zacc(k, _):
            pltpu.sync_copy(rows_v[0], acc_f.at[pl.ds(row0 + k * CHUNK,
                                                      CHUNK)])
            return _

        lax.fori_loop(0, wfull, zacc, 0)
        if wrem:
            pltpu.sync_copy(rows_v[0].at[pl.ds(0, wrem)],
                            acc_f.at[pl.ds(row0 + wfull * CHUNK, wrem)])
        plsc.subcore_barrier()

        def issue_loads(c, b):
            base = c * CHUNK
            pltpu.async_copy(ei_hbm.at[0, pl.ds(base, half)], src_a[b],
                             sem_ld[b])
            pltpu.async_copy(ei_hbm.at[0, pl.ds(base + half, half)],
                             src_b[b], sem_ld[b])
            pltpu.async_copy(ei_hbm.at[1, pl.ds(base, CHUNK)], dst_v[b],
                             sem_ld[b])

        def wait_loads(b):
            pltpu.make_async_copy(ei_hbm.at[0, pl.ds(0, half)], src_a[b],
                                  sem_ld[b]).wait()
            pltpu.make_async_copy(ei_hbm.at[0, pl.ds(0, half)], src_b[b],
                                  sem_ld[b]).wait()
            pltpu.make_async_copy(ei_hbm.at[1, pl.ds(0, CHUNK)], dst_v[b],
                                  sem_ld[b]).wait()

        def issue_gather(b):
            pltpu.async_copy(feat_hbm.at[src_a[b]],
                             rows_v[b].at[pl.ds(0, half)], sem_g[b])
            pltpu.async_copy(feat_hbm.at[src_b[b]],
                             rows_v[b].at[pl.ds(half, half)], sem_g[b])

        def wait_gather(b):
            pltpu.make_async_copy(feat_hbm.at[src_a[b]],
                                  rows_v[b].at[pl.ds(0, half)],
                                  sem_g[b]).wait()
            pltpu.make_async_copy(feat_hbm.at[src_b[b]],
                                  rows_v[b].at[pl.ds(half, half)],
                                  sem_g[b]).wait()

        def issue_scatters(b):
            pltpu.async_copy(rows_v[b], acc_f.at[dst_v[b]], sem_s[b],
                             add=True)

        def wait_scatters(b):
            pltpu.make_async_copy(rows_v[b], acc_f.at[dst_v[b]],
                                  sem_s[b]).wait()

        issue_loads(c0, 0)
        issue_loads(c0 + 1, 1)
        issue_loads(c0 + 2, 2)
        wait_loads(0)
        issue_gather(0)
        wait_loads(1)
        issue_gather(1)

        def outer(o, carry):
            g0 = o * NBUF
            for k in range(NBUF):
                g = g0 + k
                b2 = (k + 2) % NBUF

                @pl.when(g + 2 < nck)
                def _():
                    wait_loads(b2)
                    issue_gather(b2)

                wait_gather(k)
                issue_scatters(k)
                b3 = (k + 3) % NBUF

                @pl.when(g + 3 < nck)
                def _():
                    @pl.when(g + 3 >= NBUF)
                    def _():
                        wait_scatters(b3)
                    issue_loads(c0 + g + 3, b3)
            return carry

        lax.fori_loop(0, outer_iters, outer, 0)

        for c in range(nck - NBUF, nck):
            wait_scatters(c % NBUF)

        if extra:
            @pl.when(wid < extra)
            def _():
                base = (NW * base_per_w + wid) * CHUNK
                pltpu.sync_copy(ei_hbm.at[0, pl.ds(base, half)], src_a[0])
                pltpu.sync_copy(ei_hbm.at[0, pl.ds(base + half, half)],
                                src_b[0])
                pltpu.sync_copy(ei_hbm.at[1, pl.ds(base, CHUNK)], dst_v[0])
                pltpu.async_copy(feat_hbm.at[src_a[0]],
                                 rows_v[0].at[pl.ds(0, half)],
                                 sem_g[0]).wait()
                pltpu.async_copy(feat_hbm.at[src_b[0]],
                                 rows_v[0].at[pl.ds(half, half)],
                                 sem_g[0]).wait()
                pltpu.sync_copy(rows_v[0], acc_f.at[dst_v[0]], add=True)

        plsc.subcore_barrier()

        def wout_block(r, nrows):
            pltpu.sync_copy(acc_f.at[pl.ds(r, nrows)],
                            rows_v[0].at[pl.ds(0, nrows)])
            pltpu.sync_copy(rows_v[0].at[pl.ds(0, nrows)],
                            outf_hbm.at[cid, pl.ds(r, nrows)])

        def wout(k, _):
            wout_block(row0 + k * CHUNK, CHUNK)
            return _

        lax.fori_loop(0, wfull, wout, 0)
        if wrem:
            wout_block(row0 + wfull * CHUNK, wrem)

    return sc_kernel(feat, ei)


def _sc_edge_sum(ei, edge_attr, n, tok):
    n_edges, de = edge_attr.shape
    assert n_edges % ECHUNK == 0 and de == LANES
    base_per_w, extra = _plan(n_edges // ECHUNK, EBUF)
    outer_iters = base_per_w // EBUF
    rows_per_sub = n // NS
    wfull = rows_per_sub // ECHUNK
    wrem = rows_per_sub - wfull * ECHUNK

    mesh = plsc.VectorSubcoreMesh(
        core_axis_name="c", subcore_axis_name="s",
        num_cores=NC, num_subcores=NS)

    scratch = [
        pltpu.VMEM_SHARED((n, de), jnp.float32),
        pltpu.VMEM_SHARED((n, DEG_COLS), jnp.float32),
        pltpu.VMEM((ECHUNK, DEG_COLS), jnp.float32),
        pltpu.VMEM((ECHUNK, DEG_COLS), jnp.float32),
    ]
    for _ in range(EBUF):
        scratch += [
            pltpu.VMEM((ECHUNK,), jnp.int32),
            pltpu.VMEM((ECHUNK, de), jnp.float32),
            pltpu.SemaphoreType.DMA,
            pltpu.SemaphoreType.DMA,
        ]

    @functools.partial(
        pl.kernel,
        out_type=(
            jax.ShapeDtypeStruct((NC, n, de), jnp.float32),
            jax.ShapeDtypeStruct((NC, n, DEG_COLS), jnp.float32),
        ),
        mesh=mesh,
        compiler_params=pltpu.CompilerParams(use_tc_tiling_on_sc=False),
        scratch_types=scratch,
    )
    def sc_kernel(ei_hbm, ea_hbm, tok_hbm, oute_hbm, outd_hbm,
                  acc_e, acc_d, ones_v, zed_v, *bufs):
        dst_v = [bufs[4 * b + 0] for b in range(EBUF)]
        edge_v = [bufs[4 * b + 1] for b in range(EBUF)]
        sem_ld = [bufs[4 * b + 2] for b in range(EBUF)]
        sem_s = [bufs[4 * b + 3] for b in range(EBUF)]

        cid = lax.axis_index("c")
        sid = lax.axis_index("s")
        wid = sid * NC + cid
        c0 = wid * base_per_w
        nck = base_per_w

        zvec = jnp.zeros((LANES,), jnp.float32)

        def fillrow(i, _):
            edge_v[0][i, :] = zvec
            ones_v[i, :] = jnp.ones((LANES,), jnp.float32)
            zed_v[i, :] = zvec
            return _

        lax.fori_loop(0, ECHUNK, fillrow, 0)
        row0 = sid * rows_per_sub

        def zacc(k, _):
            r = row0 + k * ECHUNK
            pltpu.sync_copy(edge_v[0], acc_e.at[pl.ds(r, ECHUNK)])
            pltpu.sync_copy(zed_v, acc_d.at[pl.ds(r, ECHUNK)])
            return _

        lax.fori_loop(0, wfull, zacc, 0)
        if wrem:
            r = row0 + wfull * ECHUNK
            pltpu.sync_copy(edge_v[0].at[pl.ds(0, wrem)],
                            acc_e.at[pl.ds(r, wrem)])
            pltpu.sync_copy(zed_v.at[pl.ds(0, wrem)],
                            acc_d.at[pl.ds(r, wrem)])
        plsc.subcore_barrier()

        def issue_loads(c, b):
            base = c * ECHUNK
            pltpu.async_copy(ei_hbm.at[1, pl.ds(base, ECHUNK)], dst_v[b],
                             sem_ld[b])
            pltpu.async_copy(ea_hbm.at[pl.ds(base, ECHUNK)], edge_v[b],
                             sem_ld[b])

        def wait_loads(b):
            pltpu.make_async_copy(ei_hbm.at[1, pl.ds(0, ECHUNK)], dst_v[b],
                                  sem_ld[b]).wait()
            pltpu.make_async_copy(ea_hbm.at[pl.ds(0, ECHUNK)], edge_v[b],
                                  sem_ld[b]).wait()

        def issue_scatter(b):
            pltpu.async_copy(edge_v[b], acc_e.at[dst_v[b]], sem_s[b],
                             add=True)
            pltpu.async_copy(ones_v, acc_d.at[dst_v[b]], sem_s[b],
                             add=True)

        def wait_scatter(b):
            pltpu.make_async_copy(edge_v[b], acc_e.at[dst_v[b]],
                                  sem_s[b]).wait()
            pltpu.make_async_copy(ones_v, acc_d.at[dst_v[b]],
                                  sem_s[b]).wait()

        issue_loads(c0, 0)
        issue_loads(c0 + 1, 1)

        def outer(o, carry):
            g0 = o * EBUF
            for k in range(EBUF):
                g = g0 + k
                wait_loads(k)
                issue_scatter(k)
                b2 = (k + 2) % EBUF

                @pl.when(g + 2 < nck)
                def _():
                    @pl.when(g + 2 >= EBUF)
                    def _():
                        wait_scatter(b2)
                    issue_loads(c0 + g + 2, b2)
            return carry

        lax.fori_loop(0, outer_iters, outer, 0)

        for c in range(nck - EBUF, nck):
            wait_scatter(c % EBUF)

        if extra:
            @pl.when(wid < extra)
            def _():
                base = (NW * base_per_w + wid) * ECHUNK
                pltpu.sync_copy(ei_hbm.at[1, pl.ds(base, ECHUNK)], dst_v[0])
                pltpu.sync_copy(ea_hbm.at[pl.ds(base, ECHUNK)], edge_v[0])
                pltpu.sync_copy(edge_v[0], acc_e.at[dst_v[0]], add=True)
                pltpu.sync_copy(ones_v, acc_d.at[dst_v[0]], add=True)

        plsc.subcore_barrier()

        def wout_block(r, nrows):
            pltpu.sync_copy(acc_e.at[pl.ds(r, nrows)],
                            edge_v[0].at[pl.ds(0, nrows)])
            pltpu.sync_copy(edge_v[0].at[pl.ds(0, nrows)],
                            oute_hbm.at[cid, pl.ds(r, nrows)])
            pltpu.sync_copy(acc_d.at[pl.ds(r, nrows)],
                            zed_v.at[pl.ds(0, nrows)])
            pltpu.sync_copy(zed_v.at[pl.ds(0, nrows)],
                            outd_hbm.at[cid, pl.ds(r, nrows)])

        def wout(k, _):
            wout_block(row0 + k * ECHUNK, ECHUNK)
            return _

        lax.fori_loop(0, wfull, wout, 0)
        if wrem:
            wout_block(row0 + wfull * ECHUNK, wrem)

    return sc_kernel(ei, edge_attr, tok)


def _tc_matmul_feat(part_f, weight):
    n = part_f.shape[1]
    df = part_f.shape[2]
    d_out = weight.shape[1]
    de = weight.shape[0] - df
    block_rows = 2000
    assert n % block_rows == 0

    def tc_body(pf_ref, w_ref, o_ref):
        s = pf_ref[0] + pf_ref[1]
        o_ref[...] = jnp.dot(s, w_ref[de:, :],
                             preferred_element_type=jnp.float32,
                             precision=lax.Precision.HIGHEST)

    return pl.pallas_call(
        tc_body,
        grid=(n // block_rows,),
        in_specs=[
            pl.BlockSpec((NC, block_rows, df), lambda i: (0, i, 0)),
            pl.BlockSpec((de + df, d_out), lambda i: (0, 0)),
        ],
        out_specs=pl.BlockSpec((block_rows, d_out), lambda i: (i, 0)),
        out_shape=jax.ShapeDtypeStruct((n, d_out), jnp.float32),
    )(part_f, weight)


def _tc_finish(h_feat, part_e, part_d, weight, bias):
    n, d_out = h_feat.shape
    de = part_e.shape[2]
    block_rows = 2000
    assert n % block_rows == 0

    def tc_body(hf_ref, pe_ref, pd_ref, w_ref, b_ref, o_ref):
        se = pe_ref[0] + pe_ref[1]
        deg = pd_ref[0, :, 0:1] + pd_ref[1, :, 0:1]
        norm2 = 1.0 / jnp.maximum(deg, 1.0)
        h = hf_ref[...] + jnp.dot(se, w_ref[:de, :],
                                  preferred_element_type=jnp.float32,
                                  precision=lax.Precision.HIGHEST)
        h = h * norm2 + b_ref[...]
        o_ref[...] = _SELU_SCALE * jnp.where(
            h > 0.0, h, _SELU_ALPHA * (jnp.exp(h) - 1.0))

    return pl.pallas_call(
        tc_body,
        grid=(n // block_rows,),
        in_specs=[
            pl.BlockSpec((block_rows, d_out), lambda i: (i, 0)),
            pl.BlockSpec((NC, block_rows, de), lambda i: (0, i, 0)),
            pl.BlockSpec((NC, block_rows, DEG_COLS), lambda i: (0, i, 0)),
            pl.BlockSpec((de + d_out, d_out), lambda i: (0, 0)),
            pl.BlockSpec((1, d_out), lambda i: (0, 0)),
        ],
        out_specs=pl.BlockSpec((block_rows, d_out), lambda i: (i, 0)),
        out_shape=jax.ShapeDtypeStruct((n, d_out), jnp.float32),
    )(h_feat, part_e, part_d, weight, bias.reshape(1, d_out))


def kernel(feat, edge_index, edge_attr, weight, bias):
    part_f = _sc_feat_deg(feat, edge_index)
    tok = lax.slice(part_f, (0, 0, 0), (1, 8, part_f.shape[2]))
    part_e, part_d = _sc_edge_sum(edge_index, edge_attr, feat.shape[0], tok)
    h_feat = _tc_matmul_feat(part_f, weight)
    return _tc_finish(h_feat, part_e, part_d, weight, bias)

# --- scband reference (transcript-rebuilt; emitter-appended) ---
"""Pipeline reference for scband-mol-conv-13151189860624 (READ-ONLY COPY).

The authoritative reference and input builder live on the scoring server;
editing this copy changes nothing except your own understanding.
"""

import jax, jax.numpy as jnp
import numpy as np

N_NODES = 10000
N_EDGES = 320000
D_FEAT = 128
D_EDGE = 16
D_OUT = 128


def setup_inputs(seed: int = 0) -> dict:
    key = jax.random.key(seed)
    k1, k2, k3, k4 = jax.random.split(key, 4)
    feat = jax.random.normal(k1, (N_NODES, D_FEAT), dtype=jnp.float32)
    edge_index = jax.random.randint(k2, (2, N_EDGES), 0, N_NODES, dtype=jnp.int32)
    edge_attr = jax.random.normal(k3, (N_EDGES, D_EDGE), dtype=jnp.float32)
    in_feats = D_FEAT + D_EDGE
    # xavier_normal init for weight
    std = float(np.sqrt(2.0 / (in_feats + D_OUT)))
    weight = jax.random.normal(k4, (in_feats, D_OUT), dtype=jnp.float32) * std
    bias = jnp.zeros((D_OUT,), dtype=jnp.float32)
    return {"feat": feat, "edge_index": edge_index, "edge_attr": edge_attr, "weight": weight, "bias": bias}


def reference(feat, edge_index, edge_attr, weight, bias):
    src = edge_index[0]
    dst = edge_index[1]
    n = feat.shape[0]
    # in-degree based symmetric-ish norm: deg(v)^(-0.5), clamped at 1
    deg = jax.ops.segment_sum(jnp.ones((edge_index.shape[1],), dtype=jnp.float32), dst, num_segments=n)
    norm = jnp.power(jnp.clip(deg, 1.0, None), -0.5)[:, None]
    # message: concat(edge feats, src node feats); reduce: sum over dst
    msgs = jnp.concatenate([edge_attr, jnp.take(feat, src, axis=0)], axis=-1)
    sum_f = jax.ops.segment_sum(msgs, dst, num_segments=n)
    h = sum_f * norm
    h = jnp.matmul(h, weight)
    h = h * norm
    h = h + bias
    return jax.nn.selu(h)

if __name__ == "__main__":
    import jax
    _d = setup_inputs()
    print(jax.jit(kernel)(*tuple(_d.values())))

</pallas_src>

<mosaic_0001>
#map = affine_map<(d0, d1) -> (0, 0)>
#map1 = affine_map<(d0, d1) -> (0, 0, 0)>
module attributes {stable_mosaic.version = 14 : i64} {
  func.func @sc_kernel(%arg0: i32, %arg1: i32, %arg2: memref<10000x128xf32, #tpu.memory_space<hbm>>, %arg3: memref<2x320000xi32, #tpu.memory_space<hbm>>, %arg4: memref<2x10000x128xf32, #tpu.memory_space<hbm>>, %arg5: memref<10000x128xf32, #tpu.memory_space<vmem_shared>>, %arg6: memref<40xi32, #tpu.memory_space<vmem>>, %arg7: memref<40xi32, #tpu.memory_space<vmem>>, %arg8: memref<80xi32, #tpu.memory_space<vmem>>, %arg9: memref<80x128xf32, #tpu.memory_space<vmem>>, %arg10: memref<!tpu.dma_semaphore, #tpu.memory_space<semaphore_mem>>, %arg11: memref<!tpu.dma_semaphore, #tpu.memory_space<semaphore_mem>>, %arg12: memref<!tpu.dma_semaphore, #tpu.memory_space<semaphore_mem>>, %arg13: memref<40xi32, #tpu.memory_space<vmem>>, %arg14: memref<40xi32, #tpu.memory_space<vmem>>, %arg15: memref<80xi32, #tpu.memory_space<vmem>>, %arg16: memref<80x128xf32, #tpu.memory_space<vmem>>, %arg17: memref<!tpu.dma_semaphore, #tpu.memory_space<semaphore_mem>>, %arg18: memref<!tpu.dma_semaphore, #tpu.memory_space<semaphore_mem>>, %arg19: memref<!tpu.dma_semaphore, #tpu.memory_space<semaphore_mem>>, %arg20: memref<40xi32, #tpu.memory_space<vmem>>, %arg21: memref<40xi32, #tpu.memory_space<vmem>>, %arg22: memref<80xi32, #tpu.memory_space<vmem>>, %arg23: memref<80x128xf32, #tpu.memory_space<vmem>>, %arg24: memref<!tpu.dma_semaphore, #tpu.memory_space<semaphore_mem>>, %arg25: memref<!tpu.dma_semaphore, #tpu.memory_space<semaphore_mem>>, %arg26: memref<!tpu.dma_semaphore, #tpu.memory_space<semaphore_mem>>, %arg27: memref<40xi32, #tpu.memory_space<vmem>>, %arg28: memref<40xi32, #tpu.memory_space<vmem>>, %arg29: memref<80xi32, #tpu.memory_space<vmem>>, %arg30: memref<80x128xf32, #tpu.memory_space<vmem>>, %arg31: memref<!tpu.dma_semaphore, #tpu.memory_space<semaphore_mem>>, %arg32: memref<!tpu.dma_semaphore, #tpu.memory_space<semaphore_mem>>, %arg33: memref<!tpu.dma_semaphore, #tpu.memory_space<semaphore_mem>>) attributes {dimension_semantics = [#tpu.dimension_semantics<core_parallel>, #tpu.dimension_semantics<subcore_parallel>], iteration_bounds = array<i64: 2, 16>, scalar_prefetch = 0 : i64, scratch_operands = 29 : i64, tpu.core_type = #tpu.core_type<sc_vector_subcore>, window_params = [{transform_indices = #map}, {transform_indices = #map}, {transform_indices = #map1}]} {
    %mul3A = arith.constant 2 : i32
    %mul3A_0 = arith.muli %arg1, %mul3A : i32
    %add3A = arith.addi %mul3A_0, %arg0 : i32
    %mul3A_1 = arith.constant 124 : i32
    %mul3A_2 = arith.muli %add3A, %mul3A_1 : i32
    %broadcast_in_dim3A = arith.constant 0.000000e+00 : f32
    %broadcast_in_dim3A_3 = vector.broadcast %broadcast_in_dim3A : f32 to vector<16xf32>
    %scan3A = arith.constant 0 : i32
    %scan3A_4 = arith.constant 0 : i32
    %scan3A_5 = arith.constant 80 : i32
    %scan3A_6 = arith.addi %scan3A_4, %scan3A_5 : i32
    %scan3A_7 = arith.constant 1 : i32
    scf.for %scan3A_173 = %scan3A_4 to %scan3A_6 step %scan3A_7  : i32 {
      %swap3A = arith.index_cast %scan3A_173 : i32 to index
      %swap3A_174 = arith.constant 0 : index
      %swap3A_175 = tpu.vector_load %arg9[%swap3A, %swap3A_174] {strides = array<i32>} : memref<80x128xf32, #tpu.memory_space<vmem>>, vector<1x16xf32>,
      %swap3A_176 = vector.shape_cast %swap3A_175 : vector<1x16xf32> to vector<16xf32>
      %swap3A_177 = vector.shape_cast %broadcast_in_dim3A_3 : vector<16xf32> to vector<1x16xf32>
      tpu.vector_store %arg9[%swap3A, %swap3A_174], %swap3A_177 {strides = array<i32>} : memref<80x128xf32, #tpu.memory_space<vmem>>, vector<1x16xf32>,
      %swap3A_178 = arith.index_cast %scan3A_173 : i32 to index
      %swap3A_179 = arith.constant 16 : index
      %swap3A_180 = tpu.vector_load %arg9[%swap3A_178, %swap3A_179] {strides = array<i32>} : memref<80x128xf32, #tpu.memory_space<vmem>>, vector<1x16xf32>,
      %swap3A_181 = vector.shape_cast %swap3A_180 : vector<1x16xf32> to vector<16xf32>
      %swap3A_182 = vector.shape_cast %broadcast_in_dim3A_3 : vector<16xf32> to vector<1x16xf32>
      tpu.vector_store %arg9[%swap3A_178, %swap3A_179], %swap3A_182 {strides = array<i32>} : memref<80x128xf32, #tpu.memory_space<vmem>>, vector<1x16xf32>,
      %swap3A_183 = arith.index_cast %scan3A_173 : i32 to index
      %swap3A_184 = arith.constant 32 : index
      %swap3A_185 = tpu.vector_load %arg9[%swap3A_183, %swap3A_184] {strides = array<i32>} : memref<80x128xf32, #tpu.memory_space<vmem>>, vector<1x16xf32>,
      %swap3A_186 = vector.shape_cast %swap3A_185 : vector<1x16xf32> to vector<16xf32>
      %swap3A_187 = vector.shape_cast %broadcast_in_dim3A_3 : vector<16xf32> to vector<1x16xf32>
      tpu.vector_store %arg9[%swap3A_183, %swap3A_184], %swap3A_187 {strides = array<i32>} : memref<80x128xf32, #tpu.memory_space<vmem>>, vector<1x16xf32>,
      %swap3A_188 = arith.index_cast %scan3A_173 : i32 to index
      %swap3A_189 = arith.constant 48 : index
      %swap3A_190 = tpu.vector_load %arg9[%swap3A_188, %swap3A_189] {strides = array<i32>} : memref<80x128xf32, #tpu.memory_space<vmem>>, vector<1x16xf32>,
      %swap3A_191 = vector.shape_cast %swap3A_190 : vector<1x16xf32> to vector<16xf32>
      %swap3A_192 = vector.shape_cast %broadcast_in_dim3A_3 : vector<16xf32> to vector<1x16xf32>
      tpu.vector_store %arg9[%swap3A_188, %swap3A_189], %swap3A_192 {strides = array<i32>} : memref<80x128xf32, #tpu.memory_space<vmem>>, vector<1x16xf32>,
      %swap3A_193 = arith.index_cast %scan3A_173 : i32 to index
      %swap3A_194 = arith.constant 64 : index
      %swap3A_195 = tpu.vector_load %arg9[%swap3A_193, %swap3A_194] {strides = array<i32>} : memref<80x128xf32, #tpu.memory_space<vmem>>, vector<1x16xf32>,
      %swap3A_196 = vector.shape_cast %swap3A_195 : vector<1x16xf32> to vector<16xf32>
      %swap3A_197 = vector.shape_cast %broadcast_in_dim3A_3 : vector<16xf32> to vector<1x16xf32>
      tpu.vector_store %arg9[%swap3A_193, %swap3A_194], %swap3A_197 {strides = array<i32>} : memref<80x128xf32, #tpu.memory_space<vmem>>, vector<1x16xf32>,
      %swap3A_198 = arith.index_cast %scan3A_173 : i32 to index
      %swap3A_199 = arith.constant 80 : index
      %swap3A_200 = tpu.vector_load %arg9[%swap3A_198, %swap3A_199] {strides = array<i32>} : memref<80x128xf32, #tpu.memory_space<vmem>>, vector<1x16xf32>,
      %swap3A_201 = vector.shape_cast %swap3A_200 : vector<1x16xf32> to vector<16xf32>
      %swap3A_202 = vector.shape_cast %broadcast_in_dim3A_3 : vector<16xf32> to vector<1x16xf32>
      tpu.vector_store %arg9[%swap3A_198, %swap3A_199], %swap3A_202 {strides = array<i32>} : memref<80x128xf32, #tpu.memory_space<vmem>>, vector<1x16xf32>,
      %swap3A_203 = arith.index_cast %scan3A_173 : i32 to index
      %swap3A_204 = arith.constant 96 : index
      %swap3A_205 = tpu.vector_load %arg9[%swap3A_203, %swap3A_204] {strides = array<i32>} : memref<80x128xf32, #tpu.memory_space<vmem>>, vector<1x16xf32>,
      %swap3A_206 = vector.shape_cast %swap3A_205 : vector<1x16xf32> to vector<16xf32>
      %swap3A_207 = vector.shape_cast %broadcast_in_dim3A_3 : vector<16xf32> to vector<1x16xf32>
      tpu.vector_store %arg9[%swap3A_203, %swap3A_204], %swap3A_207 {strides = array<i32>} : memref<80x128xf32, #tpu.memory_space<vmem>>, vector<1x16xf32>,
      %swap3A_208 = arith.index_cast %scan3A_173 : i32 to index
      %swap3A_209 = arith.constant 112 : index
      %swap3A_210 = tpu.vector_load %arg9[%swap3A_208, %swap3A_209] {strides = array<i32>} : memref<80x128xf32, #tpu.memory_space<vmem>>, vector<1x16xf32>,
      %swap3A_211 = vector.shape_cast %swap3A_210 : vector<1x16xf32> to vector<16xf32>
      %swap3A_212 = vector.shape_cast %broadcast_in_dim3A_3 : vector<16xf32> to vector<1x16xf32>
      tpu.vector_store %arg9[%swap3A_208, %swap3A_209], %swap3A_212 {strides = array<i32>} : memref<80x128xf32, #tpu.memory_space<vmem>>, vector<1x16xf32>,
    }
    %scan3A_8 = arith.constant 80 : i32
    %mul3A_9 = arith.constant 625 : i32
    %mul3A_10 = arith.muli %arg1, %mul3A_9 : i32
    %scan3A_11 = arith.constant 0 : i32
    %scan3A_12 = arith.constant 0 : i32
    %scan3A_13 = arith.constant 7 : i32
    %scan3A_14 = arith.addi %scan3A_12, %scan3A_13 : i32
    %scan3A_15 = arith.constant 1 : i32
    scf.for %scan3A_173 = %scan3A_12 to %scan3A_14 step %scan3A_15  : i32 {
      %mul3A_174 = arith.constant 80 : i32
      %mul3A_175 = arith.muli %scan3A_173, %mul3A_174 : i32
      %add3A_176 = arith.addi %mul3A_10, %mul3A_175 : i32
      "tpu.region"() ({
        %run_scoped3A = tpu.sem_alloc : memref<!tpu.dma_semaphore, #tpu.memory_space<semaphore_mem>>
        %dma_start3A_177 = arith.constant 0 : i32
        %dma_start3A_178 = tpu.memref_slice %arg5[%add3A_176, %dma_start3A_177] : memref<10000x128xf32, #tpu.memory_space<vmem_shared>> -> memref<80x128xf32, #tpu.memory_space<vmem_shared>>
        %dma_start3A_179 = arith.constant 0 : i32
        %dma_start3A_180 = tpu.memref_slice %arg5[%add3A_176, %dma_start3A_179] : memref<10000x128xf32, #tpu.memory_space<vmem_shared>> -> memref<80x128xf32, #tpu.memory_space<vmem_shared>>
        tpu.enqueue_dma source(%arg9 : memref<80x128xf32, #tpu.memory_space<vmem>>) target(%dma_start3A_180 : memref<80x128xf32, #tpu.memory_space<vmem_shared>>) target_semaphore(%run_scoped3A : memref<!tpu.dma_semaphore, #tpu.memory_space<semaphore_mem>>)
        %dma_wait3A_181 = arith.constant 0 : i32
        %dma_wait3A_182 = tpu.memref_slice %arg5[%add3A_176, %dma_wait3A_181] : memref<10000x128xf32, #tpu.memory_space<vmem_shared>> -> memref<80x128xf32, #tpu.memory_space<vmem_shared>>
        %dma_wait3A_183 = arith.constant 0 : i32
        %dma_wait3A_184 = tpu.memref_slice %arg5[%add3A_176, %dma_wait3A_183] : memref<10000x128xf32, #tpu.memory_space<vmem_shared>> -> memref<80x128xf32, #tpu.memory_space<vmem_shared>>
        tpu.wait_dma2 semaphore(%run_scoped3A : memref<!tpu.dma_semaphore, #tpu.memory_space<semaphore_mem>>) src(%arg9 : memref<80x128xf32, #tpu.memory_space<vmem>>) dst(%dma_wait3A_184 : memref<80x128xf32, #tpu.memory_space<vmem_shared>>)
        tpu.yield
      }) : () -> ()
    }
    %scan3A_16 = arith.constant 7 : i32
    %add3A_17 = arith.constant 560 : i32
    %add3A_18 = arith.addi %mul3A_10, %add3A_17 : i32
    "tpu.region"() ({
      %run_scoped3A = tpu.sem_alloc : memref<!tpu.dma_semaphore, #tpu.memory_space<semaphore_mem>>
      %dma_start3A_173 = arith.constant 0 : i32
      %dma_start3A_174 = arith.constant 0 : i32
      %dma_start3A_175 = tpu.memref_slice %arg9[%dma_start3A_173, %dma_start3A_174] : memref<80x128xf32, #tpu.memory_space<vmem>> -> memref<65x128xf32, #tpu.memory_space<vmem>>
      %dma_start3A_176 = arith.constant 0 : i32
      %dma_start3A_177 = tpu.memref_slice %arg5[%add3A_18, %dma_start3A_176] : memref<10000x128xf32, #tpu.memory_space<vmem_shared>> -> memref<65x128xf32, #tpu.memory_space<vmem_shared>>
      %dma_start3A_178 = arith.constant 0 : i32
      %dma_start3A_179 = tpu.memref_slice %arg5[%add3A_18, %dma_start3A_178] : memref<10000x128xf32, #tpu.memory_space<vmem_shared>> -> memref<65x128xf32, #tpu.memory_space<vmem_shared>>
      %dma_start3A_180 = arith.constant 0 : i32
      %dma_start3A_181 = arith.constant 0 : i32
      %dma_start3A_182 = tpu.memref_slice %arg9[%dma_start3A_180, %dma_start3A_181] : memref<80x128xf32, #tpu.memory_space<vmem>> -> memref<65x128xf32, #tpu.memory_space<vmem>>
      tpu.enqueue_dma source(%dma_start3A_182 : memref<65x128xf32, #tpu.memory_space<vmem>>) target(%dma_start3A_179 : memref<65x128xf32, #tpu.memory_space<vmem_shared>>) target_semaphore(%run_scoped3A : memref<!tpu.dma_semaphore, #tpu.memory_space<semaphore_mem>>)
      %dma_wait3A_183 = arith.constant 0 : i32
      %dma_wait3A_184 = arith.constant 0 : i32
      %dma_wait3A_185 = tpu.memref_slice %arg9[%dma_wait3A_183, %dma_wait3A_184] : memref<80x128xf32, #tpu.memory_space<vmem>> -> memref<65x128xf32, #tpu.memory_space<vmem>>
      %dma_wait3A_186 = arith.constant 0 : i32
      %dma_wait3A_187 = tpu.memref_slice %arg5[%add3A_18, %dma_wait3A_186] : memref<10000x128xf32, #tpu.memory_space<vmem_shared>> -> memref<65x128xf32, #tpu.memory_space<vmem_shared>>
      %dma_wait3A_188 = arith.constant 0 : i32
      %dma_wait3A_189 = tpu.memref_slice %arg5[%add3A_18, %dma_wait3A_188] : memref<10000x128xf32, #tpu.memory_space<vmem_shared>> -> memref<65x128xf32, #tpu.memory_space<vmem_shared>>
      %dma_wait3A_190 = arith.constant 0 : i32
      %dma_wait3A_191 = arith.constant 0 : i32
      %dma_wait3A_192 = tpu.memref_slice %arg9[%dma_wait3A_190, %dma_wait3A_191] : memref<80x128xf32, #tpu.memory_space<vmem>> -> memref<65x128xf32, #tpu.memory_space<vmem>>
      tpu.wait_dma2 semaphore(%run_scoped3A : memref<!tpu.dma_semaphore, #tpu.memory_space<semaphore_mem>>) src(%dma_wait3A_192 : memref<65x128xf32, #tpu.memory_space<vmem>>) dst(%dma_wait3A_189 : memref<65x128xf32, #tpu.memory_space<vmem_shared>>)
      tpu.yield
    }) : () -> ()
    %barrier3A = arith.constant 0 : index
    tpu.barrier barrier_id(%barrier3A)
    %mul3A_19 = arith.constant 80 : i32
    %mul3A_20 = arith.muli %mul3A_2, %mul3A_19 : i32
    %dma_start3A = arith.constant 0 : i32
    %dma_start3A_21 = tpu.memref_slice %arg3[%dma_start3A, %mul3A_20] : memref<2x320000xi32, #tpu.memory_space<hbm>> -> memref<1x40xi32, #tpu.memory_space<hbm>>
    %dma_start3A_22 = tpu.memref_squeeze %dma_start3A_21 : memref<1x40xi32, #tpu.memory_space<hbm>> -> memref<40xi32, #tpu.memory_space<hbm>>
    %dma_start3A_23 = tpu.memref_slice %arg3[%dma_start3A, %mul3A_20] : memref<2x320000xi32, #tpu.memory_space<hbm>> -> memref<1x40xi32, #tpu.memory_space<hbm>>
    %dma_start3A_24 = tpu.memref_squeeze %dma_start3A_23 : memref<1x40xi32, #tpu.memory_space<hbm>> -> memref<40xi32, #tpu.memory_space<hbm>>
    tpu.enqueue_dma source(%dma_start3A_24 : memref<40xi32, #tpu.memory_space<hbm>>) target(%arg6 : memref<40xi32, #tpu.memory_space<vmem>>) target_semaphore(%arg10 : memref<!tpu.dma_semaphore, #tpu.memory_space<semaphore_mem>>)
    %add3A_25 = arith.constant 40 : i32
    %add3A_26 = arith.addi %mul3A_20, %add3A_25 : i32
    %dma_start3A_27 = arith.constant 0 : i32
    %dma_start3A_28 = tpu.memref_slice %arg3[%dma_start3A_27, %add3A_26] : memref<2x320000xi32, #tpu.memory_space<hbm>> -> memref<1x40xi32, #tpu.memory_space<hbm>>
    %dma_start3A_29 = tpu.memref_squeeze %dma_start3A_28 : memref<1x40xi32, #tpu.memory_space<hbm>> -> memref<40xi32, #tpu.memory_space<hbm>>
    %dma_start3A_30 = tpu.memref_slice %arg3[%dma_start3A_27, %add3A_26] : memref<2x320000xi32, #tpu.memory_space<hbm>> -> memref<1x40xi32, #tpu.memory_space<hbm>>
    %dma_start3A_31 = tpu.memref_squeeze %dma_start3A_30 : memref<1x40xi32, #tpu.memory_space<hbm>> -> memref<40xi32, #tpu.memory_space<hbm>>
    tpu.enqueue_dma source(%dma_start3A_31 : memref<40xi32, #tpu.memory_space<hbm>>) target(%arg7 : memref<40xi32, #tpu.memory_space<vmem>>) target_semaphore(%arg10 : memref<!tpu.dma_semaphore, #tpu.memory_space<semaphore_mem>>)
    %dma_start3A_32 = arith.constant 1 : i32
    %dma_start3A_33 = tpu.memref_slice %arg3[%dma_start3A_32, %mul3A_20] : memref<2x320000xi32, #tpu.memory_space<hbm>> -> memref<1x80xi32, #tpu.memory_space<hbm>>
    %dma_start3A_34 = tpu.memref_squeeze %dma_start3A_33 : memref<1x80xi32, #tpu.memory_space<hbm>> -> memref<80xi32, #tpu.memory_space<hbm>>
    %dma_start3A_35 = tpu.memref_slice %arg3[%dma_start3A_32, %mul3A_20] : memref<2x320000xi32, #tpu.memory_space<hbm>> -> memref<1x80xi32, #tpu.memory_space<hbm>>
    %dma_start3A_36 = tpu.memref_squeeze %dma_start3A_35 : memref<1x80xi32, #tpu.memory_space<hbm>> -> memref<80xi32, #tpu.memory_space<hbm>>
    tpu.enqueue_dma source(%dma_start3A_36 : memref<80xi32, #tpu.memory_space<hbm>>) target(%arg8 : memref<80xi32, #tpu.memory_space<vmem>>) target_semaphore(%arg10 : memref<!tpu.dma_semaphore, #tpu.memory_space<semaphore_mem>>)
    %add3A_37 = arith.constant 1 : i32
    %add3A_38 = arith.addi %mul3A_2, %add3A_37 : i32
    %mul3A_39 = arith.constant 80 : i32
    %mul3A_40 = arith.muli %add3A_38, %mul3A_39 : i32
    %dma_start3A_41 = arith.constant 0 : i32
    %dma_start3A_42 = tpu.memref_slice %arg3[%dma_start3A_41, %mul3A_40] : memref<2x320000xi32, #tpu.memory_space<hbm>> -> memref<1x40xi32, #tpu.memory_space<hbm>>
    %dma_start3A_43 = tpu.memref_squeeze %dma_start3A_42 : memref<1x40xi32, #tpu.memory_space<hbm>> -> memref<40xi32, #tpu.memory_space<hbm>>
    %dma_start3A_44 = tpu.memref_slice %arg3[%dma_start3A_41, %mul3A_40] : memref<2x320000xi32, #tpu.memory_space<hbm>> -> memref<1x40xi32, #tpu.memory_space<hbm>>
    %dma_start3A_45 = tpu.memref_squeeze %dma_start3A_44 : memref<1x40xi32, #tpu.memory_space<hbm>> -> memref<40xi32, #tpu.memory_space<hbm>>
    tpu.enqueue_dma source(%dma_start3A_45 : memref<40xi32, #tpu.memory_space<hbm>>) target(%arg13 : memref<40xi32, #tpu.memory_space<vmem>>) target_semaphore(%arg17 : memref<!tpu.dma_semaphore, #tpu.memory_space<semaphore_mem>>)
    %add3A_46 = arith.constant 40 : i32
    %add3A_47 = arith.addi %mul3A_40, %add3A_46 : i32
    %dma_start3A_48 = arith.constant 0 : i32
    %dma_start3A_49 = tpu.memref_slice %arg3[%dma_start3A_48, %add3A_47] : memref<2x320000xi32, #tpu.memory_space<hbm>> -> memref<1x40xi32, #tpu.memory_space<hbm>>
    %dma_start3A_50 = tpu.memref_squeeze %dma_start3A_49 : memref<1x40xi32, #tpu.memory_space<hbm>> -> memref<40xi32, #tpu.memory_space<hbm>>
    %dma_start3A_51 = tpu.memref_slice %arg3[%dma_start3A_48, %add3A_47] : memref<2x320000xi32, #tpu.memory_space<hbm>> -> memref<1x40xi32, #tpu.memory_space<hbm>>
    %dma_start3A_52 = tpu.memref_squeeze %dma_start3A_51 : memref<1x40xi32, #tpu.memory_space<hbm>> -> memref<40xi32, #tpu.memory_space<hbm>>
    tpu.enqueue_dma source(%dma_start3A_52 : memref<40xi32, #tpu.memory_space<hbm>>) target(%arg14 : memref<40xi32, #tpu.memory_space<vmem>>) target_semaphore(%arg17 : memref<!tpu.dma_semaphore, #tpu.memory_space<semaphore_mem>>)
    %dma_start3A_53 = arith.constant 1 : i32
    %dma_start3A_54 = tpu.memref_slice %arg3[%dma_start3A_53, %mul3A_40] : memref<2x320000xi32, #tpu.memory_space<hbm>> -> memref<1x80xi32, #tpu.memory_space<hbm>>
    %dma_start3A_55 = tpu.memref_squeeze %dma_start3A_54 : memref<1x80xi32, #tpu.memory_space<hbm>> -> memref<80xi32, #tpu.memory_space<hbm>>
    %dma_start3A_56 = tpu.memref_slice %arg3[%dma_start3A_53, %mul3A_40] : memref<2x320000xi32, #tpu.memory_space<hbm>> -> memref<1x80xi32, #tpu.memory_space<hbm>>
    %dma_start3A_57 = tpu.memref_squeeze %dma_start3A_56 : memref<1x80xi32, #tpu.memory_space<hbm>> -> memref<80xi32, #tpu.memory_space<hbm>>
    tpu.enqueue_dma source(%dma_start3A_57 : memref<80xi32, #tpu.memory_space<hbm>>) target(%arg15 : memref<80xi32, #tpu.memory_space<vmem>>) target_semaphore(%arg17 : memref<!tpu.dma_semaphore, #tpu.memory_space<semaphore_mem>>)
    %add3A_58 = arith.constant 2 : i32
    %add3A_59 = arith.addi %mul3A_2, %add3A_58 : i32
    %mul3A_60 = arith.constant 80 : i32
    %mul3A_61 = arith.muli %add3A_59, %mul3A_60 : i32
    %dma_start3A_62 = arith.constant 0 : i32
    %dma_start3A_63 = tpu.memref_slice %arg3[%dma_start3A_62, %mul3A_61] : memref<2x320000xi32, #tpu.memory_space<hbm>> -> memref<1x40xi32, #tpu.memory_space<hbm>>
    %dma_start3A_64 = tpu.memref_squeeze %dma_start3A_63 : memref<1x40xi32, #tpu.memory_space<hbm>> -> memref<40xi32, #tpu.memory_space<hbm>>
    %dma_start3A_65 = tpu.memref_slice %arg3[%dma_start3A_62, %mul3A_61] : memref<2x320000xi32, #tpu.memory_space<hbm>> -> memref<1x40xi32, #tpu.memory_space<hbm>>
    %dma_start3A_66 = tpu.memref_squeeze %dma_start3A_65 : memref<1x40xi32, #tpu.memory_space<hbm>> -> memref<40xi32, #tpu.memory_space<hbm>>
    tpu.enqueue_dma source(%dma_start3A_66 : memref<40xi32, #tpu.memory_space<hbm>>) target(%arg20 : memref<40xi32, #tpu.memory_space<vmem>>) target_semaphore(%arg24 : memref<!tpu.dma_semaphore, #tpu.memory_space<semaphore_mem>>)
    %add3A_67 = arith.constant 40 : i32
    %add3A_68 = arith.addi %mul3A_61, %add3A_67 : i32
    %dma_start3A_69 = arith.constant 0 : i32
    %dma_start3A_70 = tpu.memref_slice %arg3[%dma_start3A_69, %add3A_68] : memref<2x320000xi32, #tpu.memory_space<hbm>> -> memref<1x40xi32, #tpu.memory_space<hbm>>
    %dma_start3A_71 = tpu.memref_squeeze %dma_start3A_70 : memref<1x40xi32, #tpu.memory_space<hbm>> -> memref<40xi32, #tpu.memory_space<hbm>>
    %dma_start3A_72 = tpu.memref_slice %arg3[%dma_start3A_69, %add3A_68] : memref<2x320000xi32, #tpu.memory_space<hbm>> -> memref<1x40xi32, #tpu.memory_space<hbm>>
    %dma_start3A_73 = tpu.memref_squeeze %dma_start3A_72 : memref<1x40xi32, #tpu.memory_space<hbm>> -> memref<40xi32, #tpu.memory_space<hbm>>
    tpu.enqueue_dma source(%dma_start3A_73 : memref<40xi32, #tpu.memory_space<hbm>>) target(%arg21 : memref<40xi32, #tpu.memory_space<vmem>>) target_semaphore(%arg24 : memref<!tpu.dma_semaphore, #tpu.memory_space<semaphore_mem>>)
    %dma_start3A_74 = arith.constant 1 : i32
    %dma_start3A_75 = tpu.memref_slice %arg3[%dma_start3A_74, %mul3A_61] : memref<2x320000xi32, #tpu.memory_space<hbm>> -> memref<1x80xi32, #tpu.memory_space<hbm>>
    %dma_start3A_76 = tpu.memref_squeeze %dma_start3A_75 : memref<1x80xi32, #tpu.memory_space<hbm>> -> memref<80xi32, #tpu.memory_space<hbm>>
    %dma_start3A_77 = tpu.memref_slice %arg3[%dma_start3A_74, %mul3A_61] : memref<2x320000xi32, #tpu.memory_space<hbm>> -> memref<1x80xi32, #tpu.memory_space<hbm>>
    %dma_start3A_78 = tpu.memref_squeeze %dma_start3A_77 : memref<1x80xi32, #tpu.memory_space<hbm>> -> memref<80xi32, #tpu.memory_space<hbm>>
    tpu.enqueue_dma source(%dma_start3A_78 : memref<80xi32, #tpu.memory_space<hbm>>) target(%arg22 : memref<80xi32, #tpu.memory_space<vmem>>) target_semaphore(%arg24 : memref<!tpu.dma_semaphore, #tpu.memory_space<semaphore_mem>>)
    %dma_wait3A = arith.constant 0 : i32
    %dma_wait3A_79 = arith.constant 0 : i32
    %dma_wait3A_80 = tpu.memref_slice %arg3[%dma_wait3A, %dma_wait3A_79] : memref<2x320000xi32, #tpu.memory_space<hbm>> -> memref<1x40xi32, #tpu.memory_space<hbm>>
    %dma_wait3A_81 = tpu.memref_squeeze %dma_wait3A_80 : memref<1x40xi32, #tpu.memory_space<hbm>> -> memref<40xi32, #tpu.memory_space<hbm>>
    %dma_wait3A_82 = arith.constant 0 : i32
    %dma_wait3A_83 = tpu.memref_slice %arg3[%dma_wait3A, %dma_wait3A_82] : memref<2x320000xi32, #tpu.memory_space<hbm>> -> memref<1x40xi32, #tpu.memory_space<hbm>>
    %dma_wait3A_84 = tpu.memref_squeeze %dma_wait3A_83 : memref<1x40xi32, #tpu.memory_space<hbm>> -> memref<40xi32, #tpu.memory_space<hbm>>
    tpu.wait_dma2 semaphore(%arg10 : memref<!tpu.dma_semaphore, #tpu.memory_space<semaphore_mem>>) src(%dma_wait3A_84 : memref<40xi32, #tpu.memory_space<hbm>>) dst(%arg6 : memref<40xi32, #tpu.memory_space<vmem>>)
    %dma_wait3A_85 = arith.constant 0 : i32
    %dma_wait3A_86 = arith.constant 0 : i32
    %dma_wait3A_87 = tpu.memref_slice %arg3[%dma_wait3A_85, %dma_wait3A_86] : memref<2x320000xi32, #tpu.memory_space<hbm>> -> memref<1x40xi32, #tpu.memory_space<hbm>>
    %dma_wait3A_88 = tpu.memref_squeeze %dma_wait3A_87 : memref<1x40xi32, #tpu.memory_space<hbm>> -> memref<40xi32, #tpu.memory_space<hbm>>
    %dma_wait3A_89 = arith.constant 0 : i32
    %dma_wait3A_90 = tpu.memref_slice %arg3[%dma_wait3A_85, %dma_wait3A_89] : memref<2x320000xi32, #tpu.memory_space<hbm>> -> memref<1x40xi32, #tpu.memory_space<hbm>>
    %dma_wait3A_91 = tpu.memref_squeeze %dma_wait3A_90 : memref<1x40xi32, #tpu.memory_space<hbm>> -> memref<40xi32, #tpu.memory_space<hbm>>
    tpu.wait_dma2 semaphore(%arg10 : memref<!tpu.dma_semaphore, #tpu.memory_space<semaphore_mem>>) src(%dma_wait3A_91 : memref<40xi32, #tpu.memory_space<hbm>>) dst(%arg7 : memref<40xi32, #tpu.memory_space<vmem>>)
    %dma_wait3A_92 = arith.constant 1 : i32
    %dma_wait3A_93 = arith.constant 0 : i32
    %dma_wait3A_94 = tpu.memref_slice %arg3[%dma_wait3A_92, %dma_wait3A_93] : memref<2x320000xi32, #tpu.memory_space<hbm>> -> memref<1x80xi32, #tpu.memory_space<hbm>>
    %dma_wait3A_95 = tpu.memref_squeeze %dma_wait3A_94 : memref<1x80xi32, #tpu.memory_space<hbm>> -> memref<80xi32, #tpu.memory_space<hbm>>
    %dma_wait3A_96 = arith.constant 0 : i32
    %dma_wait3A_97 = tpu.memref_slice %arg3[%dma_wait3A_92, %dma_wait3A_96] : memref<2x320000xi32, #tpu.memory_space<hbm>> -> memref<1x80xi32, #tpu.memory_space<hbm>>
    %dma_wait3A_98 = tpu.memref_squeeze %dma_wait3A_97 : memref<1x80xi32, #tpu.memory_space<hbm>> -> memref<80xi32, #tpu.memory_space<hbm>>
    tpu.wait_dma2 semaphore(%arg10 : memref<!tpu.dma_semaphore, #tpu.memory_space<semaphore_mem>>) src(%dma_wait3A_98 : memref<80xi32, #tpu.memory_space<hbm>>) dst(%arg8 : memref<80xi32, #tpu.memory_space<vmem>>)
    %dma_start3A_99 = arith.constant 0 : i32
    %dma_start3A_100 = arith.constant 0 : i32
    %dma_start3A_101 = tpu.memref_slice %arg9[%dma_start3A_99, %dma_start3A_100] : memref<80x128xf32, #tpu.memory_space<vmem>> -> memref<40x128xf32, #tpu.memory_space<vmem>>
    %dma_start3A_102 = arith.constant 0 : i32
    %dma_start3A_103 = arith.constant 0 : i32
    %dma_start3A_104 = tpu.memref_slice %arg2[%dma_start3A_102, %dma_start3A_103] : memref<10000x128xf32, #tpu.memory_space<hbm>> -> memref<10000x128xf32, #tpu.memory_space<hbm>>
    tpu.enqueue_indirect_dma source(%dma_start3A_104 : memref<10000x128xf32, #tpu.memory_space<hbm>>) target(%dma_start3A_101 : memref<40x128xf32, #tpu.memory_space<vmem>>) offsets(%arg6 : memref<40xi32, #tpu.memory_space<vmem>>) semaphore(%arg11 : memref<!tpu.dma_semaphore, #tpu.memory_space<semaphore_mem>>)
    %dma_start3A_105 = arith.constant 40 : i32
    %dma_start3A_106 = arith.constant 0 : i32
    %dma_start3A_107 = tpu.memref_slice %arg9[%dma_start3A_105, %dma_start3A_106] : memref<80x128xf32, #tpu.memory_space<vmem>> -> memref<40x128xf32, #tpu.memory_space<vmem>>
    %dma_start3A_108 = arith.constant 0 : i32
    %dma_start3A_109 = arith.constant 0 : i32
    %dma_start3A_110 = tpu.memref_slice %arg2[%dma_start3A_108, %dma_start3A_109] : memref<10000x128xf32, #tpu.memory_space<hbm>> -> memref<10000x128xf32, #tpu.memory_space<hbm>>
    tpu.enqueue_indirect_dma source(%dma_start3A_110 : memref<10000x128xf32, #tpu.memory_space<hbm>>) target(%dma_start3A_107 : memref<40x128xf32, #tpu.memory_space<vmem>>) offsets(%arg7 : memref<40xi32, #tpu.memory_space<vmem>>) semaphore(%arg11 : memref<!tpu.dma_semaphore, #tpu.memory_space<semaphore_mem>>)
    %dma_wait3A_111 = arith.constant 0 : i32
    %dma_wait3A_112 = arith.constant 0 : i32
    %dma_wait3A_113 = tpu.memref_slice %arg3[%dma_wait3A_111, %dma_wait3A_112] : memref<2x320000xi32, #tpu.memory_space<hbm>> -> memref<1x40xi32, #tpu.memory_space<hbm>>
    %dma_wait3A_114 = tpu.memref_squeeze %dma_wait3A_113 : memref<1x40xi32, #tpu.memory_space<hbm>> -> memref<40xi32, #tpu.memory_space<hbm>>
    %dma_wait3A_115 = arith.constant 0 : i32
    %dma_wait3A_116 = tpu.memref_slice %arg3[%dma_wait3A_111, %dma_wait3A_115] : memref<2x320000xi32, #tpu.memory_space<hbm>> -> memref<1x40xi32, #tpu.memory_space<hbm>>
    %dma_wait3A_117 = tpu.memref_squeeze %dma_wait3A_116 : memref<1x40xi32, #tpu.memory_space<hbm>> -> memref<40xi32, #tpu.memory_space<hbm>>
    tpu.wait_dma2 semaphore(%arg17 : memref<!tpu.dma_semaphore, #tpu.memory_space<semaphore_mem>>) src(%dma_wait3A_117 : memref<40xi32, #tpu.memory_space<hbm>>) dst(%arg13 : memref<40xi32, #tpu.memory_space<vmem>>)
    %dma_wait3A_118 = arith.constant 0 : i32
    %dma_wait3A_119 = arith.constant 0 : i32
    %dma_wait3A_120 = tpu.memref_slice %arg3[%dma_wait3A_118, %dma_wait3A_119] : memref<2x320000xi32, #tpu.memory_space<hbm>> -> memref<1x40xi32, #tpu.memory_space<hbm>>
    %dma_wait3A_121 = tpu.memref_squeeze %dma_wait3A_120 : memref<1x40xi32, #tpu.memory_space<hbm>> -> memref<40xi32, #tpu.memory_space<hbm>>
    %dma_wait3A_122 = arith.constant 0 : i32
    %dma_wait3A_123 = tpu.memref_slice %arg3[%dma_wait3A_118, %dma_wait3A_122] : memref<2x320000xi32, #tpu.memory_space<hbm>> -> memref<1x40xi32, #tpu.memory_space<hbm>>
    %dma_wait3A_124 = tpu.memref_squeeze %dma_wait3A_123 : memref<1x40xi32, #tpu.memory_space<hbm>> -> memref<40xi32, #tpu.memory_space<hbm>>
    tpu.wait_dma2 semaphore(%arg17 : memref<!tpu.dma_semaphore, #tpu.memory_space<semaphore_mem>>) src(%dma_wait3A_124 : memref<40xi32, #tpu.memory_space<hbm>>) dst(%arg14 : memref<40xi32, #tpu.memory_space<vmem>>)
    %dma_wait3A_125 = arith.constant 1 : i32
    %dma_wait3A_126 = arith.constant 0 : i32
    %dma_wait3A_127 = tpu.memref_slice %arg3[%dma_wait3A_125, %dma_wait3A_126] : memref<2x320000xi32, #tpu.memory_space<hbm>> -> memref<1x80xi32, #tpu.memory_space<hbm>>
    %dma_wait3A_128 = tpu.memref_squeeze %dma_wait3A_127 : memref<1x80xi32, #tpu.memory_space<hbm>> -> memref<80xi32, #tpu.memory_space<hbm>>
    %dma_wait3A_129 = arith.constant 0 : i32
    %dma_wait3A_130 = tpu.memref_slice %arg3[%dma_wait3A_125, %dma_wait3A_129] : memref<2x320000xi32, #tpu.memory_space<hbm>> -> memref<1x80xi32, #tpu.memory_space<hbm>>
    %dma_wait3A_131 = tpu.memref_squeeze %dma_wait3A_130 : memref<1x80xi32, #tpu.memory_space<hbm>> -> memref<80xi32, #tpu.memory_space<hbm>>
    tpu.wait_dma2 semaphore(%arg17 : memref<!tpu.dma_semaphore, #tpu.memory_space<semaphore_mem>>) src(%dma_wait3A_131 : memref<80xi32, #tpu.memory_space<hbm>>) dst(%arg15 : memref<80xi32, #tpu.memory_space<vmem>>)
    %dma_start3A_132 = arith.constant 0 : i32
    %dma_start3A_133 = arith.constant 0 : i32
    %dma_start3A_134 = tpu.memref_slice %arg16[%dma_start3A_132, %dma_start3A_133] : memref<80x128xf32, #tpu.memory_space<vmem>> -> memref<40x128xf32, #tpu.memory_space<vmem>>
    %dma_start3A_135 = arith.constant 0 : i32
    %dma_start3A_136 = arith.constant 0 : i32
    %dma_start3A_137 = tpu.memref_slice %arg2[%dma_start3A_135, %dma_start3A_136] : memref<10000x128xf32, #tpu.memory_space<hbm>> -> memref<10000x128xf32, #tpu.memory_space<hbm>>
    tpu.enqueue_indirect_dma source(%dma_start3A_137 : memref<10000x128xf32, #tpu.memory_space<hbm>>) target(%dma_start3A_134 : memref<40x128xf32, #tpu.memory_space<vmem>>) offsets(%arg13 : memref<40xi32, #tpu.memory_space<vmem>>) semaphore(%arg18 : memref<!tpu.dma_semaphore, #tpu.memory_space<semaphore_mem>>)
    %dma_start3A_138 = arith.constant 40 : i32
    %dma_start3A_139 = arith.constant 0 : i32
    %dma_start3A_140 = tpu.memref_slice %arg16[%dma_start3A_138, %dma_start3A_139] : memref<80x128xf32, #tpu.memory_space<vmem>> -> memref<40x128xf32, #tpu.memory_space<vmem>>
    %dma_start3A_141 = arith.constant 0 : i32
    %dma_start3A_142 = arith.constant 0 : i32
    %dma_start3A_143 = tpu.memref_slice %arg2[%dma_start3A_141, %dma_start3A_142] : memref<10000x128xf32, #tpu.memory_space<hbm>> -> memref<10000x128xf32, #tpu.memory_space<hbm>>
    tpu.enqueue_indirect_dma source(%dma_start3A_143 : memref<10000x128xf32, #tpu.memory_space<hbm>>) target(%dma_start3A_140 : memref<40x128xf32, #tpu.memory_space<vmem>>) offsets(%arg14 : memref<40xi32, #tpu.memory_space<vmem>>) semaphore(%arg18 : memref<!tpu.dma_semaphore, #tpu.memory_space<semaphore_mem>>)
    %scan3A_144 = arith.constant 0 : i32
    %scan3A_145 = arith.constant 0 : i32
    %scan3A_146 = arith.constant 31 : i32
    %scan3A_147 = arith.addi %scan3A_145, %scan3A_146 : i32
    %scan3A_148 = arith.constant 1 : i32
    scf.for %scan3A_173 = %scan3A_145 to %scan3A_147 step %scan3A_148  : i32 {
      %mul3A_174 = arith.constant 4 : i32
      %mul3A_175 = arith.muli %scan3A_173, %mul3A_174 : i32
      %add3A_176 = arith.constant 0 : i32
      %add3A_177 = arith.addi %mul3A_175, %add3A_176 : i32
      %add3A_178 = arith.constant 2 : i32
      %add3A_179 = arith.addi %add3A_177, %add3A_178 : i32
      %lt3A_180 = arith.constant 124 : i32
      %lt3A_181 = arith.cmpi slt, %add3A_179, %lt3A_180 : i32
      %convert_element_type3A_182 = arith.extui %lt3A_181 : i1 to i32
      %cond3A_183 = arith.constant 0 : i32
      %cond3A_184 = arith.cmpi ne, %convert_element_type3A_182, %cond3A_183 : i32
      scf.if %cond3A_184 {
        %dma_wait3A_300 = arith.constant 0 : i32
        %dma_wait3A_301 = arith.constant 0 : i32
        %dma_wait3A_302 = tpu.memref_slice %arg3[%dma_wait3A_300, %dma_wait3A_301] : memref<2x320000xi32, #tpu.memory_space<hbm>> -> memref<1x40xi32, #tpu.memory_space<hbm>>
        %dma_wait3A_303 = tpu.memref_squeeze %dma_wait3A_302 : memref<1x40xi32, #tpu.memory_space<hbm>> -> memref<40xi32, #tpu.memory_space<hbm>>
        %dma_wait3A_304 = arith.constant 0 : i32
        %dma_wait3A_305 = tpu.memref_slice %arg3[%dma_wait3A_300, %dma_wait3A_304] : memref<2x320000xi32, #tpu.memory_space<hbm>> -> memref<1x40xi32, #tpu.memory_space<hbm>>
        %dma_wait3A_306 = tpu.memref_squeeze %dma_wait3A_305 : memref<1x40xi32, #tpu.memory_space<hbm>> -> memref<40xi32, #tpu.memory_space<hbm>>
        tpu.wait_dma2 semaphore(%arg24 : memref<!tpu.dma_semaphore, #tpu.memory_space<semaphore_mem>>) src(%dma_wait3A_306 : memref<40xi32, #tpu.memory_space<hbm>>) dst(%arg20 : memref<40xi32, #tpu.memory_space<vmem>>)
        %dma_wait3A_307 = arith.constant 0 : i32
        %dma_wait3A_308 = arith.constant 0 : i32
        %dma_wait3A_309 = tpu.memref_slice %arg3[%dma_wait3A_307, %dma_wait3A_308] : memref<2x320000xi32, #tpu.memory_space<hbm>> -> memref<1x40xi32, #tpu.memory_space<hbm>>
        %dma_wait3A_310 = tpu.memref_squeeze %dma_wait3A_309 : memref<1x40xi32, #tpu.memory_space<hbm>> -> memref<40xi32, #tpu.memory_space<hbm>>
        %dma_wait3A_311 = arith.constant 0 : i32
        %dma_wait3A_312 = tpu.memref_slice %arg3[%dma_wait3A_307, %dma_wait3A_311] : memref<2x320000xi32, #tpu.memory_space<hbm>> -> memref<1x40xi32, #tpu.memory_space<hbm>>
        %dma_wait3A_313 = tpu.memref_squeeze %dma_wait3A_312 : memref<1x40xi32, #tpu.memory_space<hbm>> -> memref<40xi32, #tpu.memory_space<hbm>>
        tpu.wait_dma2 semaphore(%arg24 : memref<!tpu.dma_semaphore, #tpu.memory_space<semaphore_mem>>) src(%dma_wait3A_313 : memref<40xi32, #tpu.memory_space<hbm>>) dst(%arg21 : memref<40xi32, #tpu.memory_space<vmem>>)
        %dma_wait3A_314 = arith.constant 1 : i32
        %dma_wait3A_315 = arith.constant 0 : i32
        %dma_wait3A_316 = tpu.memref_slice %arg3[%dma_wait3A_314, %dma_wait3A_315] : memref<2x320000xi32, #tpu.memory_space<hbm>> -> memref<1x80xi32, #tpu.memory_space<hbm>>
        %dma_wait3A_317 = tpu.memref_squeeze %dma_wait3A_316 : memref<1x80xi32, #tpu.memory_space<hbm>> -> memref<80xi32, #tpu.memory_space<hbm>>
        %dma_wait3A_318 = arith.constant 0 : i32
        %dma_wait3A_319 = tpu.memref_slice %arg3[%dma_wait3A_314, %dma_wait3A_318] : memref<2x320000xi32, #tpu.memory_space<hbm>> -> memref<1x80xi32, #tpu.memory_space<hbm>>
        %dma_wait3A_320 = tpu.memref_squeeze %dma_wait3A_319 : memref<1x80xi32, #tpu.memory_space<hbm>> -> memref<80xi32, #tpu.memory_space<hbm>>
        tpu.wait_dma2 semaphore(%arg24 : memref<!tpu.dma_semaphore, #tpu.memory_space<semaphore_mem>>) src(%dma_wait3A_320 : memref<80xi32, #tpu.memory_space<hbm>>) dst(%arg22 : memref<80xi32, #tpu.memory_space<vmem>>)
        %dma_start3A_321 = arith.constant 0 : i32
        %dma_start3A_322 = arith.constant 0 : i32
        %dma_start3A_323 = tpu.memref_slice %arg23[%dma_start3A_321, %dma_start3A_322] : memref<80x128xf32, #tpu.memory_space<vmem>> -> memref<40x128xf32, #tpu.memory_space<vmem>>
        %dma_start3A_324 = arith.constant 0 : i32
        %dma_start3A_325 = arith.constant 0 : i32
        %dma_start3A_326 = tpu.memref_slice %arg2[%dma_start3A_324, %dma_start3A_325] : memref<10000x128xf32, #tpu.memory_space<hbm>> -> memref<10000x128xf32, #tpu.memory_space<hbm>>
        tpu.enqueue_indirect_dma source(%dma_start3A_326 : memref<10000x128xf32, #tpu.memory_space<hbm>>) target(%dma_start3A_323 : memref<40x128xf32, #tpu.memory_space<vmem>>) offsets(%arg20 : memref<40xi32, #tpu.memory_space<vmem>>) semaphore(%arg25 : memref<!tpu.dma_semaphore, #tpu.memory_space<semaphore_mem>>)
        %dma_start3A_327 = arith.constant 40 : i32
        %dma_start3A_328 = arith.constant 0 : i32
        %dma_start3A_329 = tpu.memref_slice %arg23[%dma_start3A_327, %dma_start3A_328] : memref<80x128xf32, #tpu.memory_space<vmem>> -> memref<40x128xf32, #tpu.memory_space<vmem>>
        %dma_start3A_330 = arith.constant 0 : i32
        %dma_start3A_331 = arith.constant 0 : i32
        %dma_start3A_332 = tpu.memref_slice %arg2[%dma_start3A_330, %dma_start3A_331] : memref<10000x128xf32, #tpu.memory_space<hbm>> -> memref<10000x128xf32, #tpu.memory_space<hbm>>
        tpu.enqueue_indirect_dma source(%dma_start3A_332 : memref<10000x128xf32, #tpu.memory_space<hbm>>) target(%dma_start3A_329 : memref<40x128xf32, #tpu.memory_space<vmem>>) offsets(%arg21 : memref<40xi32, #tpu.memory_space<vmem>>) semaphore(%arg25 : memref<!tpu.dma_semaphore, #tpu.memory_space<semaphore_mem>>)
      } else {
      }
      %dma_wait3A_185 = arith.constant 0 : i32
      %dma_wait3A_186 = arith.constant 0 : i32
      %dma_wait3A_187 = tpu.memref_slice %arg9[%dma_wait3A_185, %dma_wait3A_186] : memref<80x128xf32, #tpu.memory_space<vmem>> -> memref<40x128xf32, #tpu.memory_space<vmem>>
      %dma_wait3A_188 = arith.constant 0 : i32
      %dma_wait3A_189 = arith.constant 0 : i32
      %dma_wait3A_190 = tpu.memref_slice %arg2[%dma_wait3A_188, %dma_wait3A_189] : memref<10000x128xf32, #tpu.memory_space<hbm>> -> memref<10000x128xf32, #tpu.memory_space<hbm>>
      tpu.wait_indirect_dma semaphore(%arg11 : memref<!tpu.dma_semaphore, #tpu.memory_space<semaphore_mem>>) src(%dma_wait3A_190 : memref<10000x128xf32, #tpu.memory_space<hbm>>) dst(%dma_wait3A_187 : memref<40x128xf32, #tpu.memory_space<vmem>>)
      %dma_wait3A_191 = arith.constant 40 : i32
      %dma_wait3A_192 = arith.constant 0 : i32
      %dma_wait3A_193 = tpu.memref_slice %arg9[%dma_wait3A_191, %dma_wait3A_192] : memref<80x128xf32, #tpu.memory_space<vmem>> -> memref<40x128xf32, #tpu.memory_space<vmem>>
      %dma_wait3A_194 = arith.constant 0 : i32
      %dma_wait3A_195 = arith.constant 0 : i32
      %dma_wait3A_196 = tpu.memref_slice %arg2[%dma_wait3A_194, %dma_wait3A_195] : memref<10000x128xf32, #tpu.memory_space<hbm>> -> memref<10000x128xf32, #tpu.memory_space<hbm>>
      tpu.wait_indirect_dma semaphore(%arg11 : memref<!tpu.dma_semaphore, #tpu.memory_space<semaphore_mem>>) src(%dma_wait3A_196 : memref<10000x128xf32, #tpu.memory_space<hbm>>) dst(%dma_wait3A_193 : memref<40x128xf32, #tpu.memory_space<vmem>>)
      %dma_start3A_197 = arith.constant 0 : i32
      %dma_start3A_198 = arith.constant 0 : i32
      %dma_start3A_199 = tpu.memref_slice %arg5[%dma_start3A_197, %dma_start3A_198] : memref<10000x128xf32, #tpu.memory_space<vmem_shared>> -> memref<10000x128xf32, #tpu.memory_space<vmem_shared>>
      tpu.enqueue_indirect_dma source(%arg9 : memref<80x128xf32, #tpu.memory_space<vmem>>) target(%dma_start3A_199 : memref<10000x128xf32, #tpu.memory_space<vmem_shared>>) offsets(%arg8 : memref<80xi32, #tpu.memory_space<vmem>>) semaphore(%arg12 : memref<!tpu.dma_semaphore, #tpu.memory_space<semaphore_mem>>) {add = true}
      %add3A_200 = arith.constant 3 : i32
      %add3A_201 = arith.addi %add3A_177, %add3A_200 : i32
      %lt3A_202 = arith.constant 124 : i32
      %lt3A_203 = arith.cmpi slt, %add3A_201, %lt3A_202 : i32
      %convert_element_type3A_204 = arith.extui %lt3A_203 : i1 to i32
      %cond3A_205 = arith.constant 0 : i32
      %cond3A_206 = arith.cmpi ne, %convert_element_type3A_204, %cond3A_205 : i32
      scf.if %cond3A_206 {
        %add3A_300 = arith.constant 3 : i32
        %add3A_301 = arith.addi %add3A_177, %add3A_300 : i32
        %ge3A = arith.constant 4 : i32
        %ge3A_302 = arith.cmpi sge, %add3A_301, %ge3A : i32
        %convert_element_type3A_303 = arith.extui %ge3A_302 : i1 to i32
        %cond3A_304 = arith.constant 0 : i32
        %cond3A_305 = arith.cmpi ne, %convert_element_type3A_303, %cond3A_304 : i32
        scf.if %cond3A_305 {
          %dma_wait3A_328 = arith.constant 0 : i32
          %dma_wait3A_329 = arith.constant 0 : i32
          %dma_wait3A_330 = tpu.memref_slice %arg5[%dma_wait3A_328, %dma_wait3A_329] : memref<10000x128xf32, #tpu.memory_space<vmem_shared>> -> memref<10000x128xf32, #tpu.memory_space<vmem_shared>>
          tpu.wait_indirect_dma semaphore(%arg33 : memref<!tpu.dma_semaphore, #tpu.memory_space<semaphore_mem>>) src(%arg30 : memref<80x128xf32, #tpu.memory_space<vmem>>) dst(%dma_wait3A_330 : memref<10000x128xf32, #tpu.memory_space<vmem_shared>>)
        } else {
        }
        %add3A_306 = arith.addi %mul3A_2, %add3A_177 : i32
        %add3A_307 = arith.constant 3 : i32
        %add3A_308 = arith.addi %add3A_306, %add3A_307 : i32
        %mul3A_309 = arith.constant 80 : i32
        %mul3A_310 = arith.muli %add3A_308, %mul3A_309 : i32
        %dma_start3A_311 = arith.constant 0 : i32
        %dma_start3A_312 = tpu.memref_slice %arg3[%dma_start3A_311, %mul3A_310] : memref<2x320000xi32, #tpu.memory_space<hbm>> -> memref<1x40xi32, #tpu.memory_space<hbm>>
        %dma_start3A_313 = tpu.memref_squeeze %dma_start3A_312 : memref<1x40xi32, #tpu.memory_space<hbm>> -> memref<40xi32, #tpu.memory_space<hbm>>
        %dma_start3A_314 = tpu.memref_slice %arg3[%dma_start3A_311, %mul3A_310] : memref<2x320000xi32, #tpu.memory_space<hbm>> -> memref<1x40xi32, #tpu.memory_space<hbm>>
        %dma_start3A_315 = tpu.memref_squeeze %dma_start3A_314 : memref<1x40xi32, #tpu.memory_space<hbm>> -> memref<40xi32, #tpu.memory_space<hbm>>
        tpu.enqueue_dma source(%dma_start3A_315 : memref<40xi32, #tpu.memory_space<hbm>>) target(%arg27 : memref<40xi32, #tpu.memory_space<vmem>>) target_semaphore(%arg31 : memref<!tpu.dma_semaphore, #tpu.memory_space<semaphore_mem>>)
        %add3A_316 = arith.constant 40 : i32
        %add3A_317 = arith.addi %mul3A_310, %add3A_316 : i32
        %dma_start3A_318 = arith.constant 0 : i32
        %dma_start3A_319 = tpu.memref_slice %arg3[%dma_start3A_318, %add3A_317] : memref<2x320000xi32, #tpu.memory_space<hbm>> -> memref<1x40xi32, #tpu.memory_space<hbm>>
        %dma_start3A_320 = tpu.memref_squeeze %dma_start3A_319 : memref<1x40xi32, #tpu.memory_space<hbm>> -> memref<40xi32, #tpu.memory_space<hbm>>
        %dma_start3A_321 = tpu.memref_slice %arg3[%dma_start3A_318, %add3A_317] : memref<2x320000xi32, #tpu.memory_space<hbm>> -> memref<1x40xi32, #tpu.memory_space<hbm>>
        %dma_start3A_322 = tpu.memref_squeeze %dma_start3A_321 : memref<1x40xi32, #tpu.memory_space<hbm>> -> memref<40xi32, #tpu.memory_space<hbm>>
        tpu.enqueue_dma source(%dma_start3A_322 : memref<40xi32, #tpu.memory_space<hbm>>) target(%arg28 : memref<40xi32, #tpu.memory_space<vmem>>) target_semaphore(%arg31 : memref<!tpu.dma_semaphore, #tpu.memory_space<semaphore_mem>>)
        %dma_start3A_323 = arith.constant 1 : i32
        %dma_start3A_324 = tpu.memref_slice %arg3[%dma_start3A_323, %mul3A_310] : memref<2x320000xi32, #tpu.memory_space<hbm>> -> memref<1x80xi32, #tpu.memory_space<hbm>>
        %dma_start3A_325 = tpu.memref_squeeze %dma_start3A_324 : memref<1x80xi32, #tpu.memory_space<hbm>> -> memref<80xi32, #tpu.memory_space<hbm>>
        %dma_start3A_326 = tpu.memref_slice %arg3[%dma_start3A_323, %mul3A_310] : memref<2x320000xi32, #tpu.memory_space<hbm>> -> memref<1x80xi32, #tpu.memory_space<hbm>>
        %dma_start3A_327 = tpu.memref_squeeze %dma_start3A_326 : memref<1x80xi32, #tpu.memory_space<hbm>> -> memref<80xi32, #tpu.memory_space<hbm>>
        tpu.enqueue_dma source(%dma_start3A_327 : memref<80xi32, #tpu.memory_space<hbm>>) target(%arg29 : memref<80xi32, #tpu.memory_space<vmem>>) target_semaphore(%arg31 : memref<!tpu.dma_semaphore, #tpu.memory_space<semaphore_mem>>)
      } else {
      }
      %add3A_207 = arith.constant 1 : i32
      %add3A_208 = arith.addi %mul3A_175, %add3A_207 : i32
      %add3A_209 = arith.constant 2 : i32
      %add3A_210 = arith.addi %add3A_208, %add3A_209 : i32
      %lt3A_211 = arith.constant 124 : i32
      %lt3A_212 = arith.cmpi slt, %add3A_210, %lt3A_211 : i32
      %convert_element_type3A_213 = arith.extui %lt3A_212 : i1 to i32
      %cond3A_214 = arith.constant 0 : i32
      %cond3A_215 = arith.cmpi ne, %convert_element_type3A_213, %cond3A_214 : i32
      scf.if %cond3A_215 {
        %dma_wait3A_300 = arith.constant 0 : i32
        %dma_wait3A_301 = arith.constant 0 : i32
        %dma_wait3A_302 = tpu.memref_slice %arg3[%dma_wait3A_300, %dma_wait3A_301] : memref<2x320000xi32, #tpu.memory_space<hbm>> -> memref<1x40xi32, #tpu.memory_space<hbm>>
        %dma_wait3A_303 = tpu.memref_squeeze %dma_wait3A_302 : memref<1x40xi32, #tpu.memory_space<hbm>> -> memref<40xi32, #tpu.memory_space<hbm>>
        %dma_wait3A_304 = arith.constant 0 : i32
        %dma_wait3A_305 = tpu.memref_slice %arg3[%dma_wait3A_300, %dma_wait3A_304] : memref<2x320000xi32, #tpu.memory_space<hbm>> -> memref<1x40xi32, #tpu.memory_space<hbm>>
        %dma_wait3A_306 = tpu.memref_squeeze %dma_wait3A_305 : memref<1x40xi32, #tpu.memory_space<hbm>> -> memref<40xi32, #tpu.memory_space<hbm>>
        tpu.wait_dma2 semaphore(%arg31 : memref<!tpu.dma_semaphore, #tpu.memory_space<semaphore_mem>>) src(%dma_wait3A_306 : memref<40xi32, #tpu.memory_space<hbm>>) dst(%arg27 : memref<40xi32, #tpu.memory_space<vmem>>)
        %dma_wait3A_307 = arith.constant 0 : i32
        %dma_wait3A_308 = arith.constant 0 : i32
        %dma_wait3A_309 = tpu.memref_slice %arg3[%dma_wait3A_307, %dma_wait3A_308] : memref<2x320000xi32, #tpu.memory_space<hbm>> -> memref<1x40xi32, #tpu.memory_space<hbm>>
        %dma_wait3A_310 = tpu.memref_squeeze %dma_wait3A_309 : memref<1x40xi32, #tpu.memory_space<hbm>> -> memref<40xi32, #tpu.memory_space<hbm>>
        %dma_wait3A_311 = arith.constant 0 : i32
        %dma_wait3A_312 = tpu.memref_slice %arg3[%dma_wait3A_307, %dma_wait3A_311] : memref<2x320000xi32, #tpu.memory_space<hbm>> -> memref<1x40xi32, #tpu.memory_space<hbm>>
        %dma_wait3A_313 = tpu.memref_squeeze %dma_wait3A_312 : memref<1x40xi32, #tpu.memory_space<hbm>> -> memref<40xi32, #tpu.memory_space<hbm>>
        tpu.wait_dma2 semaphore(%arg31 : memref<!tpu.dma_semaphore, #tpu.memory_space<semaphore_mem>>) src(%dma_wait3A_313 : memref<40xi32, #tpu.memory_space<hbm>>) dst(%arg28 : memref<40xi32, #tpu.memory_space<vmem>>)
        %dma_wait3A_314 = arith.constant 1 : i32
        %dma_wait3A_315 = arith.constant 0 : i32
        %dma_wait3A_316 = tpu.memref_slice %arg3[%dma_wait3A_314, %dma_wait3A_315] : memref<2x320000xi32, #tpu.memory_space<hbm>> -> memref<1x80xi32, #tpu.memory_space<hbm>>
        %dma_wait3A_317 = tpu.memref_squeeze %dma_wait3A_316 : memref<1x80xi32, #tpu.memory_space<hbm>> -> memref<80xi32, #tpu.memory_space<hbm>>
        %dma_wait3A_318 = arith.constant 0 : i32
        %dma_wait3A_319 = tpu.memref_slice %arg3[%dma_wait3A_314, %dma_wait3A_318] : memref<2x320000xi32, #tpu.memory_space<hbm>> -> memref<1x80xi32, #tpu.memory_space<hbm>>
        %dma_wait3A_320 = tpu.memref_squeeze %dma_wait3A_319 : memref<1x80xi32, #tpu.memory_space<hbm>> -> memref<80xi32, #tpu.memory_space<hbm>>
        tpu.wait_dma2 semaphore(%arg31 : memref<!tpu.dma_semaphore, #tpu.memory_space<semaphore_mem>>) src(%dma_wait3A_320 : memref<80xi32, #tpu.memory_space<hbm>>) dst(%arg29 : memref<80xi32, #tpu.memory_space<vmem>>)
        %dma_start3A_321 = arith.constant 0 : i32
        %dma_start3A_322 = arith.constant 0 : i32
        %dma_start3A_323 = tpu.memref_slice %arg30[%dma_start3A_321, %dma_start3A_322] : memref<80x128xf32, #tpu.memory_space<vmem>> -> memref<40x128xf32, #tpu.memory_space<vmem>>
        %dma_start3A_324 = arith.constant 0 : i32
        %dma_start3A_325 = arith.constant 0 : i32
        %dma_start3A_326 = tpu.memref_slice %arg2[%dma_start3A_324, %dma_start3A_325] : memref<10000x128xf32, #tpu.memory_space<hbm>> -> memref<10000x128xf32, #tpu.memory_space<hbm>>
        tpu.enqueue_indirect_dma source(%dma_start3A_326 : memref<10000x128xf32, #tpu.memory_space<hbm>>) target(%dma_start3A_323 : memref<40x128xf32, #tpu.memory_space<vmem>>) offsets(%arg27 : memref<40xi32, #tpu.memory_space<vmem>>) semaphore(%arg32 : memref<!tpu.dma_semaphore, #tpu.memory_space<semaphore_mem>>)
        %dma_start3A_327 = arith.constant 40 : i32
        %dma_start3A_328 = arith.constant 0 : i32
        %dma_start3A_329 = tpu.memref_slice %arg30[%dma_start3A_327, %dma_start3A_328] : memref<80x128xf32, #tpu.memory_space<vmem>> -> memref<40x128xf32, #tpu.memory_space<vmem>>
        %dma_start3A_330 = arith.constant 0 : i32
        %dma_start3A_331 = arith.constant 0 : i32
        %dma_start3A_332 = tpu.memref_slice %arg2[%dma_start3A_330, %dma_start3A_331] : memref<10000x128xf32, #tpu.memory_space<hbm>> -> memref<10000x128xf32, #tpu.memory_space<hbm>>
        tpu.enqueue_indirect_dma source(%dma_start3A_332 : memref<10000x128xf32, #tpu.memory_space<hbm>>) target(%dma_start3A_329 : memref<40x128xf32, #tpu.memory_space<vmem>>) offsets(%arg28 : memref<40xi32, #tpu.memory_space<vmem>>) semaphore(%arg32 : memref<!tpu.dma_semaphore, #tpu.memory_space<semaphore_mem>>)
      } else {
      }
      %dma_wait3A_216 = arith.constant 0 : i32
      %dma_wait3A_217 = arith.constant 0 : i32
      %dma_wait3A_218 = tpu.memref_slice %arg16[%dma_wait3A_216, %dma_wait3A_217] : memref<80x128xf32, #tpu.memory_space<vmem>> -> memref<40x128xf32, #tpu.memory_space<vmem>>
      %dma_wait3A_219 = arith.constant 0 : i32
      %dma_wait3A_220 = arith.constant 0 : i32
      %dma_wait3A_221 = tpu.memref_slice %arg2[%dma_wait3A_219, %dma_wait3A_220] : memref<10000x128xf32, #tpu.memory_space<hbm>> -> memref<10000x128xf32, #tpu.memory_space<hbm>>
      tpu.wait_indirect_dma semaphore(%arg18 : memref<!tpu.dma_semaphore, #tpu.memory_space<semaphore_mem>>) src(%dma_wait3A_221 : memref<10000x128xf32, #tpu.memory_space<hbm>>) dst(%dma_wait3A_218 : memref<40x128xf32, #tpu.memory_space<vmem>>)
      %dma_wait3A_222 = arith.constant 40 : i32
      %dma_wait3A_223 = arith.constant 0 : i32
      %dma_wait3A_224 = tpu.memref_slice %arg16[%dma_wait3A_222, %dma_wait3A_223] : memref<80x128xf32, #tpu.memory_space<vmem>> -> memref<40x128xf32, #tpu.memory_space<vmem>>
      %dma_wait3A_225 = arith.constant 0 : i32
      %dma_wait3A_226 = arith.constant 0 : i32
      %dma_wait3A_227 = tpu.memref_slice %arg2[%dma_wait3A_225, %dma_wait3A_226] : memref<10000x128xf32, #tpu.memory_space<hbm>> -> memref<10000x128xf32, #tpu.memory_space<hbm>>
      tpu.wait_indirect_dma semaphore(%arg18 : memref<!tpu.dma_semaphore, #tpu.memory_space<semaphore_mem>>) src(%dma_wait3A_227 : memref<10000x128xf32, #tpu.memory_space<hbm>>) dst(%dma_wait3A_224 : memref<40x128xf32, #tpu.memory_space<vmem>>)
      %dma_start3A_228 = arith.constant 0 : i32
      %dma_start3A_229 = arith.constant 0 : i32
      %dma_start3A_230 = tpu.memref_slice %arg5[%dma_start3A_228, %dma_start3A_229] : memref<10000x128xf32, #tpu.memory_space<vmem_shared>> -> memref<10000x128xf32, #tpu.memory_space<vmem_shared>>
      tpu.enqueue_indirect_dma source(%arg16 : memref<80x128xf32, #tpu.memory_space<vmem>>) target(%dma_start3A_230 : memref<10000x128xf32, #tpu.memory_space<vmem_shared>>) offsets(%arg15 : memref<80xi32, #tpu.memory_space<vmem>>) semaphore(%arg19 : memref<!tpu.dma_semaphore, #tpu.memory_space<semaphore_mem>>) {add = true}
      %add3A_231 = arith.constant 3 : i32
      %add3A_232 = arith.addi %add3A_208, %add3A_231 : i32
      %lt3A_233 = arith.constant 124 : i32
      %lt3A_234 = arith.cmpi slt, %add3A_232, %lt3A_233 : i32
      %convert_element_type3A_235 = arith.extui %lt3A_234 : i1 to i32
      %cond3A_236 = arith.constant 0 : i32
      %cond3A_237 = arith.cmpi ne, %convert_element_type3A_235, %cond3A_236 : i32
      scf.if %cond3A_237 {
        %add3A_300 = arith.constant 3 : i32
        %add3A_301 = arith.addi %add3A_208, %add3A_300 : i32
        %ge3A = arith.constant 4 : i32
        %ge3A_302 = arith.cmpi sge, %add3A_301, %ge3A : i32
        %convert_element_type3A_303 = arith.extui %ge3A_302 : i1 to i32
        %cond3A_304 = arith.constant 0 : i32
        %cond3A_305 = arith.cmpi ne, %convert_element_type3A_303, %cond3A_304 : i32
        scf.if %cond3A_305 {
          %dma_wait3A_328 = arith.constant 0 : i32
          %dma_wait3A_329 = arith.constant 0 : i32
          %dma_wait3A_330 = tpu.memref_slice %arg5[%dma_wait3A_328, %dma_wait3A_329] : memref<10000x128xf32, #tpu.memory_space<vmem_shared>> -> memref<10000x128xf32, #tpu.memory_space<vmem_shared>>
          tpu.wait_indirect_dma semaphore(%arg12 : memref<!tpu.dma_semaphore, #tpu.memory_space<semaphore_mem>>) src(%arg9 : memref<80x128xf32, #tpu.memory_space<vmem>>) dst(%dma_wait3A_330 : memref<10000x128xf32, #tpu.memory_space<vmem_shared>>)
        } else {
        }
        %add3A_306 = arith.addi %mul3A_2, %add3A_208 : i32
        %add3A_307 = arith.constant 3 : i32
        %add3A_308 = arith.addi %add3A_306, %add3A_307 : i32
        %mul3A_309 = arith.constant 80 : i32
        %mul3A_310 = arith.muli %add3A_308, %mul3A_309 : i32
        %dma_start3A_311 = arith.constant 0 : i32
        %dma_start3A_312 = tpu.memref_slice %arg3[%dma_start3A_311, %mul3A_310] : memref<2x320000xi32, #tpu.memory_space<hbm>> -> memref<1x40xi32, #tpu.memory_space<hbm>>
        %dma_start3A_313 = tpu.memref_squeeze %dma_start3A_312 : memref<1x40xi32, #tpu.memory_space<hbm>> -> memref<40xi32, #tpu.memory_space<hbm>>
        %dma_start3A_314 = tpu.memref_slice %arg3[%dma_start3A_311, %mul3A_310] : memref<2x320000xi32, #tpu.memory_space<hbm>> -> memref<1x40xi32, #tpu.memory_space<hbm>>
        %dma_start3A_315 = tpu.memref_squeeze %dma_start3A_314 : memref<1x40xi32, #tpu.memory_space<hbm>> -> memref<40xi32, #tpu.memory_space<hbm>>
        tpu.enqueue_dma source(%dma_start3A_315 : memref<40xi32, #tpu.memory_space<hbm>>) target(%arg6 : memref<40xi32, #tpu.memory_space<vmem>>) target_semaphore(%arg10 : memref<!tpu.dma_semaphore, #tpu.memory_space<semaphore_mem>>)
        %add3A_316 = arith.constant 40 : i32
        %add3A_317 = arith.addi %mul3A_310, %add3A_316 : i32
        %dma_start3A_318 = arith.constant 0 : i32
        %dma_start3A_319 = tpu.memref_slice %arg3[%dma_start3A_318, %add3A_317] : memref<2x320000xi32, #tpu.memory_space<hbm>> -> memref<1x40xi32, #tpu.memory_space<hbm>>
        %dma_start3A_320 = tpu.memref_squeeze %dma_start3A_319 : memref<1x40xi32, #tpu.memory_space<hbm>> -> memref<40xi32, #tpu.memory_space<hbm>>
        %dma_start3A_321 = tpu.memref_slice %arg3[%dma_start3A_318, %add3A_317] : memref<2x320000xi32, #tpu.memory_space<hbm>> -> memref<1x40xi32, #tpu.memory_space<hbm>>
        %dma_start3A_322 = tpu.memref_squeeze %dma_start3A_321 : memref<1x40xi32, #tpu.memory_space<hbm>> -> memref<40xi32, #tpu.memory_space<hbm>>
        tpu.enqueue_dma source(%dma_start3A_322 : memref<40xi32, #tpu.memory_space<hbm>>) target(%arg7 : memref<40xi32, #tpu.memory_space<vmem>>) target_semaphore(%arg10 : memref<!tpu.dma_semaphore, #tpu.memory_space<semaphore_mem>>)
        %dma_start3A_323 = arith.constant 1 : i32
        %dma_start3A_324 = tpu.memref_slice %arg3[%dma_start3A_323, %mul3A_310] : memref<2x320000xi32, #tpu.memory_space<hbm>> -> memref<1x80xi32, #tpu.memory_space<hbm>>
        %dma_start3A_325 = tpu.memref_squeeze %dma_start3A_324 : memref<1x80xi32, #tpu.memory_space<hbm>> -> memref<80xi32, #tpu.memory_space<hbm>>
        %dma_start3A_326 = tpu.memref_slice %arg3[%dma_start3A_323, %mul3A_310] : memref<2x320000xi32, #tpu.memory_space<hbm>> -> memref<1x80xi32, #tpu.memory_space<hbm>>
        %dma_start3A_327 = tpu.memref_squeeze %dma_start3A_326 : memref<1x80xi32, #tpu.memory_space<hbm>> -> memref<80xi32, #tpu.memory_space<hbm>>
        tpu.enqueue_dma source(%dma_start3A_327 : memref<80xi32, #tpu.memory_space<hbm>>) target(%arg8 : memref<80xi32, #tpu.memory_space<vmem>>) target_semaphore(%arg10 : memref<!tpu.dma_semaphore, #tpu.memory_space<semaphore_mem>>)
      } else {
      }
      %add3A_238 = arith.constant 2 : i32
      %add3A_239 = arith.addi %mul3A_175, %add3A_238 : i32
      %add3A_240 = arith.constant 2 : i32
      %add3A_241 = arith.addi %add3A_239, %add3A_240 : i32
      %lt3A_242 = arith.constant 124 : i32
      %lt3A_243 = arith.cmpi slt, %add3A_241, %lt3A_242 : i32
      %convert_element_type3A_244 = arith.extui %lt3A_243 : i1 to i32
      %cond3A_245 = arith.constant 0 : i32
      %cond3A_246 = arith.cmpi ne, %convert_element_type3A_244, %cond3A_245 : i32
      scf.if %cond3A_246 {
        %dma_wait3A_300 = arith.constant 0 : i32
        %dma_wait3A_301 = arith.constant 0 : i32
        %dma_wait3A_302 = tpu.memref_slice %arg3[%dma_wait3A_300, %dma_wait3A_301] : memref<2x320000xi32, #tpu.memory_space<hbm>> -> memref<1x40xi32, #tpu.memory_space<hbm>>
        %dma_wait3A_303 = tpu.memref_squeeze %dma_wait3A_302 : memref<1x40xi32, #tpu.memory_space<hbm>> -> memref<40xi32, #tpu.memory_space<hbm>>
        %dma_wait3A_304 = arith.constant 0 : i32
        %dma_wait3A_305 = tpu.memref_slice %arg3[%dma_wait3A_300, %dma_wait3A_304] : memref<2x320000xi32, #tpu.memory_space<hbm>> -> memref<1x40xi32, #tpu.memory_space<hbm>>
        %dma_wait3A_306 = tpu.memref_squeeze %dma_wait3A_305 : memref<1x40xi32, #tpu.memory_space<hbm>> -> memref<40xi32, #tpu.memory_space<hbm>>
        tpu.wait_dma2 semaphore(%arg10 : memref<!tpu.dma_semaphore, #tpu.memory_space<semaphore_mem>>) src(%dma_wait3A_306 : memref<40xi32, #tpu.memory_space<hbm>>) dst(%arg6 : memref<40xi32, #tpu.memory_space<vmem>>)
        %dma_wait3A_307 = arith.constant 0 : i32
        %dma_wait3A_308 = arith.constant 0 : i32
        %dma_wait3A_309 = tpu.memref_slice %arg3[%dma_wait3A_307, %dma_wait3A_308] : memref<2x320000xi32, #tpu.memory_space<hbm>> -> memref<1x40xi32, #tpu.memory_space<hbm>>
        %dma_wait3A_310 = tpu.memref_squeeze %dma_wait3A_309 : memref<1x40xi32, #tpu.memory_space<hbm>> -> memref<40xi32, #tpu.memory_space<hbm>>
        %dma_wait3A_311 = arith.constant 0 : i32
        %dma_wait3A_312 = tpu.memref_slice %arg3[%dma_wait3A_307, %dma_wait3A_311] : memref<2x320000xi32, #tpu.memory_space<hbm>> -> memref<1x40xi32, #tpu.memory_space<hbm>>
        %dma_wait3A_313 = tpu.memref_squeeze %dma_wait3A_312 : memref<1x40xi32, #tpu.memory_space<hbm>> -> memref<40xi32, #tpu.memory_space<hbm>>
        tpu.wait_dma2 semaphore(%arg10 : memref<!tpu.dma_semaphore, #tpu.memory_space<semaphore_mem>>) src(%dma_wait3A_313 : memref<40xi32, #tpu.memory_space<hbm>>) dst(%arg7 : memref<40xi32, #tpu.memory_space<vmem>>)
        %dma_wait3A_314 = arith.constant 1 : i32
        %dma_wait3A_315 = arith.constant 0 : i32
        %dma_wait3A_316 = tpu.memref_slice %arg3[%dma_wait3A_314, %dma_wait3A_315] : memref<2x320000xi32, #tpu.memory_space<hbm>> -> memref<1x80xi32, #tpu.memory_space<hbm>>
        %dma_wait3A_317 = tpu.memref_squeeze %dma_wait3A_316 : memref<1x80xi32, #tpu.memory_space<hbm>> -> memref<80xi32, #tpu.memory_space<hbm>>
        %dma_wait3A_318 = arith.constant 0 : i32
        %dma_wait3A_319 = tpu.memref_slice %arg3[%dma_wait3A_314, %dma_wait3A_318] : memref<2x320000xi32, #tpu.memory_space<hbm>> -> memref<1x80xi32, #tpu.memory_space<hbm>>
        %dma_wait3A_320 = tpu.memref_squeeze %dma_wait3A_319 : memref<1x80xi32, #tpu.memory_space<hbm>> -> memref<80xi32, #tpu.memory_space<hbm>>
        tpu.wait_dma2 semaphore(%arg10 : memref<!tpu.dma_semaphore, #tpu.memory_space<semaphore_mem>>) src(%dma_wait3A_320 : memref<80xi32, #tpu.memory_space<hbm>>) dst(%arg8 : memref<80xi32, #tpu.memory_space<vmem>>)
        %dma_start3A_321 = arith.constant 0 : i32
        %dma_start3A_322 = arith.constant 0 : i32
        %dma_start3A_323 = tpu.memref_slice %arg9[%dma_start3A_321, %dma_start3A_322] : memref<80x128xf32, #tpu.memory_space<vmem>> -> memref<40x128xf32, #tpu.memory_space<vmem>>
        %dma_start3A_324 = arith.constant 0 : i32
        %dma_start3A_325 = arith.constant 0 : i32
        %dma_start3A_326 = tpu.memref_slice %arg2[%dma_start3A_324, %dma_start3A_325] : memref<10000x128xf32, #tpu.memory_space<hbm>> -> memref<10000x128xf32, #tpu.memory_space<hbm>>
        tpu.enqueue_indirect_dma source(%dma_start3A_326 : memref<10000x128xf32, #tpu.memory_space<hbm>>) target(%dma_start3A_323 : memref<40x128xf32, #tpu.memory_space<vmem>>) offsets(%arg6 : memref<40xi32, #tpu.memory_space<vmem>>) semaphore(%arg11 : memref<!tpu.dma_semaphore, #tpu.memory_space<semaphore_mem>>)
        %dma_start3A_327 = arith.constant 40 : i32
        %dma_start3A_328 = arith.constant 0 : i32
        %dma_start3A_329 = tpu.memref_slice %arg9[%dma_start3A_327, %dma_start3A_328] : memref<80x128xf32, #tpu.memory_space<vmem>> -> memref<40x128xf32, #tpu.memory_space<vmem>>
        %dma_start3A_330 = arith.constant 0 : i32
        %dma_start3A_331 = arith.constant 0 : i32
        %dma_start3A_332 = tpu.memref_slice %arg2[%dma_start3A_330, %dma_start3A_331] : memref<10000x128xf32, #tpu.memory_space<hbm>> -> memref<10000x128xf32, #tpu.memory_space<hbm>>
        tpu.enqueue_indirect_dma source(%dma_start3A_332 : memref<10000x128xf32, #tpu.memory_space<hbm>>) target(%dma_start3A_329 : memref<40x128xf32, #tpu.memory_space<vmem>>) offsets(%arg7 : memref<40xi32, #tpu.memory_space<vmem>>) semaphore(%arg11 : memref<!tpu.dma_semaphore, #tpu.memory_space<semaphore_mem>>)
      } else {
      }
      %dma_wait3A_247 = arith.constant 0 : i32
      %dma_wait3A_248 = arith.constant 0 : i32
      %dma_wait3A_249 = tpu.memref_slice %arg23[%dma_wait3A_247, %dma_wait3A_248] : memref<80x128xf32, #tpu.memory_space<vmem>> -> memref<40x128xf32, #tpu.memory_space<vmem>>
      %dma_wait3A_250 = arith.constant 0 : i32
      %dma_wait3A_251 = arith.constant 0 : i32
      %dma_wait3A_252 = tpu.memref_slice %arg2[%dma_wait3A_250, %dma_wait3A_251] : memref<10000x128xf32, #tpu.memory_space<hbm>> -> memref<10000x128xf32, #tpu.memory_space<hbm>>
      tpu.wait_indirect_dma semaphore(%arg25 : memref<!tpu.dma_semaphore, #tpu.memory_space<semaphore_mem>>) src(%dma_wait3A_252 : memref<10000x128xf32, #tpu.memory_space<hbm>>) dst(%dma_wait3A_249 : memref<40x128xf32, #tpu.memory_space<vmem>>)
      %dma_wait3A_253 = arith.constant 40 : i32
      %dma_wait3A_254 = arith.constant 0 : i32
      %dma_wait3A_255 = tpu.memref_slice %arg23[%dma_wait3A_253, %dma_wait3A_254] : memref<80x128xf32, #tpu.memory_space<vmem>> -> memref<40x128xf32, #tpu.memory_space<vmem>>
      %dma_wait3A_256 = arith.constant 0 : i32
      %dma_wait3A_257 = arith.constant 0 : i32
      %dma_wait3A_258 = tpu.memref_slice %arg2[%dma_wait3A_256, %dma_wait3A_257] : memref<10000x128xf32, #tpu.memory_space<hbm>> -> memref<10000x128xf32, #tpu.memory_space<hbm>>
      tpu.wait_indirect_dma semaphore(%arg25 : memref<!tpu.dma_semaphore, #tpu.memory_space<semaphore_mem>>) src(%dma_wait3A_258 : memref<10000x128xf32, #tpu.memory_space<hbm>>) dst(%dma_wait3A_255 : memref<40x128xf32, #tpu.memory_space<vmem>>)
      %dma_start3A_259 = arith.constant 0 : i32
      %dma_start3A_260 = arith.constant 0 : i32
      %dma_start3A_261 = tpu.memref_slice %arg5[%dma_start3A_259, %dma_start3A_260] : memref<10000x128xf32, #tpu.memory_space<vmem_shared>> -> memref<10000x128xf32, #tpu.memory_space<vmem_shared>>
      tpu.enqueue_indirect_dma source(%arg23 : memref<80x128xf32, #tpu.memory_space<vmem>>) target(%dma_start3A_261 : memref<10000x128xf32, #tpu.memory_space<vmem_shared>>) offsets(%arg22 : memref<80xi32, #tpu.memory_space<vmem>>) semaphore(%arg26 : memref<!tpu.dma_semaphore, #tpu.memory_space<semaphore_mem>>) {add = true}
      %add3A_262 = arith.constant 3 : i32
      %add3A_263 = arith.addi %add3A_239, %add3A_262 : i32
      %lt3A_264 = arith.constant 124 : i32
      %lt3A_265 = arith.cmpi slt, %add3A_263, %lt3A_264 : i32
      %convert_element_type3A_266 = arith.extui %lt3A_265 : i1 to i32
      %cond3A_267 = arith.constant 0 : i32
      %cond3A_268 = arith.cmpi ne, %convert_element_type3A_266, %cond3A_267 : i32
      scf.if %cond3A_268 {
        %add3A_300 = arith.constant 3 : i32
        %add3A_301 = arith.addi %add3A_239, %add3A_300 : i32
        %ge3A = arith.constant 4 : i32
        %ge3A_302 = arith.cmpi sge, %add3A_301, %ge3A : i32
        %convert_element_type3A_303 = arith.extui %ge3A_302 : i1 to i32
        %cond3A_304 = arith.constant 0 : i32
        %cond3A_305 = arith.cmpi ne, %convert_element_type3A_303, %cond3A_304 : i32
        scf.if %cond3A_305 {
          %dma_wait3A_328 = arith.constant 0 : i32
          %dma_wait3A_329 = arith.constant 0 : i32
          %dma_wait3A_330 = tpu.memref_slice %arg5[%dma_wait3A_328, %dma_wait3A_329] : memref<10000x128xf32, #tpu.memory_space<vmem_shared>> -> memref<10000x128xf32, #tpu.memory_space<vmem_shared>>
          tpu.wait_indirect_dma semaphore(%arg19 : memref<!tpu.dma_semaphore, #tpu.memory_space<semaphore_mem>>) src(%arg16 : memref<80x128xf32, #tpu.memory_space<vmem>>) dst(%dma_wait3A_330 : memref<10000x128xf32, #tpu.memory_space<vmem_shared>>)
        } else {
        }
        %add3A_306 = arith.addi %mul3A_2, %add3A_239 : i32
        %add3A_307 = arith.constant 3 : i32
        %add3A_308 = arith.addi %add3A_306, %add3A_307 : i32
        %mul3A_309 = arith.constant 80 : i32
        %mul3A_310 = arith.muli %add3A_308, %mul3A_309 : i32
        %dma_start3A_311 = arith.constant 0 : i32
        %dma_start3A_312 = tpu.memref_slice %arg3[%dma_start3A_311, %mul3A_310] : memref<2x320000xi32, #tpu.memory_space<hbm>> -> memref<1x40xi32, #tpu.memory_space<hbm>>
        %dma_start3A_313 = tpu.memref_squeeze %dma_start3A_312 : memref<1x40xi32, #tpu.memory_space<hbm>> -> memref<40xi32, #tpu.memory_space<hbm>>
        %dma_start3A_314 = tpu.memref_slice %arg3[%dma_start3A_311, %mul3A_310] : memref<2x320000xi32, #tpu.memory_space<hbm>> -> memref<1x40xi32, #tpu.memory_space<hbm>>
        %dma_start3A_315 = tpu.memref_squeeze %dma_start3A_314 : memref<1x40xi32, #tpu.memory_space<hbm>> -> memref<40xi32, #tpu.memory_space<hbm>>
        tpu.enqueue_dma source(%dma_start3A_315 : memref<40xi32, #tpu.memory_space<hbm>>) target(%arg13 : memref<40xi32, #tpu.memory_space<vmem>>) target_semaphore(%arg17 : memref<!tpu.dma_semaphore, #tpu.memory_space<semaphore_mem>>)
        %add3A_316 = arith.constant 40 : i32
        %add3A_317 = arith.addi %mul3A_310, %add3A_316 : i32
        %dma_start3A_318 = arith.constant 0 : i32
        %dma_start3A_319 = tpu.memref_slice %arg3[%dma_start3A_318, %add3A_317] : memref<2x320000xi32, #tpu.memory_space<hbm>> -> memref<1x40xi32, #tpu.memory_space<hbm>>
        %dma_start3A_320 = tpu.memref_squeeze %dma_start3A_319 : memref<1x40xi32, #tpu.memory_space<hbm>> -> memref<40xi32, #tpu.memory_space<hbm>>
        %dma_start3A_321 = tpu.memref_slice %arg3[%dma_start3A_318, %add3A_317] : memref<2x320000xi32, #tpu.memory_space<hbm>> -> memref<1x40xi32, #tpu.memory_space<hbm>>
        %dma_start3A_322 = tpu.memref_squeeze %dma_start3A_321 : memref<1x40xi32, #tpu.memory_space<hbm>> -> memref<40xi32, #tpu.memory_space<hbm>>
        tpu.enqueue_dma source(%dma_start3A_322 : memref<40xi32, #tpu.memory_space<hbm>>) target(%arg14 : memref<40xi32, #tpu.memory_space<vmem>>) target_semaphore(%arg17 : memref<!tpu.dma_semaphore, #tpu.memory_space<semaphore_mem>>)
        %dma_start3A_323 = arith.constant 1 : i32
        %dma_start3A_324 = tpu.memref_slice %arg3[%dma_start3A_323, %mul3A_310] : memref<2x320000xi32, #tpu.memory_space<hbm>> -> memref<1x80xi32, #tpu.memory_space<hbm>>
        %dma_start3A_325 = tpu.memref_squeeze %dma_start3A_324 : memref<1x80xi32, #tpu.memory_space<hbm>> -> memref<80xi32, #tpu.memory_space<hbm>>
        %dma_start3A_326 = tpu.memref_slice %arg3[%dma_start3A_323, %mul3A_310] : memref<2x320000xi32, #tpu.memory_space<hbm>> -> memref<1x80xi32, #tpu.memory_space<hbm>>
        %dma_start3A_327 = tpu.memref_squeeze %dma_start3A_326 : memref<1x80xi32, #tpu.memory_space<hbm>> -> memref<80xi32, #tpu.memory_space<hbm>>
        tpu.enqueue_dma source(%dma_start3A_327 : memref<80xi32, #tpu.memory_space<hbm>>) target(%arg15 : memref<80xi32, #tpu.memory_space<vmem>>) target_semaphore(%arg17 : memref<!tpu.dma_semaphore, #tpu.memory_space<semaphore_mem>>)
      } else {
      }
      %add3A_269 = arith.constant 3 : i32
      %add3A_270 = arith.addi %mul3A_175, %add3A_269 : i32
      %add3A_271 = arith.constant 2 : i32
      %add3A_272 = arith.addi %add3A_270, %add3A_271 : i32
      %lt3A_273 = arith.constant 124 : i32
      %lt3A_274 = arith.cmpi slt, %add3A_272, %lt3A_273 : i32
      %convert_element_type3A_275 = arith.extui %lt3A_274 : i1 to i32
      %cond3A_276 = arith.constant 0 : i32
      %cond3A_277 = arith.cmpi ne, %convert_element_type3A_275, %cond3A_276 : i32
      scf.if %cond3A_277 {
        %dma_wait3A_300 = arith.constant 0 : i32
        %dma_wait3A_301 = arith.constant 0 : i32
        %dma_wait3A_302 = tpu.memref_slice %arg3[%dma_wait3A_300, %dma_wait3A_301] : memref<2x320000xi32, #tpu.memory_space<hbm>> -> memref<1x40xi32, #tpu.memory_space<hbm>>
        %dma_wait3A_303 = tpu.memref_squeeze %dma_wait3A_302 : memref<1x40xi32, #tpu.memory_space<hbm>> -> memref<40xi32, #tpu.memory_space<hbm>>
        %dma_wait3A_304 = arith.constant 0 : i32
        %dma_wait3A_305 = tpu.memref_slice %arg3[%dma_wait3A_300, %dma_wait3A_304] : memref<2x320000xi32, #tpu.memory_space<hbm>> -> memref<1x40xi32, #tpu.memory_space<hbm>>
        %dma_wait3A_306 = tpu.memref_squeeze %dma_wait3A_305 : memref<1x40xi32, #tpu.memory_space<hbm>> -> memref<40xi32, #tpu.memory_space<hbm>>
        tpu.wait_dma2 semaphore(%arg17 : memref<!tpu.dma_semaphore, #tpu.memory_space<semaphore_mem>>) src(%dma_wait3A_306 : memref<40xi32, #tpu.memory_space<hbm>>) dst(%arg13 : memref<40xi32, #tpu.memory_space<vmem>>)
        %dma_wait3A_307 = arith.constant 0 : i32
        %dma_wait3A_308 = arith.constant 0 : i32
        %dma_wait3A_309 = tpu.memref_slice %arg3[%dma_wait3A_307, %dma_wait3A_308] : memref<2x320000xi32, #tpu.memory_space<hbm>> -> memref<1x40xi32, #tpu.memory_space<hbm>>
        %dma_wait3A_310 = tpu.memref_squeeze %dma_wait3A_309 : memref<1x40xi32, #tpu.memory_space<hbm>> -> memref<40xi32, #tpu.memory_space<hbm>>
        %dma_wait3A_311 = arith.constant 0 : i32
        %dma_wait3A_312 = tpu.memref_slice %arg3[%dma_wait3A_307, %dma_wait3A_311] : memref<2x320000xi32, #tpu.memory_space<hbm>> -> memref<1x40xi32, #tpu.memory_space<hbm>>
        %dma_wait3A_313 = tpu.memref_squeeze %dma_wait3A_312 : memref<1x40xi32, #tpu.memory_space<hbm>> -> memref<40xi32, #tpu.memory_space<hbm>>
        tpu.wait_dma2 semaphore(%arg17 : memref<!tpu.dma_semaphore, #tpu.memory_space<semaphore_mem>>) src(%dma_wait3A_313 : memref<40xi32, #tpu.memory_space<hbm>>) dst(%arg14 : memref<40xi32, #tpu.memory_space<vmem>>)
        %dma_wait3A_314 = arith.constant 1 : i32
        %dma_wait3A_315 = arith.constant 0 : i32
        %dma_wait3A_316 = tpu.memref_slice %arg3[%dma_wait3A_314, %dma_wait3A_315] : memref<2x320000xi32, #tpu.memory_space<hbm>> -> memref<1x80xi32, #tpu.memory_space<hbm>>
        %dma_wait3A_317 = tpu.memref_squeeze %dma_wait3A_316 : memref<1x80xi32, #tpu.memory_space<hbm>> -> memref<80xi32, #tpu.memory_space<hbm>>
        %dma_wait3A_318 = arith.constant 0 : i32
        %dma_wait3A_319 = tpu.memref_slice %arg3[%dma_wait3A_314, %dma_wait3A_318] : memref<2x320000xi32, #tpu.memory_space<hbm>> -> memref<1x80xi32, #tpu.memory_space<hbm>>
        %dma_wait3A_320 = tpu.memref_squeeze %dma_wait3A_319 : memref<1x80xi32, #tpu.memory_space<hbm>> -> memref<80xi32, #tpu.memory_space<hbm>>
        tpu.wait_dma2 semaphore(%arg17 : memref<!tpu.dma_semaphore, #tpu.memory_space<semaphore_mem>>) src(%dma_wait3A_320 : memref<80xi32, #tpu.memory_space<hbm>>) dst(%arg15 : memref<80xi32, #tpu.memory_space<vmem>>)
        %dma_start3A_321 = arith.constant 0 : i32
        %dma_start3A_322 = arith.constant 0 : i32
        %dma_start3A_323 = tpu.memref_slice %arg16[%dma_start3A_321, %dma_start3A_322] : memref<80x128xf32, #tpu.memory_space<vmem>> -> memref<40x128xf32, #tpu.memory_space<vmem>>
        %dma_start3A_324 = arith.constant 0 : i32
        %dma_start3A_325 = arith.constant 0 : i32
        %dma_start3A_326 = tpu.memref_slice %arg2[%dma_start3A_324, %dma_start3A_325] : memref<10000x128xf32, #tpu.memory_space<hbm>> -> memref<10000x128xf32, #tpu.memory_space<hbm>>
        tpu.enqueue_indirect_dma source(%dma_start3A_326 : memref<10000x128xf32, #tpu.memory_space<hbm>>) target(%dma_start3A_323 : memref<40x128xf32, #tpu.memory_space<vmem>>) offsets(%arg13 : memref<40xi32, #tpu.memory_space<vmem>>) semaphore(%arg18 : memref<!tpu.dma_semaphore, #tpu.memory_space<semaphore_mem>>)
        %dma_start3A_327 = arith.constant 40 : i32
        %dma_start3A_328 = arith.constant 0 : i32
        %dma_start3A_329 = tpu.memref_slice %arg16[%dma_start3A_327, %dma_start3A_328] : memref<80x128xf32, #tpu.memory_space<vmem>> -> memref<40x128xf32, #tpu.memory_space<vmem>>
        %dma_start3A_330 = arith.constant 0 : i32
        %dma_start3A_331 = arith.constant 0 : i32
        %dma_start3A_332 = tpu.memref_slice %arg2[%dma_start3A_330, %dma_start3A_331] : memref<10000x128xf32, #tpu.memory_space<hbm>> -> memref<10000x128xf32, #tpu.memory_space<hbm>>
        tpu.enqueue_indirect_dma source(%dma_start3A_332 : memref<10000x128xf32, #tpu.memory_space<hbm>>) target(%dma_start3A_329 : memref<40x128xf32, #tpu.memory_space<vmem>>) offsets(%arg14 : memref<40xi32, #tpu.memory_space<vmem>>) semaphore(%arg18 : memref<!tpu.dma_semaphore, #tpu.memory_space<semaphore_mem>>)
      } else {
      }
      %dma_wait3A_278 = arith.constant 0 : i32
      %dma_wait3A_279 = arith.constant 0 : i32
      %dma_wait3A_280 = tpu.memref_slice %arg30[%dma_wait3A_278, %dma_wait3A_279] : memref<80x128xf32, #tpu.memory_space<vmem>> -> memref<40x128xf32, #tpu.memory_space<vmem>>
      %dma_wait3A_281 = arith.constant 0 : i32
      %dma_wait3A_282 = arith.constant 0 : i32
      %dma_wait3A_283 = tpu.memref_slice %arg2[%dma_wait3A_281, %dma_wait3A_282] : memref<10000x128xf32, #tpu.memory_space<hbm>> -> memref<10000x128xf32, #tpu.memory_space<hbm>>
      tpu.wait_indirect_dma semaphore(%arg32 : memref<!tpu.dma_semaphore, #tpu.memory_space<semaphore_mem>>) src(%dma_wait3A_283 : memref<10000x128xf32, #tpu.memory_space<hbm>>) dst(%dma_wait3A_280 : memref<40x128xf32, #tpu.memory_space<vmem>>)
      %dma_wait3A_284 = arith.constant 40 : i32
      %dma_wait3A_285 = arith.constant 0 : i32
      %dma_wait3A_286 = tpu.memref_slice %arg30[%dma_wait3A_284, %dma_wait3A_285] : memref<80x128xf32, #tpu.memory_space<vmem>> -> memref<40x128xf32, #tpu.memory_space<vmem>>
      %dma_wait3A_287 = arith.constant 0 : i32
      %dma_wait3A_288 = arith.constant 0 : i32
      %dma_wait3A_289 = tpu.memref_slice %arg2[%dma_wait3A_287, %dma_wait3A_288] : memref<10000x128xf32, #tpu.memory_space<hbm>> -> memref<10000x128xf32, #tpu.memory_space<hbm>>
      tpu.wait_indirect_dma semaphore(%arg32 : memref<!tpu.dma_semaphore, #tpu.memory_space<semaphore_mem>>) src(%dma_wait3A_289 : memref<10000x128xf32, #tpu.memory_space<hbm>>) dst(%dma_wait3A_286 : memref<40x128xf32, #tpu.memory_space<vmem>>)
      %dma_start3A_290 = arith.constant 0 : i32
      %dma_start3A_291 = arith.constant 0 : i32
      %dma_start3A_292 = tpu.memref_slice %arg5[%dma_start3A_290, %dma_start3A_291] : memref<10000x128xf32, #tpu.memory_space<vmem_shared>> -> memref<10000x128xf32, #tpu.memory_space<vmem_shared>>
      tpu.enqueue_indirect_dma source(%arg30 : memref<80x128xf32, #tpu.memory_space<vmem>>) target(%dma_start3A_292 : memref<10000x128xf32, #tpu.memory_space<vmem_shared>>) offsets(%arg29 : memref<80xi32, #tpu.memory_space<vmem>>) semaphore(%arg33 : memref<!tpu.dma_semaphore, #tpu.memory_space<semaphore_mem>>) {add = true}
      %add3A_293 = arith.constant 3 : i32
      %add3A_294 = arith.addi %add3A_270, %add3A_293 : i32
      %lt3A_295 = arith.constant 124 : i32
      %lt3A_296 = arith.cmpi slt, %add3A_294, %lt3A_295 : i32
      %convert_element_type3A_297 = arith.extui %lt3A_296 : i1 to i32
      %cond3A_298 = arith.constant 0 : i32
      %cond3A_299 = arith.cmpi ne, %convert_element_type3A_297, %cond3A_298 : i32
      scf.if %cond3A_299 {
        %add3A_300 = arith.constant 3 : i32
        %add3A_301 = arith.addi %add3A_270, %add3A_300 : i32
        %ge3A = arith.constant 4 : i32
        %ge3A_302 = arith.cmpi sge, %add3A_301, %ge3A : i32
        %convert_element_type3A_303 = arith.extui %ge3A_302 : i1 to i32
        %cond3A_304 = arith.constant 0 : i32
        %cond3A_305 = arith.cmpi ne, %convert_element_type3A_303, %cond3A_304 : i32
        scf.if %cond3A_305 {
          %dma_wait3A_328 = arith.constant 0 : i32
          %dma_wait3A_329 = arith.constant 0 : i32
          %dma_wait3A_330 = tpu.memref_slice %arg5[%dma_wait3A_328, %dma_wait3A_329] : memref<10000x128xf32, #tpu.memory_space<vmem_shared>> -> memref<10000x128xf32, #tpu.memory_space<vmem_shared>>
          tpu.wait_indirect_dma semaphore(%arg26 : memref<!tpu.dma_semaphore, #tpu.memory_space<semaphore_mem>>) src(%arg23 : memref<80x128xf32, #tpu.memory_space<vmem>>) dst(%dma_wait3A_330 : memref<10000x128xf32, #tpu.memory_space<vmem_shared>>)
        } else {
        }
        %add3A_306 = arith.addi %mul3A_2, %add3A_270 : i32
        %add3A_307 = arith.constant 3 : i32
        %add3A_308 = arith.addi %add3A_306, %add3A_307 : i32
        %mul3A_309 = arith.constant 80 : i32
        %mul3A_310 = arith.muli %add3A_308, %mul3A_309 : i32
        %dma_start3A_311 = arith.constant 0 : i32
        %dma_start3A_312 = tpu.memref_slice %arg3[%dma_start3A_311, %mul3A_310] : memref<2x320000xi32, #tpu.memory_space<hbm>> -> memref<1x40xi32, #tpu.memory_space<hbm>>
        %dma_start3A_313 = tpu.memref_squeeze %dma_start3A_312 : memref<1x40xi32, #tpu.memory_space<hbm>> -> memref<40xi32, #tpu.memory_space<hbm>>
        %dma_start3A_314 = tpu.memref_slice %arg3[%dma_start3A_311, %mul3A_310] : memref<2x320000xi32, #tpu.memory_space<hbm>> -> memref<1x40xi32, #tpu.memory_space<hbm>>
        %dma_start3A_315 = tpu.memref_squeeze %dma_start3A_314 : memref<1x40xi32, #tpu.memory_space<hbm>> -> memref<40xi32, #tpu.memory_space<hbm>>
        tpu.enqueue_dma source(%dma_start3A_315 : memref<40xi32, #tpu.memory_space<hbm>>) target(%arg20 : memref<40xi32, #tpu.memory_space<vmem>>) target_semaphore(%arg24 : memref<!tpu.dma_semaphore, #tpu.memory_space<semaphore_mem>>)
        %add3A_316 = arith.constant 40 : i32
        %add3A_317 = arith.addi %mul3A_310, %add3A_316 : i32
        %dma_start3A_318 = arith.constant 0 : i32
        %dma_start3A_319 = tpu.memref_slice %arg3[%dma_start3A_318, %add3A_317] : memref<2x320000xi32, #tpu.memory_space<hbm>> -> memref<1x40xi32, #tpu.memory_space<hbm>>
        %dma_start3A_320 = tpu.memref_squeeze %dma_start3A_319 : memref<1x40xi32, #tpu.memory_space<hbm>> -> memref<40xi32, #tpu.memory_space<hbm>>
        %dma_start3A_321 = tpu.memref_slice %arg3[%dma_start3A_318, %add3A_317] : memref<2x320000xi32, #tpu.memory_space<hbm>> -> memref<1x40xi32, #tpu.memory_space<hbm>>
        %dma_start3A_322 = tpu.memref_squeeze %dma_start3A_321 : memref<1x40xi32, #tpu.memory_space<hbm>> -> memref<40xi32, #tpu.memory_space<hbm>>
        tpu.enqueue_dma source(%dma_start3A_322 : memref<40xi32, #tpu.memory_space<hbm>>) target(%arg21 : memref<40xi32, #tpu.memory_space<vmem>>) target_semaphore(%arg24 : memref<!tpu.dma_semaphore, #tpu.memory_space<semaphore_mem>>)
        %dma_start3A_323 = arith.constant 1 : i32
        %dma_start3A_324 = tpu.memref_slice %arg3[%dma_start3A_323, %mul3A_310] : memref<2x320000xi32, #tpu.memory_space<hbm>> -> memref<1x80xi32, #tpu.memory_space<hbm>>
        %dma_start3A_325 = tpu.memref_squeeze %dma_start3A_324 : memref<1x80xi32, #tpu.memory_space<hbm>> -> memref<80xi32, #tpu.memory_space<hbm>>
        %dma_start3A_326 = tpu.memref_slice %arg3[%dma_start3A_323, %mul3A_310] : memref<2x320000xi32, #tpu.memory_space<hbm>> -> memref<1x80xi32, #tpu.memory_space<hbm>>
        %dma_start3A_327 = tpu.memref_squeeze %dma_start3A_326 : memref<1x80xi32, #tpu.memory_space<hbm>> -> memref<80xi32, #tpu.memory_space<hbm>>
        tpu.enqueue_dma source(%dma_start3A_327 : memref<80xi32, #tpu.memory_space<hbm>>) target(%arg22 : memref<80xi32, #tpu.memory_space<vmem>>) target_semaphore(%arg24 : memref<!tpu.dma_semaphore, #tpu.memory_space<semaphore_mem>>)
      } else {
      }
    }
    %scan3A_149 = arith.constant 31 : i32
    %dma_wait3A_150 = arith.constant 0 : i32
    %dma_wait3A_151 = arith.constant 0 : i32
    %dma_wait3A_152 = tpu.memref_slice %arg5[%dma_wait3A_150, %dma_wait3A_151] : memref<10000x128xf32, #tpu.memory_space<vmem_shared>> -> memref<10000x128xf32, #tpu.memory_space<vmem_shared>>
    tpu.wait_indirect_dma semaphore(%arg12 : memref<!tpu.dma_semaphore, #tpu.memory_space<semaphore_mem>>) src(%arg9 : memref<80x128xf32, #tpu.memory_space<vmem>>) dst(%dma_wait3A_152 : memref<10000x128xf32, #tpu.memory_space<vmem_shared>>)
    %dma_wait3A_153 = arith.constant 0 : i32
    %dma_wait3A_154 = arith.constant 0 : i32
    %dma_wait3A_155 = tpu.memref_slice %arg5[%dma_wait3A_153, %dma_wait3A_154] : memref<10000x128xf32, #tpu.memory_space<vmem_shared>> -> memref<10000x128xf32, #tpu.memory_space<vmem_shared>>
    tpu.wait_indirect_dma semaphore(%arg19 : memref<!tpu.dma_semaphore, #tpu.memory_space<semaphore_mem>>) src(%arg16 : memref<80x128xf32, #tpu.memory_space<vmem>>) dst(%dma_wait3A_155 : memref<10000x128xf32, #tpu.memory_space<vmem_shared>>)
    %dma_wait3A_156 = arith.constant 0 : i32
    %dma_wait3A_157 = arith.constant 0 : i32
    %dma_wait3A_158 = tpu.memref_slice %arg5[%dma_wait3A_156, %dma_wait3A_157] : memref<10000x128xf32, #tpu.memory_space<vmem_shared>> -> memref<10000x128xf32, #tpu.memory_space<vmem_shared>>
    tpu.wait_indirect_dma semaphore(%arg26 : memref<!tpu.dma_semaphore, #tpu.memory_space<semaphore_mem>>) src(%arg23 : memref<80x128xf32, #tpu.memory_space<vmem>>) dst(%dma_wait3A_158 : memref<10000x128xf32, #tpu.memory_space<vmem_shared>>)
    %dma_wait3A_159 = arith.constant 0 : i32
    %dma_wait3A_160 = arith.constant 0 : i32
    %dma_wait3A_161 = tpu.memref_slice %arg5[%dma_wait3A_159, %dma_wait3A_160] : memref<10000x128xf32, #tpu.memory_space<vmem_shared>> -> memref<10000x128xf32, #tpu.memory_space<vmem_shared>>
    tpu.wait_indirect_dma semaphore(%arg33 : memref<!tpu.dma_semaphore, #tpu.memory_space<semaphore_mem>>) src(%arg30 : memref<80x128xf32, #tpu.memory_space<vmem>>) dst(%dma_wait3A_161 : memref<10000x128xf32, #tpu.memory_space<vmem_shared>>)
    %lt3A = arith.constant 32 : i32
    %lt3A_162 = arith.cmpi slt, %add3A, %lt3A : i32
    %convert_element_type3A = arith.extui %lt3A_162 : i1 to i32
    %cond3A = arith.constant 0 : i32
    %cond3A_163 = arith.cmpi ne, %convert_element_type3A, %cond3A : i32
    scf.if %cond3A_163 {
      %add3A_173 = arith.constant 3968 : i32
      %add3A_174 = arith.addi %add3A_173, %add3A : i32
      %mul3A_175 = arith.constant 80 : i32
      %mul3A_176 = arith.muli %add3A_174, %mul3A_175 : i32
      %run_scoped3A = arith.constant 0 : i32
      "tpu.region"() ({
        %run_scoped3A_205 = tpu.sem_alloc : memref<!tpu.dma_semaphore, #tpu.memory_space<semaphore_mem>>
        %dma_start3A_206 = tpu.memref_slice %arg3[%run_scoped3A, %mul3A_176] : memref<2x320000xi32, #tpu.memory_space<hbm>> -> memref<1x40xi32, #tpu.memory_space<hbm>>
        %dma_start3A_207 = tpu.memref_squeeze %dma_start3A_206 : memref<1x40xi32, #tpu.memory_space<hbm>> -> memref<40xi32, #tpu.memory_space<hbm>>
        %dma_start3A_208 = tpu.memref_slice %arg3[%run_scoped3A, %mul3A_176] : memref<2x320000xi32, #tpu.memory_space<hbm>> -> memref<1x40xi32, #tpu.memory_space<hbm>>
        %dma_start3A_209 = tpu.memref_squeeze %dma_start3A_208 : memref<1x40xi32, #tpu.memory_space<hbm>> -> memref<40xi32, #tpu.memory_space<hbm>>
        tpu.enqueue_dma source(%dma_start3A_209 : memref<40xi32, #tpu.memory_space<hbm>>) target(%arg6 : memref<40xi32, #tpu.memory_space<vmem>>) target_semaphore(%run_scoped3A_205 : memref<!tpu.dma_semaphore, #tpu.memory_space<semaphore_mem>>)
        %dma_wait3A_210 = tpu.memref_slice %arg3[%run_scoped3A, %mul3A_176] : memref<2x320000xi32, #tpu.memory_space<hbm>> -> memref<1x40xi32, #tpu.memory_space<hbm>>
        %dma_wait3A_211 = tpu.memref_squeeze %dma_wait3A_210 : memref<1x40xi32, #tpu.memory_space<hbm>> -> memref<40xi32, #tpu.memory_space<hbm>>
        %dma_wait3A_212 = tpu.memref_slice %arg3[%run_scoped3A, %mul3A_176] : memref<2x320000xi32, #tpu.memory_space<hbm>> -> memref<1x40xi32, #tpu.memory_space<hbm>>
        %dma_wait3A_213 = tpu.memref_squeeze %dma_wait3A_212 : memref<1x40xi32, #tpu.memory_space<hbm>> -> memref<40xi32, #tpu.memory_space<hbm>>
        tpu.wait_dma2 semaphore(%run_scoped3A_205 : memref<!tpu.dma_semaphore, #tpu.memory_space<semaphore_mem>>) src(%dma_wait3A_213 : memref<40xi32, #tpu.memory_space<hbm>>) dst(%arg6 : memref<40xi32, #tpu.memory_space<vmem>>)
        tpu.yield
      }) : () -> ()
      %add3A_177 = arith.constant 40 : i32
      %add3A_178 = arith.addi %mul3A_176, %add3A_177 : i32
      %run_scoped3A_179 = arith.constant 0 : i32
      "tpu.region"() ({
        %run_scoped3A_205 = tpu.sem_alloc : memref<!tpu.dma_semaphore, #tpu.memory_space<semaphore_mem>>
        %dma_start3A_206 = tpu.memref_slice %arg3[%run_scoped3A_179, %add3A_178] : memref<2x320000xi32, #tpu.memory_space<hbm>> -> memref<1x40xi32, #tpu.memory_space<hbm>>
        %dma_start3A_207 = tpu.memref_squeeze %dma_start3A_206 : memref<1x40xi32, #tpu.memory_space<hbm>> -> memref<40xi32, #tpu.memory_space<hbm>>
        %dma_start3A_208 = tpu.memref_slice %arg3[%run_scoped3A_179, %add3A_178] : memref<2x320000xi32, #tpu.memory_space<hbm>> -> memref<1x40xi32, #tpu.memory_space<hbm>>
        %dma_start3A_209 = tpu.memref_squeeze %dma_start3A_208 : memref<1x40xi32, #tpu.memory_space<hbm>> -> memref<40xi32, #tpu.memory_space<hbm>>
        tpu.enqueue_dma source(%dma_start3A_209 : memref<40xi32, #tpu.memory_space<hbm>>) target(%arg7 : memref<40xi32, #tpu.memory_space<vmem>>) target_semaphore(%run_scoped3A_205 : memref<!tpu.dma_semaphore, #tpu.memory_space<semaphore_mem>>)
        %dma_wait3A_210 = tpu.memref_slice %arg3[%run_scoped3A_179, %add3A_178] : memref<2x320000xi32, #tpu.memory_space<hbm>> -> memref<1x40xi32, #tpu.memory_space<hbm>>
        %dma_wait3A_211 = tpu.memref_squeeze %dma_wait3A_210 : memref<1x40xi32, #tpu.memory_space<hbm>> -> memref<40xi32, #tpu.memory_space<hbm>>
        %dma_wait3A_212 = tpu.memref_slice %arg3[%run_scoped3A_179, %add3A_178] : memref<2x320000xi32, #tpu.memory_space<hbm>> -> memref<1x40xi32, #tpu.memory_space<hbm>>
        %dma_wait3A_213 = tpu.memref_squeeze %dma_wait3A_212 : memref<1x40xi32, #tpu.memory_space<hbm>> -> memref<40xi32, #tpu.memory_space<hbm>>
        tpu.wait_dma2 semaphore(%run_scoped3A_205 : memref<!tpu.dma_semaphore, #tpu.memory_space<semaphore_mem>>) src(%dma_wait3A_213 : memref<40xi32, #tpu.memory_space<hbm>>) dst(%arg7 : memref<40xi32, #tpu.memory_space<vmem>>)
        tpu.yield
      }) : () -> ()
      %run_scoped3A_180 = arith.constant 1 : i32
      "tpu.region"() ({
        %run_scoped3A_205 = tpu.sem_alloc : memref<!tpu.dma_semaphore, #tpu.memory_space<semaphore_mem>>
        %dma_start3A_206 = tpu.memref_slice %arg3[%run_scoped3A_180, %mul3A_176] : memref<2x320000xi32, #tpu.memory_space<hbm>> -> memref<1x80xi32, #tpu.memory_space<hbm>>
        %dma_start3A_207 = tpu.memref_squeeze %dma_start3A_206 : memref<1x80xi32, #tpu.memory_space<hbm>> -> memref<80xi32, #tpu.memory_space<hbm>>
        %dma_start3A_208 = tpu.memref_slice %arg3[%run_scoped3A_180, %mul3A_176] : memref<2x320000xi32, #tpu.memory_space<hbm>> -> memref<1x80xi32, #tpu.memory_space<hbm>>
        %dma_start3A_209 = tpu.memref_squeeze %dma_start3A_208 : memref<1x80xi32, #tpu.memory_space<hbm>> -> memref<80xi32, #tpu.memory_space<hbm>>
        tpu.enqueue_dma source(%dma_start3A_209 : memref<80xi32, #tpu.memory_space<hbm>>) target(%arg8 : memref<80xi32, #tpu.memory_space<vmem>>) target_semaphore(%run_scoped3A_205 : memref<!tpu.dma_semaphore, #tpu.memory_space<semaphore_mem>>)
        %dma_wait3A_210 = tpu.memref_slice %arg3[%run_scoped3A_180, %mul3A_176] : memref<2x320000xi32, #tpu.memory_space<hbm>> -> memref<1x80xi32, #tpu.memory_space<hbm>>
        %dma_wait3A_211 = tpu.memref_squeeze %dma_wait3A_210 : memref<1x80xi32, #tpu.memory_space<hbm>> -> memref<80xi32, #tpu.memory_space<hbm>>
        %dma_wait3A_212 = tpu.memref_slice %arg3[%run_scoped3A_180, %mul3A_176] : memref<2x320000xi32, #tpu.memory_space<hbm>> -> memref<1x80xi32, #tpu.memory_space<hbm>>
        %dma_wait3A_213 = tpu.memref_squeeze %dma_wait3A_212 : memref<1x80xi32, #tpu.memory_space<hbm>> -> memref<80xi32, #tpu.memory_space<hbm>>
        tpu.wait_dma2 semaphore(%run_scoped3A_205 : memref<!tpu.dma_semaphore, #tpu.memory_space<semaphore_mem>>) src(%dma_wait3A_213 : memref<80xi32, #tpu.memory_space<hbm>>) dst(%arg8 : memref<80xi32, #tpu.memory_space<vmem>>)
        tpu.yield
      }) : () -> ()
      %dma_start3A_181 = arith.constant 0 : i32
      %dma_start3A_182 = arith.constant 0 : i32
      %dma_start3A_183 = tpu.memref_slice %arg9[%dma_start3A_181, %dma_start3A_182] : memref<80x128xf32, #tpu.memory_space<vmem>> -> memref<40x128xf32, #tpu.memory_space<vmem>>
      %dma_start3A_184 = arith.constant 0 : i32
      %dma_start3A_185 = arith.constant 0 : i32
      %dma_start3A_186 = tpu.memref_slice %arg2[%dma_start3A_184, %dma_start3A_185] : memref<10000x128xf32, #tpu.memory_space<hbm>> -> memref<10000x128xf32, #tpu.memory_space<hbm>>
      tpu.enqueue_indirect_dma source(%dma_start3A_186 : memref<10000x128xf32, #tpu.memory_space<hbm>>) target(%dma_start3A_183 : memref<40x128xf32, #tpu.memory_space<vmem>>) offsets(%arg6 : memref<40xi32, #tpu.memory_space<vmem>>) semaphore(%arg11 : memref<!tpu.dma_semaphore, #tpu.memory_space<semaphore_mem>>)
      %dma_wait3A_187 = arith.constant 0 : i32
      %dma_wait3A_188 = arith.constant 0 : i32
      %dma_wait3A_189 = tpu.memref_slice %arg9[%dma_wait3A_187, %dma_wait3A_188] : memref<80x128xf32, #tpu.memory_space<vmem>> -> memref<40x128xf32, #tpu.memory_space<vmem>>
      %dma_wait3A_190 = arith.constant 0 : i32
      %dma_wait3A_191 = arith.constant 0 : i32
      %dma_wait3A_192 = tpu.memref_slice %arg2[%dma_wait3A_190, %dma_wait3A_191] : memref<10000x128xf32, #tpu.memory_space<hbm>> -> memref<10000x128xf32, #tpu.memory_space<hbm>>
      tpu.wait_indirect_dma semaphore(%arg11 : memref<!tpu.dma_semaphore, #tpu.memory_space<semaphore_mem>>) src(%dma_wait3A_192 : memref<10000x128xf32, #tpu.memory_space<hbm>>) dst(%dma_wait3A_189 : memref<40x128xf32, #tpu.memory_space<vmem>>)
      %dma_start3A_193 = arith.constant 40 : i32
      %dma_start3A_194 = arith.constant 0 : i32
      %dma_start3A_195 = tpu.memref_slice %arg9[%dma_start3A_193, %dma_start3A_194] : memref<80x128xf32, #tpu.memory_space<vmem>> -> memref<40x128xf32, #tpu.memory_space<vmem>>
      %dma_start3A_196 = arith.constant 0 : i32
      %dma_start3A_197 = arith.constant 0 : i32
      %dma_start3A_198 = tpu.memref_slice %arg2[%dma_start3A_196, %dma_start3A_197] : memref<10000x128xf32, #tpu.memory_space<hbm>> -> memref<10000x128xf32, #tpu.memory_space<hbm>>
      tpu.enqueue_indirect_dma source(%dma_start3A_198 : memref<10000x128xf32, #tpu.memory_space<hbm>>) target(%dma_start3A_195 : memref<40x128xf32, #tpu.memory_space<vmem>>) offsets(%arg7 : memref<40xi32, #tpu.memory_space<vmem>>) semaphore(%arg11 : memref<!tpu.dma_semaphore, #tpu.memory_space<semaphore_mem>>)
      %dma_wait3A_199 = arith.constant 40 : i32
      %dma_wait3A_200 = arith.constant 0 : i32
      %dma_wait3A_201 = tpu.memref_slice %arg9[%dma_wait3A_199, %dma_wait3A_200] : memref<80x128xf32, #tpu.memory_space<vmem>> -> memref<40x128xf32, #tpu.memory_space<vmem>>
      %dma_wait3A_202 = arith.constant 0 : i32
      %dma_wait3A_203 = arith.constant 0 : i32
      %dma_wait3A_204 = tpu.memref_slice %arg2[%dma_wait3A_202, %dma_wait3A_203] : memref<10000x128xf32, #tpu.memory_space<hbm>> -> memref<10000x128xf32, #tpu.memory_space<hbm>>
      tpu.wait_indirect_dma semaphore(%arg11 : memref<!tpu.dma_semaphore, #tpu.memory_space<semaphore_mem>>) src(%dma_wait3A_204 : memref<10000x128xf32, #tpu.memory_space<hbm>>) dst(%dma_wait3A_201 : memref<40x128xf32, #tpu.memory_space<vmem>>)
      "tpu.region"() ({
        %run_scoped3A_205 = tpu.sem_alloc : memref<!tpu.dma_semaphore, #tpu.memory_space<semaphore_mem>>
        %dma_start3A_206 = arith.constant 0 : i32
        %dma_start3A_207 = arith.constant 0 : i32
        %dma_start3A_208 = tpu.memref_slice %arg5[%dma_start3A_206, %dma_start3A_207] : memref<10000x128xf32, #tpu.memory_space<vmem_shared>> -> memref<10000x128xf32, #tpu.memory_space<vmem_shared>>
        tpu.enqueue_indirect_dma source(%arg9 : memref<80x128xf32, #tpu.memory_space<vmem>>) target(%dma_start3A_208 : memref<10000x128xf32, #tpu.memory_space<vmem_shared>>) offsets(%arg8 : memref<80xi32, #tpu.memory_space<vmem>>) semaphore(%run_scoped3A_205 : memref<!tpu.dma_semaphore, #tpu.memory_space<semaphore_mem>>) {add = true}
        %dma_wait3A_209 = arith.constant 0 : i32
        %dma_wait3A_210 = arith.constant 0 : i32
        %dma_wait3A_211 = tpu.memref_slice %arg5[%dma_wait3A_209, %dma_wait3A_210] : memref<10000x128xf32, #tpu.memory_space<vmem_shared>> -> memref<10000x128xf32, #tpu.memory_space<vmem_shared>>
        tpu.wait_indirect_dma semaphore(%run_scoped3A_205 : memref<!tpu.dma_semaphore, #tpu.memory_space<semaphore_mem>>) src(%arg9 : memref<80x128xf32, #tpu.memory_space<vmem>>) dst(%dma_wait3A_211 : memref<10000x128xf32, #tpu.memory_space<vmem_shared>>)
        tpu.yield
      }) : () -> ()
    } else {
    }
    %barrier3A_164 = arith.constant 0 : index
    tpu.barrier barrier_id(%barrier3A_164)
    %scan3A_165 = arith.constant 0 : i32
    %scan3A_166 = arith.constant 0 : i32
    %scan3A_167 = arith.constant 7 : i32
    %scan3A_168 = arith.addi %scan3A_166, %scan3A_167 : i32
    %scan3A_169 = arith.constant 1 : i32
    scf.for %scan3A_173 = %scan3A_166 to %scan3A_168 step %scan3A_169  : i32 {
      %mul3A_174 = arith.constant 80 : i32
      %mul3A_175 = arith.muli %scan3A_173, %mul3A_174 : i32
      %add3A_176 = arith.addi %mul3A_10, %mul3A_175 : i32
      "tpu.region"() ({
        %run_scoped3A = tpu.sem_alloc : memref<!tpu.dma_semaphore, #tpu.memory_space<semaphore_mem>>
        %dma_start3A_177 = arith.constant 0 : i32
        %dma_start3A_178 = arith.constant 0 : i32
        %dma_start3A_179 = tpu.memref_slice %arg9[%dma_start3A_177, %dma_start3A_178] : memref<80x128xf32, #tpu.memory_space<vmem>> -> memref<80x128xf32, #tpu.memory_space<vmem>>
        %dma_start3A_180 = arith.constant 0 : i32
        %dma_start3A_181 = tpu.memref_slice %arg5[%add3A_176, %dma_start3A_180] : memref<10000x128xf32, #tpu.memory_space<vmem_shared>> -> memref<80x128xf32, #tpu.memory_space<vmem_shared>>
        %dma_start3A_182 = arith.constant 0 : i32
        %dma_start3A_183 = arith.constant 0 : i32
        %dma_start3A_184 = tpu.memref_slice %arg9[%dma_start3A_182, %dma_start3A_183] : memref<80x128xf32, #tpu.memory_space<vmem>> -> memref<80x128xf32, #tpu.memory_space<vmem>>
        %dma_start3A_185 = arith.constant 0 : i32
        %dma_start3A_186 = tpu.memref_slice %arg5[%add3A_176, %dma_start3A_185] : memref<10000x128xf32, #tpu.memory_space<vmem_shared>> -> memref<80x128xf32, #tpu.memory_space<vmem_shared>>
        tpu.enqueue_dma source(%dma_start3A_186 : memref<80x128xf32, #tpu.memory_space<vmem_shared>>) target(%dma_start3A_184 : memref<80x128xf32, #tpu.memory_space<vmem>>) target_semaphore(%run_scoped3A : memref<!tpu.dma_semaphore, #tpu.memory_space<semaphore_mem>>)
        %dma_wait3A_187 = arith.constant 0 : i32
        %dma_wait3A_188 = arith.constant 0 : i32
        %dma_wait3A_189 = tpu.memref_slice %arg9[%dma_wait3A_187, %dma_wait3A_188] : memref<80x128xf32, #tpu.memory_space<vmem>> -> memref<80x128xf32, #tpu.memory_space<vmem>>
        %dma_wait3A_190 = arith.constant 0 : i32
        %dma_wait3A_191 = tpu.memref_slice %arg5[%add3A_176, %dma_wait3A_190] : memref<10000x128xf32, #tpu.memory_space<vmem_shared>> -> memref<80x128xf32, #tpu.memory_space<vmem_shared>>
        %dma_wait3A_192 = arith.constant 0 : i32
        %dma_wait3A_193 = arith.constant 0 : i32
        %dma_wait3A_194 = tpu.memref_slice %arg9[%dma_wait3A_192, %dma_wait3A_193] : memref<80x128xf32, #tpu.memory_space<vmem>> -> memref<80x128xf32, #tpu.memory_space<vmem>>
        %dma_wait3A_195 = arith.constant 0 : i32
        %dma_wait3A_196 = tpu.memref_slice %arg5[%add3A_176, %dma_wait3A_195] : memref<10000x128xf32, #tpu.memory_space<vmem_shared>> -> memref<80x128xf32, #tpu.memory_space<vmem_shared>>
        tpu.wait_dma2 semaphore(%run_scoped3A : memref<!tpu.dma_semaphore, #tpu.memory_space<semaphore_mem>>) src(%dma_wait3A_196 : memref<80x128xf32, #tpu.memory_space<vmem_shared>>) dst(%dma_wait3A_194 : memref<80x128xf32, #tpu.memory_space<vmem>>)
        tpu.yield
      }) : () -> ()
      "tpu.region"() ({
        %run_scoped3A = tpu.sem_alloc : memref<!tpu.dma_semaphore, #tpu.memory_space<semaphore_mem>>
        %dma_start3A_177 = arith.constant 0 : i32
        %dma_start3A_178 = arith.constant 0 : i32
        %dma_start3A_179 = tpu.memref_slice %arg9[%dma_start3A_177, %dma_start3A_178] : memref<80x128xf32, #tpu.memory_space<vmem>> -> memref<80x128xf32, #tpu.memory_space<vmem>>
        %dma_start3A_180 = arith.constant 0 : i32
        %dma_start3A_181 = tpu.memref_slice %arg4[%arg0, %add3A_176, %dma_start3A_180] : memref<2x10000x128xf32, #tpu.memory_space<hbm>> -> memref<1x80x128xf32, #tpu.memory_space<hbm>>
        %dma_start3A_182 = tpu.memref_squeeze %dma_start3A_181 : memref<1x80x128xf32, #tpu.memory_space<hbm>> -> memref<80x128xf32, #tpu.memory_space<hbm>>
        %dma_start3A_183 = arith.constant 0 : i32
        %dma_start3A_184 = tpu.memref_slice %arg4[%arg0, %add3A_176, %dma_start3A_183] : memref<2x10000x128xf32, #tpu.memory_space<hbm>> -> memref<1x80x128xf32, #tpu.memory_space<hbm>>
        %dma_start3A_185 = tpu.memref_squeeze %dma_start3A_184 : memref<1x80x128xf32, #tpu.memory_space<hbm>> -> memref<80x128xf32, #tpu.memory_space<hbm>>
        %dma_start3A_186 = arith.constant 0 : i32
        %dma_start3A_187 = arith.constant 0 : i32
        %dma_start3A_188 = tpu.memref_slice %arg9[%dma_start3A_186, %dma_start3A_187] : memref<80x128xf32, #tpu.memory_space<vmem>> -> memref<80x128xf32, #tpu.memory_space<vmem>>
        tpu.enqueue_dma source(%dma_start3A_188 : memref<80x128xf32, #tpu.memory_space<vmem>>) target(%dma_start3A_185 : memref<80x128xf32, #tpu.memory_space<hbm>>) target_semaphore(%run_scoped3A : memref<!tpu.dma_semaphore, #tpu.memory_space<semaphore_mem>>)
        %dma_wait3A_189 = arith.constant 0 : i32
        %dma_wait3A_190 = arith.constant 0 : i32
        %dma_wait3A_191 = tpu.memref_slice %arg9[%dma_wait3A_189, %dma_wait3A_190] : memref<80x128xf32, #tpu.memory_space<vmem>> -> memref<80x128xf32, #tpu.memory_space<vmem>>
        %dma_wait3A_192 = arith.constant 0 : i32
        %dma_wait3A_193 = tpu.memref_slice %arg4[%arg0, %add3A_176, %dma_wait3A_192] : memref<2x10000x128xf32, #tpu.memory_space<hbm>> -> memref<1x80x128xf32, #tpu.memory_space<hbm>>
        %dma_wait3A_194 = tpu.memref_squeeze %dma_wait3A_193 : memref<1x80x128xf32, #tpu.memory_space<hbm>> -> memref<80x128xf32, #tpu.memory_space<hbm>>
        %dma_wait3A_195 = arith.constant 0 : i32
        %dma_wait3A_196 = tpu.memref_slice %arg4[%arg0, %add3A_176, %dma_wait3A_195] : memref<2x10000x128xf32, #tpu.memory_space<hbm>> -> memref<1x80x128xf32, #tpu.memory_space<hbm>>
        %dma_wait3A_197 = tpu.memref_squeeze %dma_wait3A_196 : memref<1x80x128xf32, #tpu.memory_space<hbm>> -> memref<80x128xf32, #tpu.memory_space<hbm>>
        %dma_wait3A_198 = arith.constant 0 : i32
        %dma_wait3A_199 = arith.constant 0 : i32
        %dma_wait3A_200 = tpu.memref_slice %arg9[%dma_wait3A_198, %dma_wait3A_199] : memref<80x128xf32, #tpu.memory_space<vmem>> -> memref<80x128xf32, #tpu.memory_space<vmem>>
        tpu.wait_dma2 semaphore(%run_scoped3A : memref<!tpu.dma_semaphore, #tpu.memory_space<semaphore_mem>>) src(%dma_wait3A_200 : memref<80x128xf32, #tpu.memory_space<vmem>>) dst(%dma_wait3A_197 : memref<80x128xf32, #tpu.memory_space<hbm>>)
        tpu.yield
      }) : () -> ()
    }
    %scan3A_170 = arith.constant 7 : i32
    %add3A_171 = arith.constant 560 : i32
    %add3A_172 = arith.addi %mul3A_10, %add3A_171 : i32
    "tpu.region"() ({
      %run_scoped3A = tpu.sem_alloc : memref<!tpu.dma_semaphore, #tpu.memory_space<semaphore_mem>>
      %dma_start3A_173 = arith.constant 0 : i32
      %dma_start3A_174 = arith.constant 0 : i32
      %dma_start3A_175 = tpu.memref_slice %arg9[%dma_start3A_173, %dma_start3A_174] : memref<80x128xf32, #tpu.memory_space<vmem>> -> memref<65x128xf32, #tpu.memory_space<vmem>>
      %dma_start3A_176 = arith.constant 0 : i32
      %dma_start3A_177 = tpu.memref_slice %arg5[%add3A_172, %dma_start3A_176] : memref<10000x128xf32, #tpu.memory_space<vmem_shared>> -> memref<65x128xf32, #tpu.memory_space<vmem_shared>>
      %dma_start3A_178 = arith.constant 0 : i32
      %dma_start3A_179 = arith.constant 0 : i32
      %dma_start3A_180 = tpu.memref_slice %arg9[%dma_start3A_178, %dma_start3A_179] : memref<80x128xf32, #tpu.memory_space<vmem>> -> memref<65x128xf32, #tpu.memory_space<vmem>>
      %dma_start3A_181 = arith.constant 0 : i32
      %dma_start3A_182 = tpu.memref_slice %arg5[%add3A_172, %dma_start3A_181] : memref<10000x128xf32, #tpu.memory_space<vmem_shared>> -> memref<65x128xf32, #tpu.memory_space<vmem_shared>>
      tpu.enqueue_dma source(%dma_start3A_182 : memref<65x128xf32, #tpu.memory_space<vmem_shared>>) target(%dma_start3A_180 : memref<65x128xf32, #tpu.memory_space<vmem>>) target_semaphore(%run_scoped3A : memref<!tpu.dma_semaphore, #tpu.memory_space<semaphore_mem>>)
      %dma_wait3A_183 = arith.constant 0 : i32
      %dma_wait3A_184 = arith.constant 0 : i32
      %dma_wait3A_185 = tpu.memref_slice %arg9[%dma_wait3A_183, %dma_wait3A_184] : memref<80x128xf32, #tpu.memory_space<vmem>> -> memref<65x128xf32, #tpu.memory_space<vmem>>
      %dma_wait3A_186 = arith.constant 0 : i32
      %dma_wait3A_187 = tpu.memref_slice %arg5[%add3A_172, %dma_wait3A_186] : memref<10000x128xf32, #tpu.memory_space<vmem_shared>> -> memref<65x128xf32, #tpu.memory_space<vmem_shared>>
      %dma_wait3A_188 = arith.constant 0 : i32
      %dma_wait3A_189 = arith.constant 0 : i32
      %dma_wait3A_190 = tpu.memref_slice %arg9[%dma_wait3A_188, %dma_wait3A_189] : memref<80x128xf32, #tpu.memory_space<vmem>> -> memref<65x128xf32, #tpu.memory_space<vmem>>
      %dma_wait3A_191 = arith.constant 0 : i32
      %dma_wait3A_192 = tpu.memref_slice %arg5[%add3A_172, %dma_wait3A_191] : memref<10000x128xf32, #tpu.memory_space<vmem_shared>> -> memref<65x128xf32, #tpu.memory_space<vmem_shared>>
      tpu.wait_dma2 semaphore(%run_scoped3A : memref<!tpu.dma_semaphore, #tpu.memory_space<semaphore_mem>>) src(%dma_wait3A_192 : memref<65x128xf32, #tpu.memory_space<vmem_shared>>) dst(%dma_wait3A_190 : memref<65x128xf32, #tpu.memory_space<vmem>>)
      tpu.yield
    }) : () -> ()
    "tpu.region"() ({
      %run_scoped3A = tpu.sem_alloc : memref<!tpu.dma_semaphore, #tpu.memory_space<semaphore_mem>>
      %dma_start3A_173 = arith.constant 0 : i32
      %dma_start3A_174 = arith.constant 0 : i32
      %dma_start3A_175 = tpu.memref_slice %arg9[%dma_start3A_173, %dma_start3A_174] : memref<80x128xf32, #tpu.memory_space<vmem>> -> memref<65x128xf32, #tpu.memory_space<vmem>>
      %dma_start3A_176 = arith.constant 0 : i32
      %dma_start3A_177 = tpu.memref_slice %arg4[%arg0, %add3A_172, %dma_start3A_176] : memref<2x10000x128xf32, #tpu.memory_space<hbm>> -> memref<1x65x128xf32, #tpu.memory_space<hbm>>
      %dma_start3A_178 = tpu.memref_squeeze %dma_start3A_177 : memref<1x65x128xf32, #tpu.memory_space<hbm>> -> memref<65x128xf32, #tpu.memory_space<hbm>>
      %dma_start3A_179 = arith.constant 0 : i32
      %dma_start3A_180 = tpu.memref_slice %arg4[%arg0, %add3A_172, %dma_start3A_179] : memref<2x10000x128xf32, #tpu.memory_space<hbm>> -> memref<1x65x128xf32, #tpu.memory_space<hbm>>
      %dma_start3A_181 = tpu.memref_squeeze %dma_start3A_180 : memref<1x65x128xf32, #tpu.memory_space<hbm>> -> memref<65x128xf32, #tpu.memory_space<hbm>>
      %dma_start3A_182 = arith.constant 0 : i32
      %dma_start3A_183 = arith.constant 0 : i32
      %dma_start3A_184 = tpu.memref_slice %arg9[%dma_start3A_182, %dma_start3A_183] : memref<80x128xf32, #tpu.memory_space<vmem>> -> memref<65x128xf32, #tpu.memory_space<vmem>>
      tpu.enqueue_dma source(%dma_start3A_184 : memref<65x128xf32, #tpu.memory_space<vmem>>) target(%dma_start3A_181 : memref<65x128xf32, #tpu.memory_space<hbm>>) target_semaphore(%run_scoped3A : memref<!tpu.dma_semaphore, #tpu.memory_space<semaphore_mem>>)
      %dma_wait3A_185 = arith.constant 0 : i32
      %dma_wait3A_186 = arith.constant 0 : i32
      %dma_wait3A_187 = tpu.memref_slice %arg9[%dma_wait3A_185, %dma_wait3A_186] : memref<80x128xf32, #tpu.memory_space<vmem>> -> memref<65x128xf32, #tpu.memory_space<vmem>>
      %dma_wait3A_188 = arith.constant 0 : i32
      %dma_wait3A_189 = tpu.memref_slice %arg4[%arg0, %add3A_172, %dma_wait3A_188] : memref<2x10000x128xf32, #tpu.memory_space<hbm>> -> memref<1x65x128xf32, #tpu.memory_space<hbm>>
      %dma_wait3A_190 = tpu.memref_squeeze %dma_wait3A_189 : memref<1x65x128xf32, #tpu.memory_space<hbm>> -> memref<65x128xf32, #tpu.memory_space<hbm>>
      %dma_wait3A_191 = arith.constant 0 : i32
      %dma_wait3A_192 = tpu.memref_slice %arg4[%arg0, %add3A_172, %dma_wait3A_191] : memref<2x10000x128xf32, #tpu.memory_space<hbm>> -> memref<1x65x128xf32, #tpu.memory_space<hbm>>
      %dma_wait3A_193 = tpu.memref_squeeze %dma_wait3A_192 : memref<1x65x128xf32, #tpu.memory_space<hbm>> -> memref<65x128xf32, #tpu.memory_space<hbm>>
      %dma_wait3A_194 = arith.constant 0 : i32
      %dma_wait3A_195 = arith.constant 0 : i32
      %dma_wait3A_196 = tpu.memref_slice %arg9[%dma_wait3A_194, %dma_wait3A_195] : memref<80x128xf32, #tpu.memory_space<vmem>> -> memref<65x128xf32, #tpu.memory_space<vmem>>
      tpu.wait_dma2 semaphore(%run_scoped3A : memref<!tpu.dma_semaphore, #tpu.memory_space<semaphore_mem>>) src(%dma_wait3A_196 : memref<65x128xf32, #tpu.memory_space<vmem>>) dst(%dma_wait3A_193 : memref<65x128xf32, #tpu.memory_space<hbm>>)
      tpu.yield
    }) : () -> ()
    return
  }
}

#map = affine_map<(d0, d1) -> (0, 0)>
#map1 = affine_map<(d0, d1) -> (0, 0, 0)>
module attributes {stable_mosaic.version = 14 : i64} {
  func.func @sc_kernel(%arg0: i32, %arg1: i32, %arg2: memref<2x320000xi32, #tpu.memory_space<hbm>>, %arg3: memref<320000x16xf32, #tpu.memory_space<hbm>>, %arg4: memref<1x8x128xf32, #tpu.memory_space<hbm>>, %arg5: memref<2x10000x16xf32, #tpu.memory_space<hbm>>, %arg6: memref<2x10000x16xf32, #tpu.memory_space<hbm>>, %arg7: memref<10000x16xf32, #tpu.memory_space<vmem_shared>>, %arg8: memref<10000x16xf32, #tpu.memory_space<vmem_shared>>, %arg9: memref<128x16xf32, #tpu.memory_space<vmem>>, %arg10: memref<128x16xf32, #tpu.memory_space<vmem>>, %arg11: memref<128xi32, #tpu.memory_space<vmem>>, %arg12: memref<128x16xf32, #tpu.memory_space<vmem>>, %arg13: memref<!tpu.dma_semaphore, #tpu.memory_space<semaphore_mem>>, %arg14: memref<!tpu.dma_semaphore, #tpu.memory_space<semaphore_mem>>, %arg15: memref<128xi32, #tpu.memory_space<vmem>>, %arg16: memref<128x16xf32, #tpu.memory_space<vmem>>, %arg17: memref<!tpu.dma_semaphore, #tpu.memory_space<semaphore_mem>>, %arg18: memref<!tpu.dma_semaphore, #tpu.memory_space<semaphore_mem>>, %arg19: memref<128xi32, #tpu.memory_space<vmem>>, %arg20: memref<128x16xf32, #tpu.memory_space<vmem>>, %arg21: memref<!tpu.dma_semaphore, #tpu.memory_space<semaphore_mem>>, %arg22: memref<!tpu.dma_semaphore, #tpu.memory_space<semaphore_mem>>) attributes {dimension_semantics = [#tpu.dimension_semantics<core_parallel>, #tpu.dimension_semantics<subcore_parallel>], iteration_bounds = array<i64: 2, 16>, scalar_prefetch = 0 : i64, scratch_operands = 16 : i64, tpu.core_type = #tpu.core_type<sc_vector_subcore>, window_params = [{transform_indices = #map}, {transform_indices = #map}, {transform_indices = #map1}, {transform_indices = #map1}, {transform_indices = #map1}]} {
    %mul3A = arith.constant 2 : i32
    %mul3A_0 = arith.muli %arg1, %mul3A : i32
    %add3A = arith.addi %mul3A_0, %arg0 : i32
    %mul3A_1 = arith.constant 78 : i32
    %mul3A_2 = arith.muli %add3A, %mul3A_1 : i32
    %broadcast_in_dim3A = arith.constant 0.000000e+00 : f32
    %broadcast_in_dim3A_3 = vector.broadcast %broadcast_in_dim3A : f32 to vector<16xf32>
    %scan3A = arith.constant 0 : i32
    %scan3A_4 = arith.constant 0 : i32
    %scan3A_5 = arith.constant 128 : i32
    %scan3A_6 = arith.addi %scan3A_4, %scan3A_5 : i32
    %scan3A_7 = arith.constant 1 : i32
    scf.for %scan3A_76 = %scan3A_4 to %scan3A_6 step %scan3A_7  : i32 {
      %swap3A = arith.index_cast %scan3A_76 : i32 to index
      %swap3A_77 = arith.constant 0 : index
      %swap3A_78 = tpu.vector_load %arg12[%swap3A, %swap3A_77] {strides = array<i32>} : memref<128x16xf32, #tpu.memory_space<vmem>>, vector<1x16xf32>,
      %swap3A_79 = vector.shape_cast %swap3A_78 : vector<1x16xf32> to vector<16xf32>
      %swap3A_80 = vector.shape_cast %broadcast_in_dim3A_3 : vector<16xf32> to vector<1x16xf32>
      tpu.vector_store %arg12[%swap3A, %swap3A_77], %swap3A_80 {strides = array<i32>} : memref<128x16xf32, #tpu.memory_space<vmem>>, vector<1x16xf32>,
      %broadcast_in_dim3A_81 = arith.constant 1.000000e+00 : f32
      %broadcast_in_dim3A_82 = vector.broadcast %broadcast_in_dim3A_81 : f32 to vector<16xf32>
      %swap3A_83 = arith.index_cast %scan3A_76 : i32 to index
      %swap3A_84 = arith.constant 0 : index
      %swap3A_85 = tpu.vector_load %arg9[%swap3A_83, %swap3A_84] {strides = array<i32>} : memref<128x16xf32, #tpu.memory_space<vmem>>, vector<1x16xf32>,
      %swap3A_86 = vector.shape_cast %swap3A_85 : vector<1x16xf32> to vector<16xf32>
      %swap3A_87 = vector.shape_cast %broadcast_in_dim3A_82 : vector<16xf32> to vector<1x16xf32>
      tpu.vector_store %arg9[%swap3A_83, %swap3A_84], %swap3A_87 {strides = array<i32>} : memref<128x16xf32, #tpu.memory_space<vmem>>, vector<1x16xf32>,
      %swap3A_88 = arith.index_cast %scan3A_76 : i32 to index
      %swap3A_89 = arith.constant 0 : index
      %swap3A_90 = tpu.vector_load %arg10[%swap3A_88, %swap3A_89] {strides = array<i32>} : memref<128x16xf32, #tpu.memory_space<vmem>>, vector<1x16xf32>,
      %swap3A_91 = vector.shape_cast %swap3A_90 : vector<1x16xf32> to vector<16xf32>
      %swap3A_92 = vector.shape_cast %broadcast_in_dim3A_3 : vector<16xf32> to vector<1x16xf32>
      tpu.vector_store %arg10[%swap3A_88, %swap3A_89], %swap3A_92 {strides = array<i32>} : memref<128x16xf32, #tpu.memory_space<vmem>>, vector<1x16xf32>,
    }
    %scan3A_8 = arith.constant 128 : i32
    %mul3A_9 = arith.constant 625 : i32
    %mul3A_10 = arith.muli %arg1, %mul3A_9 : i32
    %scan3A_11 = arith.constant 0 : i32
    %scan3A_12 = arith.constant 0 : i32
    %scan3A_13 = arith.constant 4 : i32
    %scan3A_14 = arith.addi %scan3A_12, %scan3A_13 : i32
    %scan3A_15 = arith.constant 1 : i32
    scf.for %scan3A_76 = %scan3A_12 to %scan3A_14 step %scan3A_15  : i32 {
      %mul3A_77 = arith.constant 128 : i32
      %mul3A_78 = arith.muli %scan3A_76, %mul3A_77 : i32
      %add3A_79 = arith.addi %mul3A_10, %mul3A_78 : i32
      "tpu.region"() ({
        %run_scoped3A = tpu.sem_alloc : memref<!tpu.dma_semaphore, #tpu.memory_space<semaphore_mem>>
        %dma_start3A_80 = arith.constant 0 : i32
        %dma_start3A_81 = tpu.memref_slice %arg7[%add3A_79, %dma_start3A_80] : memref<10000x16xf32, #tpu.memory_space<vmem_shared>> -> memref<128x16xf32, #tpu.memory_space<vmem_shared>>
        %dma_start3A_82 = arith.constant 0 : i32
        %dma_start3A_83 = tpu.memref_slice %arg7[%add3A_79, %dma_start3A_82] : memref<10000x16xf32, #tpu.memory_space<vmem_shared>> -> memref<128x16xf32, #tpu.memory_space<vmem_shared>>
        tpu.enqueue_dma source(%arg12 : memref<128x16xf32, #tpu.memory_space<vmem>>) target(%dma_start3A_83 : memref<128x16xf32, #tpu.memory_space<vmem_shared>>) target_semaphore(%run_scoped3A : memref<!tpu.dma_semaphore, #tpu.memory_space<semaphore_mem>>)
        %dma_wait3A_84 = arith.constant 0 : i32
        %dma_wait3A_85 = tpu.memref_slice %arg7[%add3A_79, %dma_wait3A_84] : memref<10000x16xf32, #tpu.memory_space<vmem_shared>> -> memref<128x16xf32, #tpu.memory_space<vmem_shared>>
        %dma_wait3A_86 = arith.constant 0 : i32
        %dma_wait3A_87 = tpu.memref_slice %arg7[%add3A_79, %dma_wait3A_86] : memref<10000x16xf32, #tpu.memory_space<vmem_shared>> -> memref<128x16xf32, #tpu.memory_space<vmem_shared>>
        tpu.wait_dma2 semaphore(%run_scoped3A : memref<!tpu.dma_semaphore, #tpu.memory_space<semaphore_mem>>) src(%arg12 : memref<128x16xf32, #tpu.memory_space<vmem>>) dst(%dma_wait3A_87 : memref<128x16xf32, #tpu.memory_space<vmem_shared>>)
        tpu.yield
      }) : () -> ()
      "tpu.region"() ({
        %run_scoped3A = tpu.sem_alloc : memref<!tpu.dma_semaphore, #tpu.memory_space<semaphore_mem>>
        %dma_start3A_80 = arith.constant 0 : i32
        %dma_start3A_81 = tpu.memref_slice %arg8[%add3A_79, %dma_start3A_80] : memref<10000x16xf32, #tpu.memory_space<vmem_shared>> -> memref<128x16xf32, #tpu.memory_space<vmem_shared>>
        %dma_start3A_82 = arith.constant 0 : i32
        %dma_start3A_83 = tpu.memref_slice %arg8[%add3A_79, %dma_start3A_82] : memref<10000x16xf32, #tpu.memory_space<vmem_shared>> -> memref<128x16xf32, #tpu.memory_space<vmem_shared>>
        tpu.enqueue_dma source(%arg10 : memref<128x16xf32, #tpu.memory_space<vmem>>) target(%dma_start3A_83 : memref<128x16xf32, #tpu.memory_space<vmem_shared>>) target_semaphore(%run_scoped3A : memref<!tpu.dma_semaphore, #tpu.memory_space<semaphore_mem>>)
        %dma_wait3A_84 = arith.constant 0 : i32
        %dma_wait3A_85 = tpu.memref_slice %arg8[%add3A_79, %dma_wait3A_84] : memref<10000x16xf32, #tpu.memory_space<vmem_shared>> -> memref<128x16xf32, #tpu.memory_space<vmem_shared>>
        %dma_wait3A_86 = arith.constant 0 : i32
        %dma_wait3A_87 = tpu.memref_slice %arg8[%add3A_79, %dma_wait3A_86] : memref<10000x16xf32, #tpu.memory_space<vmem_shared>> -> memref<128x16xf32, #tpu.memory_space<vmem_shared>>
        tpu.wait_dma2 semaphore(%run_scoped3A : memref<!tpu.dma_semaphore, #tpu.memory_space<semaphore_mem>>) src(%arg10 : memref<128x16xf32, #tpu.memory_space<vmem>>) dst(%dma_wait3A_87 : memref<128x16xf32, #tpu.memory_space<vmem_shared>>)
        tpu.yield
      }) : () -> ()
    }
    %scan3A_16 = arith.constant 4 : i32
    %add3A_17 = arith.constant 512 : i32
    %add3A_18 = arith.addi %mul3A_10, %add3A_17 : i32
    "tpu.region"() ({
      %run_scoped3A = tpu.sem_alloc : memref<!tpu.dma_semaphore, #tpu.memory_space<semaphore_mem>>
      %dma_start3A_76 = arith.constant 0 : i32
      %dma_start3A_77 = arith.constant 0 : i32
      %dma_start3A_78 = tpu.memref_slice %arg12[%dma_start3A_76, %dma_start3A_77] : memref<128x16xf32, #tpu.memory_space<vmem>> -> memref<113x16xf32, #tpu.memory_space<vmem>>
      %dma_start3A_79 = arith.constant 0 : i32
      %dma_start3A_80 = tpu.memref_slice %arg7[%add3A_18, %dma_start3A_79] : memref<10000x16xf32, #tpu.memory_space<vmem_shared>> -> memref<113x16xf32, #tpu.memory_space<vmem_shared>>
      %dma_start3A_81 = arith.constant 0 : i32
      %dma_start3A_82 = tpu.memref_slice %arg7[%add3A_18, %dma_start3A_81] : memref<10000x16xf32, #tpu.memory_space<vmem_shared>> -> memref<113x16xf32, #tpu.memory_space<vmem_shared>>
      %dma_start3A_83 = arith.constant 0 : i32
      %dma_start3A_84 = arith.constant 0 : i32
      %dma_start3A_85 = tpu.memref_slice %arg12[%dma_start3A_83, %dma_start3A_84] : memref<128x16xf32, #tpu.memory_space<vmem>> -> memref<113x16xf32, #tpu.memory_space<vmem>>
      tpu.enqueue_dma source(%dma_start3A_85 : memref<113x16xf32, #tpu.memory_space<vmem>>) target(%dma_start3A_82 : memref<113x16xf32, #tpu.memory_space<vmem_shared>>) target_semaphore(%run_scoped3A : memref<!tpu.dma_semaphore, #tpu.memory_space<semaphore_mem>>)
      %dma_wait3A_86 = arith.constant 0 : i32
      %dma_wait3A_87 = arith.constant 0 : i32
      %dma_wait3A_88 = tpu.memref_slice %arg12[%dma_wait3A_86, %dma_wait3A_87] : memref<128x16xf32, #tpu.memory_space<vmem>> -> memref<113x16xf32, #tpu.memory_space<vmem>>
      %dma_wait3A_89 = arith.constant 0 : i32
      %dma_wait3A_90 = tpu.memref_slice %arg7[%add3A_18, %dma_wait3A_89] : memref<10000x16xf32, #tpu.memory_space<vmem_shared>> -> memref<113x16xf32, #tpu.memory_space<vmem_shared>>
      %dma_wait3A_91 = arith.constant 0 : i32
      %dma_wait3A_92 = tpu.memref_slice %arg7[%add3A_18, %dma_wait3A_91] : memref<10000x16xf32, #tpu.memory_space<vmem_shared>> -> memref<113x16xf32, #tpu.memory_space<vmem_shared>>
      %dma_wait3A_93 = arith.constant 0 : i32
      %dma_wait3A_94 = arith.constant 0 : i32
      %dma_wait3A_95 = tpu.memref_slice %arg12[%dma_wait3A_93, %dma_wait3A_94] : memref<128x16xf32, #tpu.memory_space<vmem>> -> memref<113x16xf32, #tpu.memory_space<vmem>>
      tpu.wait_dma2 semaphore(%run_scoped3A : memref<!tpu.dma_semaphore, #tpu.memory_space<semaphore_mem>>) src(%dma_wait3A_95 : memref<113x16xf32, #tpu.memory_space<vmem>>) dst(%dma_wait3A_92 : memref<113x16xf32, #tpu.memory_space<vmem_shared>>)
      tpu.yield
    }) : () -> ()
    "tpu.region"() ({
      %run_scoped3A = tpu.sem_alloc : memref<!tpu.dma_semaphore, #tpu.memory_space<semaphore_mem>>
      %dma_start3A_76 = arith.constant 0 : i32
      %dma_start3A_77 = arith.constant 0 : i32
      %dma_start3A_78 = tpu.memref_slice %arg10[%dma_start3A_76, %dma_start3A_77] : memref<128x16xf32, #tpu.memory_space<vmem>> -> memref<113x16xf32, #tpu.memory_space<vmem>>
      %dma_start3A_79 = arith.constant 0 : i32
      %dma_start3A_80 = tpu.memref_slice %arg8[%add3A_18, %dma_start3A_79] : memref<10000x16xf32, #tpu.memory_space<vmem_shared>> -> memref<113x16xf32, #tpu.memory_space<vmem_shared>>
      %dma_start3A_81 = arith.constant 0 : i32
      %dma_start3A_82 = tpu.memref_slice %arg8[%add3A_18, %dma_start3A_81] : memref<10000x16xf32, #tpu.memory_space<vmem_shared>> -> memref<113x16xf32, #tpu.memory_space<vmem_shared>>
      %dma_start3A_83 = arith.constant 0 : i32
      %dma_start3A_84 = arith.constant 0 : i32
      %dma_start3A_85 = tpu.memref_slice %arg10[%dma_start3A_83, %dma_start3A_84] : memref<128x16xf32, #tpu.memory_space<vmem>> -> memref<113x16xf32, #tpu.memory_space<vmem>>
      tpu.enqueue_dma source(%dma_start3A_85 : memref<113x16xf32, #tpu.memory_space<vmem>>) target(%dma_start3A_82 : memref<113x16xf32, #tpu.memory_space<vmem_shared>>) target_semaphore(%run_scoped3A : memref<!tpu.dma_semaphore, #tpu.memory_space<semaphore_mem>>)
      %dma_wait3A_86 = arith.constant 0 : i32
      %dma_wait3A_87 = arith.constant 0 : i32
      %dma_wait3A_88 = tpu.memref_slice %arg10[%dma_wait3A_86, %dma_wait3A_87] : memref<128x16xf32, #tpu.memory_space<vmem>> -> memref<113x16xf32, #tpu.memory_space<vmem>>
      %dma_wait3A_89 = arith.constant 0 : i32
      %dma_wait3A_90 = tpu.memref_slice %arg8[%add3A_18, %dma_wait3A_89] : memref<10000x16xf32, #tpu.memory_space<vmem_shared>> -> memref<113x16xf32, #tpu.memory_space<vmem_shared>>
      %dma_wait3A_91 = arith.constant 0 : i32
      %dma_wait3A_92 = tpu.memref_slice %arg8[%add3A_18, %dma_wait3A_91] : memref<10000x16xf32, #tpu.memory_space<vmem_shared>> -> memref<113x16xf32, #tpu.memory_space<vmem_shared>>
      %dma_wait3A_93 = arith.constant 0 : i32
      %dma_wait3A_94 = arith.constant 0 : i32
      %dma_wait3A_95 = tpu.memref_slice %arg10[%dma_wait3A_93, %dma_wait3A_94] : memref<128x16xf32, #tpu.memory_space<vmem>> -> memref<113x16xf32, #tpu.memory_space<vmem>>
      tpu.wait_dma2 semaphore(%run_scoped3A : memref<!tpu.dma_semaphore, #tpu.memory_space<semaphore_mem>>) src(%dma_wait3A_95 : memref<113x16xf32, #tpu.memory_space<vmem>>) dst(%dma_wait3A_92 : memref<113x16xf32, #tpu.memory_space<vmem_shared>>)
      tpu.yield
    }) : () -> ()
    %barrier3A = arith.constant 0 : index
    tpu.barrier barrier_id(%barrier3A)
    %mul3A_19 = arith.constant 128 : i32
    %mul3A_20 = arith.muli %mul3A_2, %mul3A_19 : i32
    %dma_start3A = arith.constant 1 : i32
    %dma_start3A_21 = tpu.memref_slice %arg2[%dma_start3A, %mul3A_20] : memref<2x320000xi32, #tpu.memory_space<hbm>> -> memref<1x128xi32, #tpu.memory_space<hbm>>
    %dma_start3A_22 = tpu.memref_squeeze %dma_start3A_21 : memref<1x128xi32, #tpu.memory_space<hbm>> -> memref<128xi32, #tpu.memory_space<hbm>>
    %dma_start3A_23 = tpu.memref_slice %arg2[%dma_start3A, %mul3A_20] : memref<2x320000xi32, #tpu.memory_space<hbm>> -> memref<1x128xi32, #tpu.memory_space<hbm>>
    %dma_start3A_24 = tpu.memref_squeeze %dma_start3A_23 : memref<1x128xi32, #tpu.memory_space<hbm>> -> memref<128xi32, #tpu.memory_space<hbm>>
    tpu.enqueue_dma source(%dma_start3A_24 : memref<128xi32, #tpu.memory_space<hbm>>) target(%arg11 : memref<128xi32, #tpu.memory_space<vmem>>) target_semaphore(%arg13 : memref<!tpu.dma_semaphore, #tpu.memory_space<semaphore_mem>>)
    %dma_start3A_25 = arith.constant 0 : i32
    %dma_start3A_26 = tpu.memref_slice %arg3[%mul3A_20, %dma_start3A_25] : memref<320000x16xf32, #tpu.memory_space<hbm>> -> memref<128x16xf32, #tpu.memory_space<hbm>>
    %dma_start3A_27 = arith.constant 0 : i32
    %dma_start3A_28 = tpu.memref_slice %arg3[%mul3A_20, %dma_start3A_27] : memref<320000x16xf32, #tpu.memory_space<hbm>> -> memref<128x16xf32, #tpu.memory_space<hbm>>
    tpu.enqueue_dma source(%dma_start3A_28 : memref<128x16xf32, #tpu.memory_space<hbm>>) target(%arg12 : memref<128x16xf32, #tpu.memory_space<vmem>>) target_semaphore(%arg13 : memref<!tpu.dma_semaphore, #tpu.memory_space<semaphore_mem>>)
    %add3A_29 = arith.constant 1 : i32
    %add3A_30 = arith.addi %mul3A_2, %add3A_29 : i32
    %mul3A_31 = arith.constant 128 : i32
    %mul3A_32 = arith.muli %add3A_30, %mul3A_31 : i32
    %dma_start3A_33 = arith.constant 1 : i32
    %dma_start3A_34 = tpu.memref_slice %arg2[%dma_start3A_33, %mul3A_32] : memref<2x320000xi32, #tpu.memory_space<hbm>> -> memref<1x128xi32, #tpu.memory_space<hbm>>
    %dma_start3A_35 = tpu.memref_squeeze %dma_start3A_34 : memref<1x128xi32, #tpu.memory_space<hbm>> -> memref<128xi32, #tpu.memory_space<hbm>>
    %dma_start3A_36 = tpu.memref_slice %arg2[%dma_start3A_33, %mul3A_32] : memref<2x320000xi32, #tpu.memory_space<hbm>> -> memref<1x128xi32, #tpu.memory_space<hbm>>
    %dma_start3A_37 = tpu.memref_squeeze %dma_start3A_36 : memref<1x128xi32, #tpu.memory_space<hbm>> -> memref<128xi32, #tpu.memory_space<hbm>>
    tpu.enqueue_dma source(%dma_start3A_37 : memref<128xi32, #tpu.memory_space<hbm>>) target(%arg15 : memref<128xi32, #tpu.memory_space<vmem>>) target_semaphore(%arg17 : memref<!tpu.dma_semaphore, #tpu.memory_space<semaphore_mem>>)
    %dma_start3A_38 = arith.constant 0 : i32
    %dma_start3A_39 = tpu.memref_slice %arg3[%mul3A_32, %dma_start3A_38] : memref<320000x16xf32, #tpu.memory_space<hbm>> -> memref<128x16xf32, #tpu.memory_space<hbm>>
    %dma_start3A_40 = arith.constant 0 : i32
    %dma_start3A_41 = tpu.memref_slice %arg3[%mul3A_32, %dma_start3A_40] : memref<320000x16xf32, #tpu.memory_space<hbm>> -> memref<128x16xf32, #tpu.memory_space<hbm>>
    tpu.enqueue_dma source(%dma_start3A_41 : memref<128x16xf32, #tpu.memory_space<hbm>>) target(%arg16 : memref<128x16xf32, #tpu.memory_space<vmem>>) target_semaphore(%arg17 : memref<!tpu.dma_semaphore, #tpu.memory_space<semaphore_mem>>)
    %scan3A_42 = arith.constant 0 : i32
    %scan3A_43 = arith.constant 0 : i32
    %scan3A_44 = arith.constant 26 : i32
    %scan3A_45 = arith.addi %scan3A_43, %scan3A_44 : i32
    %scan3A_46 = arith.constant 1 : i32
    scf.for %scan3A_76 = %scan3A_43 to %scan3A_45 step %scan3A_46  : i32 {
      %mul3A_77 = arith.constant 3 : i32
      %mul3A_78 = arith.muli %scan3A_76, %mul3A_77 : i32
      %add3A_79 = arith.constant 0 : i32
      %add3A_80 = arith.addi %mul3A_78, %add3A_79 : i32
      %dma_wait3A_81 = arith.constant 1 : i32
      %dma_wait3A_82 = arith.constant 0 : i32
      %dma_wait3A_83 = tpu.memref_slice %arg2[%dma_wait3A_81, %dma_wait3A_82] : memref<2x320000xi32, #tpu.memory_space<hbm>> -> memref<1x128xi32, #tpu.memory_space<hbm>>
      %dma_wait3A_84 = tpu.memref_squeeze %dma_wait3A_83 : memref<1x128xi32, #tpu.memory_space<hbm>> -> memref<128xi32, #tpu.memory_space<hbm>>
      %dma_wait3A_85 = arith.constant 0 : i32
      %dma_wait3A_86 = tpu.memref_slice %arg2[%dma_wait3A_81, %dma_wait3A_85] : memref<2x320000xi32, #tpu.memory_space<hbm>> -> memref<1x128xi32, #tpu.memory_space<hbm>>
      %dma_wait3A_87 = tpu.memref_squeeze %dma_wait3A_86 : memref<1x128xi32, #tpu.memory_space<hbm>> -> memref<128xi32, #tpu.memory_space<hbm>>
      tpu.wait_dma2 semaphore(%arg13 : memref<!tpu.dma_semaphore, #tpu.memory_space<semaphore_mem>>) src(%dma_wait3A_87 : memref<128xi32, #tpu.memory_space<hbm>>) dst(%arg11 : memref<128xi32, #tpu.memory_space<vmem>>)
      %dma_wait3A_88 = arith.constant 0 : i32
      %dma_wait3A_89 = arith.constant 0 : i32
      %dma_wait3A_90 = tpu.memref_slice %arg3[%dma_wait3A_88, %dma_wait3A_89] : memref<320000x16xf32, #tpu.memory_space<hbm>> -> memref<128x16xf32, #tpu.memory_space<hbm>>
      %dma_wait3A_91 = arith.constant 0 : i32
      %dma_wait3A_92 = arith.constant 0 : i32
      %dma_wait3A_93 = tpu.memref_slice %arg3[%dma_wait3A_91, %dma_wait3A_92] : memref<320000x16xf32, #tpu.memory_space<hbm>> -> memref<128x16xf32, #tpu.memory_space<hbm>>
      tpu.wait_dma2 semaphore(%arg13 : memref<!tpu.dma_semaphore, #tpu.memory_space<semaphore_mem>>) src(%dma_wait3A_93 : memref<128x16xf32, #tpu.memory_space<hbm>>) dst(%arg12 : memref<128x16xf32, #tpu.memory_space<vmem>>)
      %dma_start3A_94 = arith.constant 0 : i32
      %dma_start3A_95 = arith.constant 0 : i32
      %dma_start3A_96 = tpu.memref_slice %arg7[%dma_start3A_94, %dma_start3A_95] : memref<10000x16xf32, #tpu.memory_space<vmem_shared>> -> memref<10000x16xf32, #tpu.memory_space<vmem_shared>>
      tpu.enqueue_indirect_dma source(%arg12 : memref<128x16xf32, #tpu.memory_space<vmem>>) target(%dma_start3A_96 : memref<10000x16xf32, #tpu.memory_space<vmem_shared>>) offsets(%arg11 : memref<128xi32, #tpu.memory_space<vmem>>) semaphore(%arg14 : memref<!tpu.dma_semaphore, #tpu.memory_space<semaphore_mem>>) {add = true}
      %dma_start3A_97 = arith.constant 0 : i32
      %dma_start3A_98 = arith.constant 0 : i32
      %dma_start3A_99 = tpu.memref_slice %arg8[%dma_start3A_97, %dma_start3A_98] : memref<10000x16xf32, #tpu.memory_space<vmem_shared>> -> memref<10000x16xf32, #tpu.memory_space<vmem_shared>>
      tpu.enqueue_indirect_dma source(%arg9 : memref<128x16xf32, #tpu.memory_space<vmem>>) target(%dma_start3A_99 : memref<10000x16xf32, #tpu.memory_space<vmem_shared>>) offsets(%arg11 : memref<128xi32, #tpu.memory_space<vmem>>) semaphore(%arg14 : memref<!tpu.dma_semaphore, #tpu.memory_space<semaphore_mem>>) {add = true}
      %add3A_100 = arith.constant 2 : i32
      %add3A_101 = arith.addi %add3A_80, %add3A_100 : i32
      %lt3A_102 = arith.constant 78 : i32
      %lt3A_103 = arith.cmpi slt, %add3A_101, %lt3A_102 : i32
      %convert_element_type3A_104 = arith.extui %lt3A_103 : i1 to i32
      %cond3A_105 = arith.constant 0 : i32
      %cond3A_106 = arith.cmpi ne, %convert_element_type3A_104, %cond3A_105 : i32
      scf.if %cond3A_106 {
        %add3A_163 = arith.constant 2 : i32
        %add3A_164 = arith.addi %add3A_80, %add3A_163 : i32
        %ge3A = arith.constant 3 : i32
        %ge3A_165 = arith.cmpi sge, %add3A_164, %ge3A : i32
        %convert_element_type3A_166 = arith.extui %ge3A_165 : i1 to i32
        %cond3A_167 = arith.constant 0 : i32
        %cond3A_168 = arith.cmpi ne, %convert_element_type3A_166, %cond3A_167 : i32
        scf.if %cond3A_168 {
          %dma_wait3A_183 = arith.constant 0 : i32
          %dma_wait3A_184 = arith.constant 0 : i32
          %dma_wait3A_185 = tpu.memref_slice %arg7[%dma_wait3A_183, %dma_wait3A_184] : memref<10000x16xf32, #tpu.memory_space<vmem_shared>> -> memref<10000x16xf32, #tpu.memory_space<vmem_shared>>
          tpu.wait_indirect_dma semaphore(%arg22 : memref<!tpu.dma_semaphore, #tpu.memory_space<semaphore_mem>>) src(%arg20 : memref<128x16xf32, #tpu.memory_space<vmem>>) dst(%dma_wait3A_185 : memref<10000x16xf32, #tpu.memory_space<vmem_shared>>)
          %dma_wait3A_186 = arith.constant 0 : i32
          %dma_wait3A_187 = arith.constant 0 : i32
          %dma_wait3A_188 = tpu.memref_slice %arg8[%dma_wait3A_186, %dma_wait3A_187] : memref<10000x16xf32, #tpu.memory_space<vmem_shared>> -> memref<10000x16xf32, #tpu.memory_space<vmem_shared>>
          tpu.wait_indirect_dma semaphore(%arg22 : memref<!tpu.dma_semaphore, #tpu.memory_space<semaphore_mem>>) src(%arg9 : memref<128x16xf32, #tpu.memory_space<vmem>>) dst(%dma_wait3A_188 : memref<10000x16xf32, #tpu.memory_space<vmem_shared>>)
        } else {
        }
        %add3A_169 = arith.addi %mul3A_2, %add3A_80 : i32
        %add3A_170 = arith.constant 2 : i32
        %add3A_171 = arith.addi %add3A_169, %add3A_170 : i32
        %mul3A_172 = arith.constant 128 : i32
        %mul3A_173 = arith.muli %add3A_171, %mul3A_172 : i32
        %dma_start3A_174 = arith.constant 1 : i32
        %dma_start3A_175 = tpu.memref_slice %arg2[%dma_start3A_174, %mul3A_173] : memref<2x320000xi32, #tpu.memory_space<hbm>> -> memref<1x128xi32, #tpu.memory_space<hbm>>
        %dma_start3A_176 = tpu.memref_squeeze %dma_start3A_175 : memref<1x128xi32, #tpu.memory_space<hbm>> -> memref<128xi32, #tpu.memory_space<hbm>>
        %dma_start3A_177 = tpu.memref_slice %arg2[%dma_start3A_174, %mul3A_173] : memref<2x320000xi32, #tpu.memory_space<hbm>> -> memref<1x128xi32, #tpu.memory_space<hbm>>
        %dma_start3A_178 = tpu.memref_squeeze %dma_start3A_177 : memref<1x128xi32, #tpu.memory_space<hbm>> -> memref<128xi32, #tpu.memory_space<hbm>>
        tpu.enqueue_dma source(%dma_start3A_178 : memref<128xi32, #tpu.memory_space<hbm>>) target(%arg19 : memref<128xi32, #tpu.memory_space<vmem>>) target_semaphore(%arg21 : memref<!tpu.dma_semaphore, #tpu.memory_space<semaphore_mem>>)
        %dma_start3A_179 = arith.constant 0 : i32
        %dma_start3A_180 = tpu.memref_slice %arg3[%mul3A_173, %dma_start3A_179] : memref<320000x16xf32, #tpu.memory_space<hbm>> -> memref<128x16xf32, #tpu.memory_space<hbm>>
        %dma_start3A_181 = arith.constant 0 : i32
        %dma_start3A_182 = tpu.memref_slice %arg3[%mul3A_173, %dma_start3A_181] : memref<320000x16xf32, #tpu.memory_space<hbm>> -> memref<128x16xf32, #tpu.memory_space<hbm>>
        tpu.enqueue_dma source(%dma_start3A_182 : memref<128x16xf32, #tpu.memory_space<hbm>>) target(%arg20 : memref<128x16xf32, #tpu.memory_space<vmem>>) target_semaphore(%arg21 : memref<!tpu.dma_semaphore, #tpu.memory_space<semaphore_mem>>)
      } else {
      }
      %add3A_107 = arith.constant 1 : i32
      %add3A_108 = arith.addi %mul3A_78, %add3A_107 : i32
      %dma_wait3A_109 = arith.constant 1 : i32
      %dma_wait3A_110 = arith.constant 0 : i32
      %dma_wait3A_111 = tpu.memref_slice %arg2[%dma_wait3A_109, %dma_wait3A_110] : memref<2x320000xi32, #tpu.memory_space<hbm>> -> memref<1x128xi32, #tpu.memory_space<hbm>>
      %dma_wait3A_112 = tpu.memref_squeeze %dma_wait3A_111 : memref<1x128xi32, #tpu.memory_space<hbm>> -> memref<128xi32, #tpu.memory_space<hbm>>
      %dma_wait3A_113 = arith.constant 0 : i32
      %dma_wait3A_114 = tpu.memref_slice %arg2[%dma_wait3A_109, %dma_wait3A_113] : memref<2x320000xi32, #tpu.memory_space<hbm>> -> memref<1x128xi32, #tpu.memory_space<hbm>>
      %dma_wait3A_115 = tpu.memref_squeeze %dma_wait3A_114 : memref<1x128xi32, #tpu.memory_space<hbm>> -> memref<128xi32, #tpu.memory_space<hbm>>
      tpu.wait_dma2 semaphore(%arg17 : memref<!tpu.dma_semaphore, #tpu.memory_space<semaphore_mem>>) src(%dma_wait3A_115 : memref<128xi32, #tpu.memory_space<hbm>>) dst(%arg15 : memref<128xi32, #tpu.memory_space<vmem>>)
      %dma_wait3A_116 = arith.constant 0 : i32
      %dma_wait3A_117 = arith.constant 0 : i32
      %dma_wait3A_118 = tpu.memref_slice %arg3[%dma_wait3A_116, %dma_wait3A_117] : memref<320000x16xf32, #tpu.memory_space<hbm>> -> memref<128x16xf32, #tpu.memory_space<hbm>>
      %dma_wait3A_119 = arith.constant 0 : i32
      %dma_wait3A_120 = arith.constant 0 : i32
      %dma_wait3A_121 = tpu.memref_slice %arg3[%dma_wait3A_119, %dma_wait3A_120] : memref<320000x16xf32, #tpu.memory_space<hbm>> -> memref<128x16xf32, #tpu.memory_space<hbm>>
      tpu.wait_dma2 semaphore(%arg17 : memref<!tpu.dma_semaphore, #tpu.memory_space<semaphore_mem>>) src(%dma_wait3A_121 : memref<128x16xf32, #tpu.memory_space<hbm>>) dst(%arg16 : memref<128x16xf32, #tpu.memory_space<vmem>>)
      %dma_start3A_122 = arith.constant 0 : i32
      %dma_start3A_123 = arith.constant 0 : i32
      %dma_start3A_124 = tpu.memref_slice %arg7[%dma_start3A_122, %dma_start3A_123] : memref<10000x16xf32, #tpu.memory_space<vmem_shared>> -> memref<10000x16xf32, #tpu.memory_space<vmem_shared>>
      tpu.enqueue_indirect_dma source(%arg16 : memref<128x16xf32, #tpu.memory_space<vmem>>) target(%dma_start3A_124 : memref<10000x16xf32, #tpu.memory_space<vmem_shared>>) offsets(%arg15 : memref<128xi32, #tpu.memory_space<vmem>>) semaphore(%arg18 : memref<!tpu.dma_semaphore, #tpu.memory_space<semaphore_mem>>) {add = true}
      %dma_start3A_125 = arith.constant 0 : i32
      %dma_start3A_126 = arith.constant 0 : i32
      %dma_start3A_127 = tpu.memref_slice %arg8[%dma_start3A_125, %dma_start3A_126] : memref<10000x16xf32, #tpu.memory_space<vmem_shared>> -> memref<10000x16xf32, #tpu.memory_space<vmem_shared>>
      tpu.enqueue_indirect_dma source(%arg9 : memref<128x16xf32, #tpu.memory_space<vmem>>) target(%dma_start3A_127 : memref<10000x16xf32, #tpu.memory_space<vmem_shared>>) offsets(%arg15 : memref<128xi32, #tpu.memory_space<vmem>>) semaphore(%arg18 : memref<!tpu.dma_semaphore, #tpu.memory_space<semaphore_mem>>) {add = true}
      %add3A_128 = arith.constant 2 : i32
      %add3A_129 = arith.addi %add3A_108, %add3A_128 : i32
      %lt3A_130 = arith.constant 78 : i32
      %lt3A_131 = arith.cmpi slt, %add3A_129, %lt3A_130 : i32
      %convert_element_type3A_132 = arith.extui %lt3A_131 : i1 to i32
      %cond3A_133 = arith.constant 0 : i32
      %cond3A_134 = arith.cmpi ne, %convert_element_type3A_132, %cond3A_133 : i32
      scf.if %cond3A_134 {
        %add3A_163 = arith.constant 2 : i32
        %add3A_164 = arith.addi %add3A_108, %add3A_163 : i32
        %ge3A = arith.constant 3 : i32
        %ge3A_165 = arith.cmpi sge, %add3A_164, %ge3A : i32
        %convert_element_type3A_166 = arith.extui %ge3A_165 : i1 to i32
        %cond3A_167 = arith.constant 0 : i32
        %cond3A_168 = arith.cmpi ne, %convert_element_type3A_166, %cond3A_167 : i32
        scf.if %cond3A_168 {
          %dma_wait3A_183 = arith.constant 0 : i32
          %dma_wait3A_184 = arith.constant 0 : i32
          %dma_wait3A_185 = tpu.memref_slice %arg7[%dma_wait3A_183, %dma_wait3A_184] : memref<10000x16xf32, #tpu.memory_space<vmem_shared>> -> memref<10000x16xf32, #tpu.memory_space<vmem_shared>>
          tpu.wait_indirect_dma semaphore(%arg14 : memref<!tpu.dma_semaphore, #tpu.memory_space<semaphore_mem>>) src(%arg12 : memref<128x16xf32, #tpu.memory_space<vmem>>) dst(%dma_wait3A_185 : memref<10000x16xf32, #tpu.memory_space<vmem_shared>>)
          %dma_wait3A_186 = arith.constant 0 : i32
          %dma_wait3A_187 = arith.constant 0 : i32
          %dma_wait3A_188 = tpu.memref_slice %arg8[%dma_wait3A_186, %dma_wait3A_187] : memref<10000x16xf32, #tpu.memory_space<vmem_shared>> -> memref<10000x16xf32, #tpu.memory_space<vmem_shared>>
          tpu.wait_indirect_dma semaphore(%arg14 : memref<!tpu.dma_semaphore, #tpu.memory_space<semaphore_mem>>) src(%arg9 : memref<128x16xf32, #tpu.memory_space<vmem>>) dst(%dma_wait3A_188 : memref<10000x16xf32, #tpu.memory_space<vmem_shared>>)
        } else {
        }
        %add3A_169 = arith.addi %mul3A_2, %add3A_108 : i32
        %add3A_170 = arith.constant 2 : i32
        %add3A_171 = arith.addi %add3A_169, %add3A_170 : i32
        %mul3A_172 = arith.constant 128 : i32
        %mul3A_173 = arith.muli %add3A_171, %mul3A_172 : i32
        %dma_start3A_174 = arith.constant 1 : i32
        %dma_start3A_175 = tpu.memref_slice %arg2[%dma_start3A_174, %mul3A_173] : memref<2x320000xi32, #tpu.memory_space<hbm>> -> memref<1x128xi32, #tpu.memory_space<hbm>>
        %dma_start3A_176 = tpu.memref_squeeze %dma_start3A_175 : memref<1x128xi32, #tpu.memory_space<hbm>> -> memref<128xi32, #tpu.memory_space<hbm>>
        %dma_start3A_177 = tpu.memref_slice %arg2[%dma_start3A_174, %mul3A_173] : memref<2x320000xi32, #tpu.memory_space<hbm>> -> memref<1x128xi32, #tpu.memory_space<hbm>>
        %dma_start3A_178 = tpu.memref_squeeze %dma_start3A_177 : memref<1x128xi32, #tpu.memory_space<hbm>> -> memref<128xi32, #tpu.memory_space<hbm>>
        tpu.enqueue_dma source(%dma_start3A_178 : memref<128xi32, #tpu.memory_space<hbm>>) target(%arg11 : memref<128xi32, #tpu.memory_space<vmem>>) target_semaphore(%arg13 : memref<!tpu.dma_semaphore, #tpu.memory_space<semaphore_mem>>)
        %dma_start3A_179 = arith.constant 0 : i32
        %dma_start3A_180 = tpu.memref_slice %arg3[%mul3A_173, %dma_start3A_179] : memref<320000x16xf32, #tpu.memory_space<hbm>> -> memref<128x16xf32, #tpu.memory_space<hbm>>
        %dma_start3A_181 = arith.constant 0 : i32
        %dma_start3A_182 = tpu.memref_slice %arg3[%mul3A_173, %dma_start3A_181] : memref<320000x16xf32, #tpu.memory_space<hbm>> -> memref<128x16xf32, #tpu.memory_space<hbm>>
        tpu.enqueue_dma source(%dma_start3A_182 : memref<128x16xf32, #tpu.memory_space<hbm>>) target(%arg12 : memref<128x16xf32, #tpu.memory_space<vmem>>) target_semaphore(%arg13 : memref<!tpu.dma_semaphore, #tpu.memory_space<semaphore_mem>>)
      } else {
      }
      %add3A_135 = arith.constant 2 : i32
      %add3A_136 = arith.addi %mul3A_78, %add3A_135 : i32
      %dma_wait3A_137 = arith.constant 1 : i32
      %dma_wait3A_138 = arith.constant 0 : i32
      %dma_wait3A_139 = tpu.memref_slice %arg2[%dma_wait3A_137, %dma_wait3A_138] : memref<2x320000xi32, #tpu.memory_space<hbm>> -> memref<1x128xi32, #tpu.memory_space<hbm>>
      %dma_wait3A_140 = tpu.memref_squeeze %dma_wait3A_139 : memref<1x128xi32, #tpu.memory_space<hbm>> -> memref<128xi32, #tpu.memory_space<hbm>>
      %dma_wait3A_141 = arith.constant 0 : i32
      %dma_wait3A_142 = tpu.memref_slice %arg2[%dma_wait3A_137, %dma_wait3A_141] : memref<2x320000xi32, #tpu.memory_space<hbm>> -> memref<1x128xi32, #tpu.memory_space<hbm>>
      %dma_wait3A_143 = tpu.memref_squeeze %dma_wait3A_142 : memref<1x128xi32, #tpu.memory_space<hbm>> -> memref<128xi32, #tpu.memory_space<hbm>>
      tpu.wait_dma2 semaphore(%arg21 : memref<!tpu.dma_semaphore, #tpu.memory_space<semaphore_mem>>) src(%dma_wait3A_143 : memref<128xi32, #tpu.memory_space<hbm>>) dst(%arg19 : memref<128xi32, #tpu.memory_space<vmem>>)
      %dma_wait3A_144 = arith.constant 0 : i32
      %dma_wait3A_145 = arith.constant 0 : i32
      %dma_wait3A_146 = tpu.memref_slice %arg3[%dma_wait3A_144, %dma_wait3A_145] : memref<320000x16xf32, #tpu.memory_space<hbm>> -> memref<128x16xf32, #tpu.memory_space<hbm>>
      %dma_wait3A_147 = arith.constant 0 : i32
      %dma_wait3A_148 = arith.constant 0 : i32
      %dma_wait3A_149 = tpu.memref_slice %arg3[%dma_wait3A_147, %dma_wait3A_148] : memref<320000x16xf32, #tpu.memory_space<hbm>> -> memref<128x16xf32, #tpu.memory_space<hbm>>
      tpu.wait_dma2 semaphore(%arg21 : memref<!tpu.dma_semaphore, #tpu.memory_space<semaphore_mem>>) src(%dma_wait3A_149 : memref<128x16xf32, #tpu.memory_space<hbm>>) dst(%arg20 : memref<128x16xf32, #tpu.memory_space<vmem>>)
      %dma_start3A_150 = arith.constant 0 : i32
      %dma_start3A_151 = arith.constant 0 : i32
      %dma_start3A_152 = tpu.memref_slice %arg7[%dma_start3A_150, %dma_start3A_151] : memref<10000x16xf32, #tpu.memory_space<vmem_shared>> -> memref<10000x16xf32, #tpu.memory_space<vmem_shared>>
      tpu.enqueue_indirect_dma source(%arg20 : memref<128x16xf32, #tpu.memory_space<vmem>>) target(%dma_start3A_152 : memref<10000x16xf32, #tpu.memory_space<vmem_shared>>) offsets(%arg19 : memref<128xi32, #tpu.memory_space<vmem>>) semaphore(%arg22 : memref<!tpu.dma_semaphore, #tpu.memory_space<semaphore_mem>>) {add = true}
      %dma_start3A_153 = arith.constant 0 : i32
      %dma_start3A_154 = arith.constant 0 : i32
      %dma_start3A_155 = tpu.memref_slice %arg8[%dma_start3A_153, %dma_start3A_154] : memref<10000x16xf32, #tpu.memory_space<vmem_shared>> -> memref<10000x16xf32, #tpu.memory_space<vmem_shared>>
      tpu.enqueue_indirect_dma source(%arg9 : memref<128x16xf32, #tpu.memory_space<vmem>>) target(%dma_start3A_155 : memref<10000x16xf32, #tpu.memory_space<vmem_shared>>) offsets(%arg19 : memref<128xi32, #tpu.memory_space<vmem>>) semaphore(%arg22 : memref<!tpu.dma_semaphore, #tpu.memory_space<semaphore_mem>>) {add = true}
      %add3A_156 = arith.constant 2 : i32
      %add3A_157 = arith.addi %add3A_136, %add3A_156 : i32
      %lt3A_158 = arith.constant 78 : i32
      %lt3A_159 = arith.cmpi slt, %add3A_157, %lt3A_158 : i32
      %convert_element_type3A_160 = arith.extui %lt3A_159 : i1 to i32
      %cond3A_161 = arith.constant 0 : i32
      %cond3A_162 = arith.cmpi ne, %convert_element_type3A_160, %cond3A_161 : i32
      scf.if %cond3A_162 {
        %add3A_163 = arith.constant 2 : i32
        %add3A_164 = arith.addi %add3A_136, %add3A_163 : i32
        %ge3A = arith.constant 3 : i32
        %ge3A_165 = arith.cmpi sge, %add3A_164, %ge3A : i32
        %convert_element_type3A_166 = arith.extui %ge3A_165 : i1 to i32
        %cond3A_167 = arith.constant 0 : i32
        %cond3A_168 = arith.cmpi ne, %convert_element_type3A_166, %cond3A_167 : i32
        scf.if %cond3A_168 {
          %dma_wait3A_183 = arith.constant 0 : i32
          %dma_wait3A_184 = arith.constant 0 : i32
          %dma_wait3A_185 = tpu.memref_slice %arg7[%dma_wait3A_183, %dma_wait3A_184] : memref<10000x16xf32, #tpu.memory_space<vmem_shared>> -> memref<10000x16xf32, #tpu.memory_space<vmem_shared>>
          tpu.wait_indirect_dma semaphore(%arg18 : memref<!tpu.dma_semaphore, #tpu.memory_space<semaphore_mem>>) src(%arg16 : memref<128x16xf32, #tpu.memory_space<vmem>>) dst(%dma_wait3A_185 : memref<10000x16xf32, #tpu.memory_space<vmem_shared>>)
          %dma_wait3A_186 = arith.constant 0 : i32
          %dma_wait3A_187 = arith.constant 0 : i32
          %dma_wait3A_188 = tpu.memref_slice %arg8[%dma_wait3A_186, %dma_wait3A_187] : memref<10000x16xf32, #tpu.memory_space<vmem_shared>> -> memref<10000x16xf32, #tpu.memory_space<vmem_shared>>
          tpu.wait_indirect_dma semaphore(%arg18 : memref<!tpu.dma_semaphore, #tpu.memory_space<semaphore_mem>>) src(%arg9 : memref<128x16xf32, #tpu.memory_space<vmem>>) dst(%dma_wait3A_188 : memref<10000x16xf32, #tpu.memory_space<vmem_shared>>)
        } else {
        }
        %add3A_169 = arith.addi %mul3A_2, %add3A_136 : i32
        %add3A_170 = arith.constant 2 : i32
        %add3A_171 = arith.addi %add3A_169, %add3A_170 : i32
        %mul3A_172 = arith.constant 128 : i32
        %mul3A_173 = arith.muli %add3A_171, %mul3A_172 : i32
        %dma_start3A_174 = arith.constant 1 : i32
        %dma_start3A_175 = tpu.memref_slice %arg2[%dma_start3A_174, %mul3A_173] : memref<2x320000xi32, #tpu.memory_space<hbm>> -> memref<1x128xi32, #tpu.memory_space<hbm>>
        %dma_start3A_176 = tpu.memref_squeeze %dma_start3A_175 : memref<1x128xi32, #tpu.memory_space<hbm>> -> memref<128xi32, #tpu.memory_space<hbm>>
        %dma_start3A_177 = tpu.memref_slice %arg2[%dma_start3A_174, %mul3A_173] : memref<2x320000xi32, #tpu.memory_space<hbm>> -> memref<1x128xi32, #tpu.memory_space<hbm>>
        %dma_start3A_178 = tpu.memref_squeeze %dma_start3A_177 : memref<1x128xi32, #tpu.memory_space<hbm>> -> memref<128xi32, #tpu.memory_space<hbm>>
        tpu.enqueue_dma source(%dma_start3A_178 : memref<128xi32, #tpu.memory_space<hbm>>) target(%arg15 : memref<128xi32, #tpu.memory_space<vmem>>) target_semaphore(%arg17 : memref<!tpu.dma_semaphore, #tpu.memory_space<semaphore_mem>>)
        %dma_start3A_179 = arith.constant 0 : i32
        %dma_start3A_180 = tpu.memref_slice %arg3[%mul3A_173, %dma_start3A_179] : memref<320000x16xf32, #tpu.memory_space<hbm>> -> memref<128x16xf32, #tpu.memory_space<hbm>>
        %dma_start3A_181 = arith.constant 0 : i32
        %dma_start3A_182 = tpu.memref_slice %arg3[%mul3A_173, %dma_start3A_181] : memref<320000x16xf32, #tpu.memory_space<hbm>> -> memref<128x16xf32, #tpu.memory_space<hbm>>
        tpu.enqueue_dma source(%dma_start3A_182 : memref<128x16xf32, #tpu.memory_space<hbm>>) target(%arg16 : memref<128x16xf32, #tpu.memory_space<vmem>>) target_semaphore(%arg17 : memref<!tpu.dma_semaphore, #tpu.memory_space<semaphore_mem>>)
      } else {
      }
    }
    %scan3A_47 = arith.constant 26 : i32
    %dma_wait3A = arith.constant 0 : i32
    %dma_wait3A_48 = arith.constant 0 : i32
    %dma_wait3A_49 = tpu.memref_slice %arg7[%dma_wait3A, %dma_wait3A_48] : memref<10000x16xf32, #tpu.memory_space<vmem_shared>> -> memref<10000x16xf32, #tpu.memory_space<vmem_shared>>
    tpu.wait_indirect_dma semaphore(%arg14 : memref<!tpu.dma_semaphore, #tpu.memory_space<semaphore_mem>>) src(%arg12 : memref<128x16xf32, #tpu.memory_space<vmem>>) dst(%dma_wait3A_49 : memref<10000x16xf32, #tpu.memory_space<vmem_shared>>)
    %dma_wait3A_50 = arith.constant 0 : i32
    %dma_wait3A_51 = arith.constant 0 : i32
    %dma_wait3A_52 = tpu.memref_slice %arg8[%dma_wait3A_50, %dma_wait3A_51] : memref<10000x16xf32, #tpu.memory_space<vmem_shared>> -> memref<10000x16xf32, #tpu.memory_space<vmem_shared>>
    tpu.wait_indirect_dma semaphore(%arg14 : memref<!tpu.dma_semaphore, #tpu.memory_space<semaphore_mem>>) src(%arg9 : memref<128x16xf32, #tpu.memory_space<vmem>>) dst(%dma_wait3A_52 : memref<10000x16xf32, #tpu.memory_space<vmem_shared>>)
    %dma_wait3A_53 = arith.constant 0 : i32
    %dma_wait3A_54 = arith.constant 0 : i32
    %dma_wait3A_55 = tpu.memref_slice %arg7[%dma_wait3A_53, %dma_wait3A_54] : memref<10000x16xf32, #tpu.memory_space<vmem_shared>> -> memref<10000x16xf32, #tpu.memory_space<vmem_shared>>
    tpu.wait_indirect_dma semaphore(%arg18 : memref<!tpu.dma_semaphore, #tpu.memory_space<semaphore_mem>>) src(%arg16 : memref<128x16xf32, #tpu.memory_space<vmem>>) dst(%dma_wait3A_55 : memref<10000x16xf32, #tpu.memory_space<vmem_shared>>)
    %dma_wait3A_56 = arith.constant 0 : i32
    %dma_wait3A_57 = arith.constant 0 : i32
    %dma_wait3A_58 = tpu.memref_slice %arg8[%dma_wait3A_56, %dma_wait3A_57] : memref<10000x16xf32, #tpu.memory_space<vmem_shared>> -> memref<10000x16xf32, #tpu.memory_space<vmem_shared>>
    tpu.wait_indirect_dma semaphore(%arg18 : memref<!tpu.dma_semaphore, #tpu.memory_space<semaphore_mem>>) src(%arg9 : memref<128x16xf32, #tpu.memory_space<vmem>>) dst(%dma_wait3A_58 : memref<10000x16xf32, #tpu.memory_space<vmem_shared>>)
    %dma_wait3A_59 = arith.constant 0 : i32
    %dma_wait3A_60 = arith.constant 0 : i32
    %dma_wait3A_61 = tpu.memref_slice %arg7[%dma_wait3A_59, %dma_wait3A_60] : memref<10000x16xf32, #tpu.memory_space<vmem_shared>> -> memref<10000x16xf32, #tpu.memory_space<vmem_shared>>
    tpu.wait_indirect_dma semaphore(%arg22 : memref<!tpu.dma_semaphore, #tpu.memory_space<semaphore_mem>>) src(%arg20 : memref<128x16xf32, #tpu.memory_space<vmem>>) dst(%dma_wait3A_61 : memref<10000x16xf32, #tpu.memory_space<vmem_shared>>)
    %dma_wait3A_62 = arith.constant 0 : i32
    %dma_wait3A_63 = arith.constant 0 : i32
    %dma_wait3A_64 = tpu.memref_slice %arg8[%dma_wait3A_62, %dma_wait3A_63] : memref<10000x16xf32, #tpu.memory_space<vmem_shared>> -> memref<10000x16xf32, #tpu.memory_space<vmem_shared>>
    tpu.wait_indirect_dma semaphore(%arg22 : memref<!tpu.dma_semaphore, #tpu.memory_space<semaphore_mem>>) src(%arg9 : memref<128x16xf32, #tpu.memory_space<vmem>>) dst(%dma_wait3A_64 : memref<10000x16xf32, #tpu.memory_space<vmem_shared>>)
    %lt3A = arith.constant 4 : i32
    %lt3A_65 = arith.cmpi slt, %add3A, %lt3A : i32
    %convert_element_type3A = arith.extui %lt3A_65 : i1 to i32
    %cond3A = arith.constant 0 : i32
    %cond3A_66 = arith.cmpi ne, %convert_element_type3A, %cond3A : i32
    scf.if %cond3A_66 {
      %add3A_76 = arith.constant 2496 : i32
      %add3A_77 = arith.addi %add3A_76, %add3A : i32
      %mul3A_78 = arith.constant 128 : i32
      %mul3A_79 = arith.muli %add3A_77, %mul3A_78 : i32
      %run_scoped3A = arith.constant 1 : i32
      "tpu.region"() ({
        %run_scoped3A_80 = tpu.sem_alloc : memref<!tpu.dma_semaphore, #tpu.memory_space<semaphore_mem>>
        %dma_start3A_81 = tpu.memref_slice %arg2[%run_scoped3A, %mul3A_79] : memref<2x320000xi32, #tpu.memory_space<hbm>> -> memref<1x128xi32, #tpu.memory_space<hbm>>
        %dma_start3A_82 = tpu.memref_squeeze %dma_start3A_81 : memref<1x128xi32, #tpu.memory_space<hbm>> -> memref<128xi32, #tpu.memory_space<hbm>>
        %dma_start3A_83 = tpu.memref_slice %arg2[%run_scoped3A, %mul3A_79] : memref<2x320000xi32, #tpu.memory_space<hbm>> -> memref<1x128xi32, #tpu.memory_space<hbm>>
        %dma_start3A_84 = tpu.memref_squeeze %dma_start3A_83 : memref<1x128xi32, #tpu.memory_space<hbm>> -> memref<128xi32, #tpu.memory_space<hbm>>
        tpu.enqueue_dma source(%dma_start3A_84 : memref<128xi32, #tpu.memory_space<hbm>>) target(%arg11 : memref<128xi32, #tpu.memory_space<vmem>>) target_semaphore(%run_scoped3A_80 : memref<!tpu.dma_semaphore, #tpu.memory_space<semaphore_mem>>)
        %dma_wait3A_85 = tpu.memref_slice %arg2[%run_scoped3A, %mul3A_79] : memref<2x320000xi32, #tpu.memory_space<hbm>> -> memref<1x128xi32, #tpu.memory_space<hbm>>
        %dma_wait3A_86 = tpu.memref_squeeze %dma_wait3A_85 : memref<1x128xi32, #tpu.memory_space<hbm>> -> memref<128xi32, #tpu.memory_space<hbm>>
        %dma_wait3A_87 = tpu.memref_slice %arg2[%run_scoped3A, %mul3A_79] : memref<2x320000xi32, #tpu.memory_space<hbm>> -> memref<1x128xi32, #tpu.memory_space<hbm>>
        %dma_wait3A_88 = tpu.memref_squeeze %dma_wait3A_87 : memref<1x128xi32, #tpu.memory_space<hbm>> -> memref<128xi32, #tpu.memory_space<hbm>>
        tpu.wait_dma2 semaphore(%run_scoped3A_80 : memref<!tpu.dma_semaphore, #tpu.memory_space<semaphore_mem>>) src(%dma_wait3A_88 : memref<128xi32, #tpu.memory_space<hbm>>) dst(%arg11 : memref<128xi32, #tpu.memory_space<vmem>>)
        tpu.yield
      }) : () -> ()
      "tpu.region"() ({
        %run_scoped3A_80 = tpu.sem_alloc : memref<!tpu.dma_semaphore, #tpu.memory_space<semaphore_mem>>
        %dma_start3A_81 = arith.constant 0 : i32
        %dma_start3A_82 = tpu.memref_slice %arg3[%mul3A_79, %dma_start3A_81] : memref<320000x16xf32, #tpu.memory_space<hbm>> -> memref<128x16xf32, #tpu.memory_space<hbm>>
        %dma_start3A_83 = arith.constant 0 : i32
        %dma_start3A_84 = tpu.memref_slice %arg3[%mul3A_79, %dma_start3A_83] : memref<320000x16xf32, #tpu.memory_space<hbm>> -> memref<128x16xf32, #tpu.memory_space<hbm>>
        tpu.enqueue_dma source(%dma_start3A_84 : memref<128x16xf32, #tpu.memory_space<hbm>>) target(%arg12 : memref<128x16xf32, #tpu.memory_space<vmem>>) target_semaphore(%run_scoped3A_80 : memref<!tpu.dma_semaphore, #tpu.memory_space<semaphore_mem>>)
        %dma_wait3A_85 = arith.constant 0 : i32
        %dma_wait3A_86 = tpu.memref_slice %arg3[%mul3A_79, %dma_wait3A_85] : memref<320000x16xf32, #tpu.memory_space<hbm>> -> memref<128x16xf32, #tpu.memory_space<hbm>>
        %dma_wait3A_87 = arith.constant 0 : i32
        %dma_wait3A_88 = tpu.memref_slice %arg3[%mul3A_79, %dma_wait3A_87] : memref<320000x16xf32, #tpu.memory_space<hbm>> -> memref<128x16xf32, #tpu.memory_space<hbm>>
        tpu.wait_dma2 semaphore(%run_scoped3A_80 : memref<!tpu.dma_semaphore, #tpu.memory_space<semaphore_mem>>) src(%dma_wait3A_88 : memref<128x16xf32, #tpu.memory_space<hbm>>) dst(%arg12 : memref<128x16xf32, #tpu.memory_space<vmem>>)
        tpu.yield
      }) : () -> ()
      "tpu.region"() ({
        %run_scoped3A_80 = tpu.sem_alloc : memref<!tpu.dma_semaphore, #tpu.memory_space<semaphore_mem>>
        %dma_start3A_81 = arith.constant 0 : i32
        %dma_start3A_82 = arith.constant 0 : i32
        %dma_start3A_83 = tpu.memref_slice %arg7[%dma_start3A_81, %dma_start3A_82] : memref<10000x16xf32, #tpu.memory_space<vmem_shared>> -> memref<10000x16xf32, #tpu.memory_space<vmem_shared>>
        tpu.enqueue_indirect_dma source(%arg12 : memref<128x16xf32, #tpu.memory_space<vmem>>) target(%dma_start3A_83 : memref<10000x16xf32, #tpu.memory_space<vmem_shared>>) offsets(%arg11 : memref<128xi32, #tpu.memory_space<vmem>>) semaphore(%run_scoped3A_80 : memref<!tpu.dma_semaphore, #tpu.memory_space<semaphore_mem>>) {add = true}
        %dma_wait3A_84 = arith.constant 0 : i32
        %dma_wait3A_85 = arith.constant 0 : i32
        %dma_wait3A_86 = tpu.memref_slice %arg7[%dma_wait3A_84, %dma_wait3A_85] : memref<10000x16xf32, #tpu.memory_space<vmem_shared>> -> memref<10000x16xf32, #tpu.memory_space<vmem_shared>>
        tpu.wait_indirect_dma semaphore(%run_scoped3A_80 : memref<!tpu.dma_semaphore, #tpu.memory_space<semaphore_mem>>) src(%arg12 : memref<128x16xf32, #tpu.memory_space<vmem>>) dst(%dma_wait3A_86 : memref<10000x16xf32, #tpu.memory_space<vmem_shared>>)
        tpu.yield
      }) : () -> ()
      "tpu.region"() ({
        %run_scoped3A_80 = tpu.sem_alloc : memref<!tpu.dma_semaphore, #tpu.memory_space<semaphore_mem>>
        %dma_start3A_81 = arith.constant 0 : i32
        %dma_start3A_82 = arith.constant 0 : i32
        %dma_start3A_83 = tpu.memref_slice %arg8[%dma_start3A_81, %dma_start3A_82] : memref<10000x16xf32, #tpu.memory_space<vmem_shared>> -> memref<10000x16xf32, #tpu.memory_space<vmem_shared>>
        tpu.enqueue_indirect_dma source(%arg9 : memref<128x16xf32, #tpu.memory_space<vmem>>) target(%dma_start3A_83 : memref<10000x16xf32, #tpu.memory_space<vmem_shared>>) offsets(%arg11 : memref<128xi32, #tpu.memory_space<vmem>>) semaphore(%run_scoped3A_80 : memref<!tpu.dma_semaphore, #tpu.memory_space<semaphore_mem>>) {add = true}
        %dma_wait3A_84 = arith.constant 0 : i32
        %dma_wait3A_85 = arith.constant 0 : i32
        %dma_wait3A_86 = tpu.memref_slice %arg8[%dma_wait3A_84, %dma_wait3A_85] : memref<10000x16xf32, #tpu.memory_space<vmem_shared>> -> memref<10000x16xf32, #tpu.memory_space<vmem_shared>>
        tpu.wait_indirect_dma semaphore(%run_scoped3A_80 : memref<!tpu.dma_semaphore, #tpu.memory_space<semaphore_mem>>) src(%arg9 : memref<128x16xf32, #tpu.memory_space<vmem>>) dst(%dma_wait3A_86 : memref<10000x16xf32, #tpu.memory_space<vmem_shared>>)
        tpu.yield
      }) : () -> ()
    } else {
    }
    %barrier3A_67 = arith.constant 0 : index
    tpu.barrier barrier_id(%barrier3A_67)
    %scan3A_68 = arith.constant 0 : i32
    %scan3A_69 = arith.constant 0 : i32
    %scan3A_70 = arith.constant 4 : i32
    %scan3A_71 = arith.addi %scan3A_69, %scan3A_70 : i32
    %scan3A_72 = arith.constant 1 : i32
    scf.for %scan3A_76 = %scan3A_69 to %scan3A_71 step %scan3A_72  : i32 {
      %mul3A_77 = arith.constant 128 : i32
      %mul3A_78 = arith.muli %scan3A_76, %mul3A_77 : i32
      %add3A_79 = arith.addi %mul3A_10, %mul3A_78 : i32
      "tpu.region"() ({
        %run_scoped3A = tpu.sem_alloc : memref<!tpu.dma_semaphore, #tpu.memory_space<semaphore_mem>>
        %dma_start3A_80 = arith.constant 0 : i32
        %dma_start3A_81 = arith.constant 0 : i32
        %dma_start3A_82 = tpu.memref_slice %arg12[%dma_start3A_80, %dma_start3A_81] : memref<128x16xf32, #tpu.memory_space<vmem>> -> memref<128x16xf32, #tpu.memory_space<vmem>>
        %dma_start3A_83 = arith.constant 0 : i32
        %dma_start3A_84 = tpu.memref_slice %arg7[%add3A_79, %dma_start3A_83] : memref<10000x16xf32, #tpu.memory_space<vmem_shared>> -> memref<128x16xf32, #tpu.memory_space<vmem_shared>>
        %dma_start3A_85 = arith.constant 0 : i32
        %dma_start3A_86 = arith.constant 0 : i32
        %dma_start3A_87 = tpu.memref_slice %arg12[%dma_start3A_85, %dma_start3A_86] : memref<128x16xf32, #tpu.memory_space<vmem>> -> memref<128x16xf32, #tpu.memory_space<vmem>>
        %dma_start3A_88 = arith.constant 0 : i32
        %dma_start3A_89 = tpu.memref_slice %arg7[%add3A_79, %dma_start3A_88] : memref<10000x16xf32, #tpu.memory_space<vmem_shared>> -> memref<128x16xf32, #tpu.memory_space<vmem_shared>>
        tpu.enqueue_dma source(%dma_start3A_89 : memref<128x16xf32, #tpu.memory_space<vmem_shared>>) target(%dma_start3A_87 : memref<128x16xf32, #tpu.memory_space<vmem>>) target_semaphore(%run_scoped3A : memref<!tpu.dma_semaphore, #tpu.memory_space<semaphore_mem>>)
        %dma_wait3A_90 = arith.constant 0 : i32
        %dma_wait3A_91 = arith.constant 0 : i32
        %dma_wait3A_92 = tpu.memref_slice %arg12[%dma_wait3A_90, %dma_wait3A_91] : memref<128x16xf32, #tpu.memory_space<vmem>> -> memref<128x16xf32, #tpu.memory_space<vmem>>
        %dma_wait3A_93 = arith.constant 0 : i32
        %dma_wait3A_94 = tpu.memref_slice %arg7[%add3A_79, %dma_wait3A_93] : memref<10000x16xf32, #tpu.memory_space<vmem_shared>> -> memref<128x16xf32, #tpu.memory_space<vmem_shared>>
        %dma_wait3A_95 = arith.constant 0 : i32
        %dma_wait3A_96 = arith.constant 0 : i32
        %dma_wait3A_97 = tpu.memref_slice %arg12[%dma_wait3A_95, %dma_wait3A_96] : memref<128x16xf32, #tpu.memory_space<vmem>> -> memref<128x16xf32, #tpu.memory_space<vmem>>
        %dma_wait3A_98 = arith.constant 0 : i32
        %dma_wait3A_99 = tpu.memref_slice %arg7[%add3A_79, %dma_wait3A_98] : memref<10000x16xf32, #tpu.memory_space<vmem_shared>> -> memref<128x16xf32, #tpu.memory_space<vmem_shared>>
        tpu.wait_dma2 semaphore(%run_scoped3A : memref<!tpu.dma_semaphore, #tpu.memory_space<semaphore_mem>>) src(%dma_wait3A_99 : memref<128x16xf32, #tpu.memory_space<vmem_shared>>) dst(%dma_wait3A_97 : memref<128x16xf32, #tpu.memory_space<vmem>>)
        tpu.yield
      }) : () -> ()
      "tpu.region"() ({
        %run_scoped3A = tpu.sem_alloc : memref<!tpu.dma_semaphore, #tpu.memory_space<semaphore_mem>>
        %dma_start3A_80 = arith.constant 0 : i32
        %dma_start3A_81 = arith.constant 0 : i32
        %dma_start3A_82 = tpu.memref_slice %arg12[%dma_start3A_80, %dma_start3A_81] : memref<128x16xf32, #tpu.memory_space<vmem>> -> memref<128x16xf32, #tpu.memory_space<vmem>>
        %dma_start3A_83 = arith.constant 0 : i32
        %dma_start3A_84 = tpu.memref_slice %arg5[%arg0, %add3A_79, %dma_start3A_83] : memref<2x10000x16xf32, #tpu.memory_space<hbm>> -> memref<1x128x16xf32, #tpu.memory_space<hbm>>
        %dma_start3A_85 = tpu.memref_squeeze %dma_start3A_84 : memref<1x128x16xf32, #tpu.memory_space<hbm>> -> memref<128x16xf32, #tpu.memory_space<hbm>>
        %dma_start3A_86 = arith.constant 0 : i32
        %dma_start3A_87 = tpu.memref_slice %arg5[%arg0, %add3A_79, %dma_start3A_86] : memref<2x10000x16xf32, #tpu.memory_space<hbm>> -> memref<1x128x16xf32, #tpu.memory_space<hbm>>
        %dma_start3A_88 = tpu.memref_squeeze %dma_start3A_87 : memref<1x128x16xf32, #tpu.memory_space<hbm>> -> memref<128x16xf32, #tpu.memory_space<hbm>>
        %dma_start3A_89 = arith.constant 0 : i32
        %dma_start3A_90 = arith.constant 0 : i32
        %dma_start3A_91 = tpu.memref_slice %arg12[%dma_start3A_89, %dma_start3A_90] : memref<128x16xf32, #tpu.memory_space<vmem>> -> memref<128x16xf32, #tpu.memory_space<vmem>>
        tpu.enqueue_dma source(%dma_start3A_91 : memref<128x16xf32, #tpu.memory_space<vmem>>) target(%dma_start3A_88 : memref<128x16xf32, #tpu.memory_space<hbm>>) target_semaphore(%run_scoped3A : memref<!tpu.dma_semaphore, #tpu.memory_space<semaphore_mem>>)
        %dma_wait3A_92 = arith.constant 0 : i32
        %dma_wait3A_93 = arith.constant 0 : i32
        %dma_wait3A_94 = tpu.memref_slice %arg12[%dma_wait3A_92, %dma_wait3A_93] : memref<128x16xf32, #tpu.memory_space<vmem>> -> memref<128x16xf32, #tpu.memory_space<vmem>>
        %dma_wait3A_95 = arith.constant 0 : i32
        %dma_wait3A_96 = tpu.memref_slice %arg5[%arg0, %add3A_79, %dma_wait3A_95] : memref<2x10000x16xf32, #tpu.memory_space<hbm>> -> memref<1x128x16xf32, #tpu.memory_space<hbm>>
        %dma_wait3A_97 = tpu.memref_squeeze %dma_wait3A_96 : memref<1x128x16xf32, #tpu.memory_space<hbm>> -> memref<128x16xf32, #tpu.memory_space<hbm>>
        %dma_wait3A_98 = arith.constant 0 : i32
        %dma_wait3A_99 = tpu.memref_slice %arg5[%arg0, %add3A_79, %dma_wait3A_98] : memref<2x10000x16xf32, #tpu.memory_space<hbm>> -> memref<1x128x16xf32, #tpu.memory_space<hbm>>
        %dma_wait3A_100 = tpu.memref_squeeze %dma_wait3A_99 : memref<1x128x16xf32, #tpu.memory_space<hbm>> -> memref<128x16xf32, #tpu.memory_space<hbm>>
        %dma_wait3A_101 = arith.constant 0 : i32
        %dma_wait3A_102 = arith.constant 0 : i32
        %dma_wait3A_103 = tpu.memref_slice %arg12[%dma_wait3A_101, %dma_wait3A_102] : memref<128x16xf32, #tpu.memory_space<vmem>> -> memref<128x16xf32, #tpu.memory_space<vmem>>
        tpu.wait_dma2 semaphore(%run_scoped3A : memref<!tpu.dma_semaphore, #tpu.memory_space<semaphore_mem>>) src(%dma_wait3A_103 : memref<128x16xf32, #tpu.memory_space<vmem>>) dst(%dma_wait3A_100 : memref<128x16xf32, #tpu.memory_space<hbm>>)
        tpu.yield
      }) : () -> ()
      "tpu.region"() ({
        %run_scoped3A = tpu.sem_alloc : memref<!tpu.dma_semaphore, #tpu.memory_space<semaphore_mem>>
        %dma_start3A_80 = arith.constant 0 : i32
        %dma_start3A_81 = arith.constant 0 : i32
        %dma_start3A_82 = tpu.memref_slice %arg10[%dma_start3A_80, %dma_start3A_81] : memref<128x16xf32, #tpu.memory_space<vmem>> -> memref<128x16xf32, #tpu.memory_space<vmem>>
        %dma_start3A_83 = arith.constant 0 : i32
        %dma_start3A_84 = tpu.memref_slice %arg8[%add3A_79, %dma_start3A_83] : memref<10000x16xf32, #tpu.memory_space<vmem_shared>> -> memref<128x16xf32, #tpu.memory_space<vmem_shared>>
        %dma_start3A_85 = arith.constant 0 : i32
        %dma_start3A_86 = arith.constant 0 : i32
        %dma_start3A_87 = tpu.memref_slice %arg10[%dma_start3A_85, %dma_start3A_86] : memref<128x16xf32, #tpu.memory_space<vmem>> -> memref<128x16xf32, #tpu.memory_space<vmem>>
        %dma_start3A_88 = arith.constant 0 : i32
        %dma_start3A_89 = tpu.memref_slice %arg8[%add3A_79, %dma_start3A_88] : memref<10000x16xf32, #tpu.memory_space<vmem_shared>> -> memref<128x16xf32, #tpu.memory_space<vmem_shared>>
        tpu.enqueue_dma source(%dma_start3A_89 : memref<128x16xf32, #tpu.memory_space<vmem_shared>>) target(%dma_start3A_87 : memref<128x16xf32, #tpu.memory_space<vmem>>) target_semaphore(%run_scoped3A : memref<!tpu.dma_semaphore, #tpu.memory_space<semaphore_mem>>)
        %dma_wait3A_90 = arith.constant 0 : i32
        %dma_wait3A_91 = arith.constant 0 : i32
        %dma_wait3A_92 = tpu.memref_slice %arg10[%dma_wait3A_90, %dma_wait3A_91] : memref<128x16xf32, #tpu.memory_space<vmem>> -> memref<128x16xf32, #tpu.memory_space<vmem>>
        %dma_wait3A_93 = arith.constant 0 : i32
        %dma_wait3A_94 = tpu.memref_slice %arg8[%add3A_79, %dma_wait3A_93] : memref<10000x16xf32, #tpu.memory_space<vmem_shared>> -> memref<128x16xf32, #tpu.memory_space<vmem_shared>>
        %dma_wait3A_95 = arith.constant 0 : i32
        %dma_wait3A_96 = arith.constant 0 : i32
        %dma_wait3A_97 = tpu.memref_slice %arg10[%dma_wait3A_95, %dma_wait3A_96] : memref<128x16xf32, #tpu.memory_space<vmem>> -> memref<128x16xf32, #tpu.memory_space<vmem>>
        %dma_wait3A_98 = arith.constant 0 : i32
        %dma_wait3A_99 = tpu.memref_slice %arg8[%add3A_79, %dma_wait3A_98] : memref<10000x16xf32, #tpu.memory_space<vmem_shared>> -> memref<128x16xf32, #tpu.memory_space<vmem_shared>>
        tpu.wait_dma2 semaphore(%run_scoped3A : memref<!tpu.dma_semaphore, #tpu.memory_space<semaphore_mem>>) src(%dma_wait3A_99 : memref<128x16xf32, #tpu.memory_space<vmem_shared>>) dst(%dma_wait3A_97 : memref<128x16xf32, #tpu.memory_space<vmem>>)
        tpu.yield
      }) : () -> ()
      "tpu.region"() ({
        %run_scoped3A = tpu.sem_alloc : memref<!tpu.dma_semaphore, #tpu.memory_space<semaphore_mem>>
        %dma_start3A_80 = arith.constant 0 : i32
        %dma_start3A_81 = arith.constant 0 : i32
        %dma_start3A_82 = tpu.memref_slice %arg10[%dma_start3A_80, %dma_start3A_81] : memref<128x16xf32, #tpu.memory_space<vmem>> -> memref<128x16xf32, #tpu.memory_space<vmem>>
        %dma_start3A_83 = arith.constant 0 : i32
        %dma_start3A_84 = tpu.memref_slice %arg6[%arg0, %add3A_79, %dma_start3A_83] : memref<2x10000x16xf32, #tpu.memory_space<hbm>> -> memref<1x128x16xf32, #tpu.memory_space<hbm>>
        %dma_start3A_85 = tpu.memref_squeeze %dma_start3A_84 : memref<1x128x16xf32, #tpu.memory_space<hbm>> -> memref<128x16xf32, #tpu.memory_space<hbm>>
        %dma_start3A_86 = arith.constant 0 : i32
        %dma_start3A_87 = tpu.memref_slice %arg6[%arg0, %add3A_79, %dma_start3A_86] : memref<2x10000x16xf32, #tpu.memory_space<hbm>> -> memref<1x128x16xf32, #tpu.memory_space<hbm>>
        %dma_start3A_88 = tpu.memref_squeeze %dma_start3A_87 : memref<1x128x16xf32, #tpu.memory_space<hbm>> -> memref<128x16xf32, #tpu.memory_space<hbm>>
        %dma_start3A_89 = arith.constant 0 : i32
        %dma_start3A_90 = arith.constant 0 : i32
        %dma_start3A_91 = tpu.memref_slice %arg10[%dma_start3A_89, %dma_start3A_90] : memref<128x16xf32, #tpu.memory_space<vmem>> -> memref<128x16xf32, #tpu.memory_space<vmem>>
        tpu.enqueue_dma source(%dma_start3A_91 : memref<128x16xf32, #tpu.memory_space<vmem>>) target(%dma_start3A_88 : memref<128x16xf32, #tpu.memory_space<hbm>>) target_semaphore(%run_scoped3A : memref<!tpu.dma_semaphore, #tpu.memory_space<semaphore_mem>>)
        %dma_wait3A_92 = arith.constant 0 : i32
        %dma_wait3A_93 = arith.constant 0 : i32
        %dma_wait3A_94 = tpu.memref_slice %arg10[%dma_wait3A_92, %dma_wait3A_93] : memref<128x16xf32, #tpu.memory_space<vmem>> -> memref<128x16xf32, #tpu.memory_space<vmem>>
        %dma_wait3A_95 = arith.constant 0 : i32
        %dma_wait3A_96 = tpu.memref_slice %arg6[%arg0, %add3A_79, %dma_wait3A_95] : memref<2x10000x16xf32, #tpu.memory_space<hbm>> -> memref<1x128x16xf32, #tpu.memory_space<hbm>>
        %dma_wait3A_97 = tpu.memref_squeeze %dma_wait3A_96 : memref<1x128x16xf32, #tpu.memory_space<hbm>> -> memref<128x16xf32, #tpu.memory_space<hbm>>
        %dma_wait3A_98 = arith.constant 0 : i32
        %dma_wait3A_99 = tpu.memref_slice %arg6[%arg0, %add3A_79, %dma_wait3A_98] : memref<2x10000x16xf32, #tpu.memory_space<hbm>> -> memref<1x128x16xf32, #tpu.memory_space<hbm>>
        %dma_wait3A_100 = tpu.memref_squeeze %dma_wait3A_99 : memref<1x128x16xf32, #tpu.memory_space<hbm>> -> memref<128x16xf32, #tpu.memory_space<hbm>>
        %dma_wait3A_101 = arith.constant 0 : i32
        %dma_wait3A_102 = arith.constant 0 : i32
        %dma_wait3A_103 = tpu.memref_slice %arg10[%dma_wait3A_101, %dma_wait3A_102] : memref<128x16xf32, #tpu.memory_space<vmem>> -> memref<128x16xf32, #tpu.memory_space<vmem>>
        tpu.wait_dma2 semaphore(%run_scoped3A : memref<!tpu.dma_semaphore, #tpu.memory_space<semaphore_mem>>) src(%dma_wait3A_103 : memref<128x16xf32, #tpu.memory_space<vmem>>) dst(%dma_wait3A_100 : memref<128x16xf32, #tpu.memory_space<hbm>>)
        tpu.yield
      }) : () -> ()
    }
    %scan3A_73 = arith.constant 4 : i32
    %add3A_74 = arith.constant 512 : i32
    %add3A_75 = arith.addi %mul3A_10, %add3A_74 : i32
    "tpu.region"() ({
      %run_scoped3A = tpu.sem_alloc : memref<!tpu.dma_semaphore, #tpu.memory_space<semaphore_mem>>
      %dma_start3A_76 = arith.constant 0 : i32
      %dma_start3A_77 = arith.constant 0 : i32
      %dma_start3A_78 = tpu.memref_slice %arg12[%dma_start3A_76, %dma_start3A_77] : memref<128x16xf32, #tpu.memory_space<vmem>> -> memref<113x16xf32, #tpu.memory_space<vmem>>
      %dma_start3A_79 = arith.constant 0 : i32
      %dma_start3A_80 = tpu.memref_slice %arg7[%add3A_75, %dma_start3A_79] : memref<10000x16xf32, #tpu.memory_space<vmem_shared>> -> memref<113x16xf32, #tpu.memory_space<vmem_shared>>
      %dma_start3A_81 = arith.constant 0 : i32
      %dma_start3A_82 = arith.constant 0 : i32
      %dma_start3A_83 = tpu.memref_slice %arg12[%dma_start3A_81, %dma_start3A_82] : memref<128x16xf32, #tpu.memory_space<vmem>> -> memref<113x16xf32, #tpu.memory_space<vmem>>
      %dma_start3A_84 = arith.constant 0 : i32
      %dma_start3A_85 = tpu.memref_slice %arg7[%add3A_75, %dma_start3A_84] : memref<10000x16xf32, #tpu.memory_space<vmem_shared>> -> memref<113x16xf32, #tpu.memory_space<vmem_shared>>
      tpu.enqueue_dma source(%dma_start3A_85 : memref<113x16xf32, #tpu.memory_space<vmem_shared>>) target(%dma_start3A_83 : memref<113x16xf32, #tpu.memory_space<vmem>>) target_semaphore(%run_scoped3A : memref<!tpu.dma_semaphore, #tpu.memory_space<semaphore_mem>>)
      %dma_wait3A_86 = arith.constant 0 : i32
      %dma_wait3A_87 = arith.constant 0 : i32
      %dma_wait3A_88 = tpu.memref_slice %arg12[%dma_wait3A_86, %dma_wait3A_87] : memref<128x16xf32, #tpu.memory_space<vmem>> -> memref<113x16xf32, #tpu.memory_space<vmem>>
      %dma_wait3A_89 = arith.constant 0 : i32
      %dma_wait3A_90 = tpu.memref_slice %arg7[%add3A_75, %dma_wait3A_89] : memref<10000x16xf32, #tpu.memory_space<vmem_shared>> -> memref<113x16xf32, #tpu.memory_space<vmem_shared>>
      %dma_wait3A_91 = arith.constant 0 : i32
      %dma_wait3A_92 = arith.constant 0 : i32
      %dma_wait3A_93 = tpu.memref_slice %arg12[%dma_wait3A_91, %dma_wait3A_92] : memref<128x16xf32, #tpu.memory_space<vmem>> -> memref<113x16xf32, #tpu.memory_space<vmem>>
      %dma_wait3A_94 = arith.constant 0 : i32
      %dma_wait3A_95 = tpu.memref_slice %arg7[%add3A_75, %dma_wait3A_94] : memref<10000x16xf32, #tpu.memory_space<vmem_shared>> -> memref<113x16xf32, #tpu.memory_space<vmem_shared>>
      tpu.wait_dma2 semaphore(%run_scoped3A : memref<!tpu.dma_semaphore, #tpu.memory_space<semaphore_mem>>) src(%dma_wait3A_95 : memref<113x16xf32, #tpu.memory_space<vmem_shared>>) dst(%dma_wait3A_93 : memref<113x16xf32, #tpu.memory_space<vmem>>)
      tpu.yield
    }) : () -> ()
    "tpu.region"() ({
      %run_scoped3A = tpu.sem_alloc : memref<!tpu.dma_semaphore, #tpu.memory_space<semaphore_mem>>
      %dma_start3A_76 = arith.constant 0 : i32
      %dma_start3A_77 = arith.constant 0 : i32
      %dma_start3A_78 = tpu.memref_slice %arg12[%dma_start3A_76, %dma_start3A_77] : memref<128x16xf32, #tpu.memory_space<vmem>> -> memref<113x16xf32, #tpu.memory_space<vmem>>
      %dma_start3A_79 = arith.constant 0 : i32
      %dma_start3A_80 = tpu.memref_slice %arg5[%arg0, %add3A_75, %dma_start3A_79] : memref<2x10000x16xf32, #tpu.memory_space<hbm>> -> memref<1x113x16xf32, #tpu.memory_space<hbm>>
      %dma_start3A_81 = tpu.memref_squeeze %dma_start3A_80 : memref<1x113x16xf32, #tpu.memory_space<hbm>> -> memref<113x16xf32, #tpu.memory_space<hbm>>
      %dma_start3A_82 = arith.constant 0 : i32
      %dma_start3A_83 = tpu.memref_slice %arg5[%arg0, %add3A_75, %dma_start3A_82] : memref<2x10000x16xf32, #tpu.memory_space<hbm>> -> memref<1x113x16xf32, #tpu.memory_space<hbm>>
      %dma_start3A_84 = tpu.memref_squeeze %dma_start3A_83 : memref<1x113x16xf32, #tpu.memory_space<hbm>> -> memref<113x16xf32, #tpu.memory_space<hbm>>
      %dma_start3A_85 = arith.constant 0 : i32
      %dma_start3A_86 = arith.constant 0 : i32
      %dma_start3A_87 = tpu.memref_slice %arg12[%dma_start3A_85, %dma_start3A_86] : memref<128x16xf32, #tpu.memory_space<vmem>> -> memref<113x16xf32, #tpu.memory_space<vmem>>
      tpu.enqueue_dma source(%dma_start3A_87 : memref<113x16xf32, #tpu.memory_space<vmem>>) target(%dma_start3A_84 : memref<113x16xf32, #tpu.memory_space<hbm>>) target_semaphore(%run_scoped3A : memref<!tpu.dma_semaphore, #tpu.memory_space<semaphore_mem>>)
      %dma_wait3A_88 = arith.constant 0 : i32
      %dma_wait3A_89 = arith.constant 0 : i32
      %dma_wait3A_90 = tpu.memref_slice %arg12[%dma_wait3A_88, %dma_wait3A_89] : memref<128x16xf32, #tpu.memory_space<vmem>> -> memref<113x16xf32, #tpu.memory_space<vmem>>
      %dma_wait3A_91 = arith.constant 0 : i32
      %dma_wait3A_92 = tpu.memref_slice %arg5[%arg0, %add3A_75, %dma_wait3A_91] : memref<2x10000x16xf32, #tpu.memory_space<hbm>> -> memref<1x113x16xf32, #tpu.memory_space<hbm>>
      %dma_wait3A_93 = tpu.memref_squeeze %dma_wait3A_92 : memref<1x113x16xf32, #tpu.memory_space<hbm>> -> memref<113x16xf32, #tpu.memory_space<hbm>>
      %dma_wait3A_94 = arith.constant 0 : i32
      %dma_wait3A_95 = tpu.memref_slice %arg5[%arg0, %add3A_75, %dma_wait3A_94] : memref<2x10000x16xf32, #tpu.memory_space<hbm>> -> memref<1x113x16xf32, #tpu.memory_space<hbm>>
      %dma_wait3A_96 = tpu.memref_squeeze %dma_wait3A_95 : memref<1x113x16xf32, #tpu.memory_space<hbm>> -> memref<113x16xf32, #tpu.memory_space<hbm>>
      %dma_wait3A_97 = arith.constant 0 : i32
      %dma_wait3A_98 = arith.constant 0 : i32
      %dma_wait3A_99 = tpu.memref_slice %arg12[%dma_wait3A_97, %dma_wait3A_98] : memref<128x16xf32, #tpu.memory_space<vmem>> -> memref<113x16xf32, #tpu.memory_space<vmem>>
      tpu.wait_dma2 semaphore(%run_scoped3A : memref<!tpu.dma_semaphore, #tpu.memory_space<semaphore_mem>>) src(%dma_wait3A_99 : memref<113x16xf32, #tpu.memory_space<vmem>>) dst(%dma_wait3A_96 : memref<113x16xf32, #tpu.memory_space<hbm>>)
      tpu.yield
    }) : () -> ()
    "tpu.region"() ({
      %run_scoped3A = tpu.sem_alloc : memref<!tpu.dma_semaphore, #tpu.memory_space<semaphore_mem>>
      %dma_start3A_76 = arith.constant 0 : i32
      %dma_start3A_77 = arith.constant 0 : i32
      %dma_start3A_78 = tpu.memref_slice %arg10[%dma_start3A_76, %dma_start3A_77] : memref<128x16xf32, #tpu.memory_space<vmem>> -> memref<113x16xf32, #tpu.memory_space<vmem>>
      %dma_start3A_79 = arith.constant 0 : i32
      %dma_start3A_80 = tpu.memref_slice %arg8[%add3A_75, %dma_start3A_79] : memref<10000x16xf32, #tpu.memory_space<vmem_shared>> -> memref<113x16xf32, #tpu.memory_space<vmem_shared>>
      %dma_start3A_81 = arith.constant 0 : i32
      %dma_start3A_82 = arith.constant 0 : i32
      %dma_start3A_83 = tpu.memref_slice %arg10[%dma_start3A_81, %dma_start3A_82] : memref<128x16xf32, #tpu.memory_space<vmem>> -> memref<113x16xf32, #tpu.memory_space<vmem>>
      %dma_start3A_84 = arith.constant 0 : i32
      %dma_start3A_85 = tpu.memref_slice %arg8[%add3A_75, %dma_start3A_84] : memref<10000x16xf32, #tpu.memory_space<vmem_shared>> -> memref<113x16xf32, #tpu.memory_space<vmem_shared>>
      tpu.enqueue_dma source(%dma_start3A_85 : memref<113x16xf32, #tpu.memory_space<vmem_shared>>) target(%dma_start3A_83 : memref<113x16xf32, #tpu.memory_space<vmem>>) target_semaphore(%run_scoped3A : memref<!tpu.dma_semaphore, #tpu.memory_space<semaphore_mem>>)
      %dma_wait3A_86 = arith.constant 0 : i32
      %dma_wait3A_87 = arith.constant 0 : i32
      %dma_wait3A_88 = tpu.memref_slice %arg10[%dma_wait3A_86, %dma_wait3A_87] : memref<128x16xf32, #tpu.memory_space<vmem>> -> memref<113x16xf32, #tpu.memory_space<vmem>>
      %dma_wait3A_89 = arith.constant 0 : i32
      %dma_wait3A_90 = tpu.memref_slice %arg8[%add3A_75, %dma_wait3A_89] : memref<10000x16xf32, #tpu.memory_space<vmem_shared>> -> memref<113x16xf32, #tpu.memory_space<vmem_shared>>
      %dma_wait3A_91 = arith.constant 0 : i32
      %dma_wait3A_92 = arith.constant 0 : i32
      %dma_wait3A_93 = tpu.memref_slice %arg10[%dma_wait3A_91, %dma_wait3A_92] : memref<128x16xf32, #tpu.memory_space<vmem>> -> memref<113x16xf32, #tpu.memory_space<vmem>>
      %dma_wait3A_94 = arith.constant 0 : i32
      %dma_wait3A_95 = tpu.memref_slice %arg8[%add3A_75, %dma_wait3A_94] : memref<10000x16xf32, #tpu.memory_space<vmem_shared>> -> memref<113x16xf32, #tpu.memory_space<vmem_shared>>
      tpu.wait_dma2 semaphore(%run_scoped3A : memref<!tpu.dma_semaphore, #tpu.memory_space<semaphore_mem>>) src(%dma_wait3A_95 : memref<113x16xf32, #tpu.memory_space<vmem_shared>>) dst(%dma_wait3A_93 : memref<113x16xf32, #tpu.memory_space<vmem>>)
      tpu.yield
    }) : () -> ()
    "tpu.region"() ({
      %run_scoped3A = tpu.sem_alloc : memref<!tpu.dma_semaphore, #tpu.memory_space<semaphore_mem>>
      %dma_start3A_76 = arith.constant 0 : i32
      %dma_start3A_77 = arith.constant 0 : i32
      %dma_start3A_78 = tpu.memref_slice %arg10[%dma_start3A_76, %dma_start3A_77] : memref<128x16xf32, #tpu.memory_space<vmem>> -> memref<113x16xf32, #tpu.memory_space<vmem>>
      %dma_start3A_79 = arith.constant 0 : i32
      %dma_start3A_80 = tpu.memref_slice %arg6[%arg0, %add3A_75, %dma_start3A_79] : memref<2x10000x16xf32, #tpu.memory_space<hbm>> -> memref<1x113x16xf32, #tpu.memory_space<hbm>>
      %dma_start3A_81 = tpu.memref_squeeze %dma_start3A_80 : memref<1x113x16xf32, #tpu.memory_space<hbm>> -> memref<113x16xf32, #tpu.memory_space<hbm>>
      %dma_start3A_82 = arith.constant 0 : i32
      %dma_start3A_83 = tpu.memref_slice %arg6[%arg0, %add3A_75, %dma_start3A_82] : memref<2x10000x16xf32, #tpu.memory_space<hbm>> -> memref<1x113x16xf32, #tpu.memory_space<hbm>>
      %dma_start3A_84 = tpu.memref_squeeze %dma_start3A_83 : memref<1x113x16xf32, #tpu.memory_space<hbm>> -> memref<113x16xf32, #tpu.memory_space<hbm>>
      %dma_start3A_85 = arith.constant 0 : i32
      %dma_start3A_86 = arith.constant 0 : i32
      %dma_start3A_87 = tpu.memref_slice %arg10[%dma_start3A_85, %dma_start3A_86] : memref<128x16xf32, #tpu.memory_space<vmem>> -> memref<113x16xf32, #tpu.memory_space<vmem>>
      tpu.enqueue_dma source(%dma_start3A_87 : memref<113x16xf32, #tpu.memory_space<vmem>>) target(%dma_start3A_84 : memref<113x16xf32, #tpu.memory_space<hbm>>) target_semaphore(%run_scoped3A : memref<!tpu.dma_semaphore, #tpu.memory_space<semaphore_mem>>)
      %dma_wait3A_88 = arith.constant 0 : i32
      %dma_wait3A_89 = arith.constant 0 : i32
      %dma_wait3A_90 = tpu.memref_slice %arg10[%dma_wait3A_88, %dma_wait3A_89] : memref<128x16xf32, #tpu.memory_space<vmem>> -> memref<113x16xf32, #tpu.memory_space<vmem>>
      %dma_wait3A_91 = arith.constant 0 : i32
      %dma_wait3A_92 = tpu.memref_slice %arg6[%arg0, %add3A_75, %dma_wait3A_91] : memref<2x10000x16xf32, #tpu.memory_space<hbm>> -> memref<1x113x16xf32, #tpu.memory_space<hbm>>
      %dma_wait3A_93 = tpu.memref_squeeze %dma_wait3A_92 : memref<1x113x16xf32, #tpu.memory_space<hbm>> -> memref<113x16xf32, #tpu.memory_space<hbm>>
      %dma_wait3A_94 = arith.constant 0 : i32
      %dma_wait3A_95 = tpu.memref_slice %arg6[%arg0, %add3A_75, %dma_wait3A_94] : memref<2x10000x16xf32, #tpu.memory_space<hbm>> -> memref<1x113x16xf32, #tpu.memory_space<hbm>>
      %dma_wait3A_96 = tpu.memref_squeeze %dma_wait3A_95 : memref<1x113x16xf32, #tpu.memory_space<hbm>> -> memref<113x16xf32, #tpu.memory_space<hbm>>
      %dma_wait3A_97 = arith.constant 0 : i32
      %dma_wait3A_98 = arith.constant 0 : i32
      %dma_wait3A_99 = tpu.memref_slice %arg10[%dma_wait3A_97, %dma_wait3A_98] : memref<128x16xf32, #tpu.memory_space<vmem>> -> memref<113x16xf32, #tpu.memory_space<vmem>>
      tpu.wait_dma2 semaphore(%run_scoped3A : memref<!tpu.dma_semaphore, #tpu.memory_space<semaphore_mem>>) src(%dma_wait3A_99 : memref<113x16xf32, #tpu.memory_space<vmem>>) dst(%dma_wait3A_96 : memref<113x16xf32, #tpu.memory_space<hbm>>)
      tpu.yield
    }) : () -> ()
    return
  }
}

module attributes {stable_mosaic.version = 14 : i64} {
  func.func @tc_body(%arg0: i32, %arg1: memref<2x2000x128xf32, #tpu.memory_space<vmem>>, %arg2: memref<144x128xf32, #tpu.memory_space<vmem>>, %arg3: memref<2000x128xf32, #tpu.memory_space<vmem>>) attributes {dimension_semantics = [#tpu.dimension_semantics<arbitrary>], iteration_bounds = array<i64: 5>, scalar_prefetch = 0 : i64, scratch_operands = 0 : i64, tpu.core_type = #tpu.core_type<tc>, window_params = [{transform_indices = @transform_0, window_bounds = array<i64: 2, 2000, 128>}, {pipeline_mode = #tpu.pipeline_mode<synchronous>, transform_indices = @transform_1, window_bounds = array<i64: 144, 128>}, {transform_indices = @transform_2, window_bounds = array<i64: 2000, 128>}]} {
    %get3A = arith.constant 0 : index
    %get3A_0 = arith.constant 0 : index
    %get3A_1 = arith.constant 0 : index
    %get3A_2 = vector.load %arg1[%get3A, %get3A_0, %get3A_1] : memref<2x2000x128xf32, #tpu.memory_space<vmem>>, vector<1x2000x128xf32>
    %get3A_3 = vector.shape_cast %get3A_2 : vector<1x2000x128xf32> to vector<2000x128xf32>
    %get3A_4 = arith.constant 1 : index
    %get3A_5 = arith.constant 0 : index
    %get3A_6 = arith.constant 0 : index
    %get3A_7 = vector.load %arg1[%get3A_4, %get3A_5, %get3A_6] : memref<2x2000x128xf32, #tpu.memory_space<vmem>>, vector<1x2000x128xf32>
    %get3A_8 = vector.shape_cast %get3A_7 : vector<1x2000x128xf32> to vector<2000x128xf32>
    %add3A = arith.addf %get3A_3, %get3A_8 : vector<2000x128xf32>
    %get3A_9 = arith.constant 16 : index
    %get3A_10 = arith.constant 0 : index
    %get3A_11 = vector.load %arg2[%get3A_9, %get3A_10] : memref<144x128xf32, #tpu.memory_space<vmem>>, vector<128x128xf32>
    %dot_general3A = arith.constant dense<0.000000e+00> : vector<2000x128xf32>
    %dot_general3A_12 = tpu.matmul %add3A, %get3A_11, %dot_general3A {dimension_numbers = #tpu.dot_dimension_numbers<[1], [0], [0], [1], [0, 0, 1, 1], [], []>, precision = #tpu.contract_precision<fp32>, transpose_lhs_hint = false} : vector<2000x128xf32>, vector<128x128xf32>, vector<2000x128xf32> -> vector<2000x128xf32>
    %swap3A = arith.constant 0 : index
    %swap3A_13 = arith.constant 0 : index
    %swap3A_14 = vector.load %arg3[%swap3A, %swap3A_13] : memref<2000x128xf32, #tpu.memory_space<vmem>>, vector<2000x128xf32>
    tpu.vector_store %arg3[%swap3A, %swap3A_13], %dot_general3A_12 {strides = array<i32>} : memref<2000x128xf32, #tpu.memory_space<vmem>>, vector<2000x128xf32>,
    return
  }
  func.func @transform_0(%arg0: i32) -> (i32, i32, i32) {
    %c0_i32 = arith.constant 0 : i32
    %c0_i32_0 = arith.constant 0 : i32
    %c0_i32_1 = arith.constant 0 : i32
    return %c0_i32, %arg0, %c0_i32_0 : i32, i32, i32
  }
  func.func @transform_1(%arg0: i32) -> (i32, i32) {
    %c0_i32 = arith.constant 0 : i32
    %c0_i32_0 = arith.constant 0 : i32
    %c0_i32_1 = arith.constant 0 : i32
    return %c0_i32, %c0_i32_0 : i32, i32
  }
  func.func @transform_2(%arg0: i32) -> (i32, i32) {
    %c0_i32 = arith.constant 0 : i32
    %c0_i32_0 = arith.constant 0 : i32
    return %arg0, %c0_i32 : i32, i32
  }
}

module attributes {stable_mosaic.version = 14 : i64} {
  func.func @tc_body(%arg0: i32, %arg1: memref<2000x128xf32, #tpu.memory_space<vmem>>, %arg2: memref<2x2000x16xf32, #tpu.memory_space<vmem>>, %arg3: memref<2x2000x16xf32, #tpu.memory_space<vmem>>, %arg4: memref<144x128xf32, #tpu.memory_space<vmem>>, %arg5: memref<1x128xf32, #tpu.memory_space<vmem>>, %arg6: memref<2000x128xf32, #tpu.memory_space<vmem>>) attributes {dimension_semantics = [#tpu.dimension_semantics<arbitrary>], iteration_bounds = array<i64: 5>, scalar_prefetch = 0 : i64, scratch_operands = 0 : i64, tpu.core_type = #tpu.core_type<tc>, window_params = [{transform_indices = @transform_0, window_bounds = array<i64: 2000, 128>}, {transform_indices = @transform_1, window_bounds = array<i64: 2, 2000, 16>}, {transform_indices = @transform_2, window_bounds = array<i64: 2, 2000, 16>}, {pipeline_mode = #tpu.pipeline_mode<synchronous>, transform_indices = @transform_3, window_bounds = array<i64: 144, 128>}, {pipeline_mode = #tpu.pipeline_mode<synchronous>, transform_indices = @transform_4, window_bounds = array<i64: 1, 128>}, {transform_indices = @transform_5, window_bounds = array<i64: 2000, 128>}]} {
    %get3A = arith.constant 0 : index
    %get3A_0 = arith.constant 0 : index
    %get3A_1 = arith.constant 0 : index
    %get3A_2 = vector.load %arg2[%get3A, %get3A_0, %get3A_1] : memref<2x2000x16xf32, #tpu.memory_space<vmem>>, vector<1x2000x16xf32>
    %get3A_3 = vector.shape_cast %get3A_2 : vector<1x2000x16xf32> to vector<2000x16xf32>
    %get3A_4 = arith.constant 1 : index
    %get3A_5 = arith.constant 0 : index
    %get3A_6 = arith.constant 0 : index
    %get3A_7 = vector.load %arg2[%get3A_4, %get3A_5, %get3A_6] : memref<2x2000x16xf32, #tpu.memory_space<vmem>>, vector<1x2000x16xf32>
    %get3A_8 = vector.shape_cast %get3A_7 : vector<1x2000x16xf32> to vector<2000x16xf32>
    %add3A = arith.addf %get3A_3, %get3A_8 : vector<2000x16xf32>
    %get3A_9 = arith.constant 0 : index
    %get3A_10 = arith.constant 0 : index
    %get3A_11 = arith.constant 0 : index
    %get3A_12 = vector.load %arg3[%get3A_9, %get3A_10, %get3A_11] : memref<2x2000x16xf32, #tpu.memory_space<vmem>>, vector<1x2000x1xf32>
    %get3A_13 = vector.shape_cast %get3A_12 : vector<1x2000x1xf32> to vector<2000x1xf32>
    %get3A_14 = arith.constant 1 : index
    %get3A_15 = arith.constant 0 : index
    %get3A_16 = arith.constant 0 : index
    %get3A_17 = vector.load %arg3[%get3A_14, %get3A_15, %get3A_16] : memref<2x2000x16xf32, #tpu.memory_space<vmem>>, vector<1x2000x1xf32>
    %get3A_18 = vector.shape_cast %get3A_17 : vector<1x2000x1xf32> to vector<2000x1xf32>
    %add3A_19 = arith.addf %get3A_13, %get3A_18 : vector<2000x1xf32>
    %max3A = arith.constant 1.000000e+00 : f32
    %max3A_20 = vector.broadcast %max3A : f32 to vector<2000x1xf32>
    %max3A_21 = arith.maximumf %add3A_19, %max3A_20 : vector<2000x1xf32>
    %div3A = arith.constant 1.000000e+00 : f32
    %div3A_22 = vector.broadcast %div3A : f32 to vector<2000x1xf32>
    %div3A_23 = arith.divf %div3A_22, %max3A_21 : vector<2000x1xf32>
    %get3A_24 = arith.constant 0 : index
    %get3A_25 = arith.constant 0 : index
    %get3A_26 = vector.load %arg1[%get3A_24, %get3A_25] : memref<2000x128xf32, #tpu.memory_space<vmem>>, vector<2000x128xf32>
    %get3A_27 = arith.constant 0 : index
    %get3A_28 = arith.constant 0 : index
    %get3A_29 = vector.load %arg4[%get3A_27, %get3A_28] : memref<144x128xf32, #tpu.memory_space<vmem>>, vector<16x128xf32>
    %dot_general3A = arith.constant dense<0.000000e+00> : vector<2000x128xf32>
    %dot_general3A_30 = tpu.matmul %add3A, %get3A_29, %dot_general3A {dimension_numbers = #tpu.dot_dimension_numbers<[1], [0], [0], [1], [0, 0, 1, 1], [], []>, precision = #tpu.contract_precision<fp32>, transpose_lhs_hint = false} : vector<2000x16xf32>, vector<16x128xf32>, vector<2000x128xf32> -> vector<2000x128xf32>
    %add3A_31 = arith.addf %get3A_26, %dot_general3A_30 : vector<2000x128xf32>
    %mul3A = vector.broadcast %div3A_23 : vector<2000x1xf32> to vector<2000x128xf32>
    %mul3A_32 = arith.mulf %add3A_31, %mul3A : vector<2000x128xf32>
    %get3A_33 = arith.constant 0 : index
    %get3A_34 = arith.constant 0 : index
    %get3A_35 = vector.load %arg5[%get3A_33, %get3A_34] : memref<1x128xf32, #tpu.memory_space<vmem>>, vector<1x128xf32>
    %add3A_36 = vector.broadcast %get3A_35 : vector<1x128xf32> to vector<2000x128xf32>
    %add3A_37 = arith.addf %mul3A_32, %add3A_36 : vector<2000x128xf32>
    %gt3A = arith.constant 0.000000e+00 : f32
    %gt3A_38 = vector.broadcast %gt3A : f32 to vector<2000x128xf32>
    %gt3A_39 = arith.cmpf ogt, %add3A_37, %gt3A_38 : vector<2000x128xf32>
    %exp3A = math.exp %add3A_37 : vector<2000x128xf32>
    %sub3A = arith.constant 1.000000e+00 : f32
    %sub3A_40 = vector.broadcast %sub3A : f32 to vector<2000x128xf32>
    %sub3A_41 = arith.subf %exp3A, %sub3A_40 : vector<2000x128xf32>
    %mul3A_42 = arith.constant 1.67326319 : f32
    %mul3A_43 = vector.broadcast %mul3A_42 : f32 to vector<2000x128xf32>
    %mul3A_44 = arith.mulf %mul3A_43, %sub3A_41 : vector<2000x128xf32>
    %select_n3A = arith.select %gt3A_39, %add3A_37, %mul3A_44 : vector<2000x128xi1>, vector<2000x128xf32>
    %mul3A_45 = arith.constant 1.05070102 : f32
    %mul3A_46 = vector.broadcast %mul3A_45 : f32 to vector<2000x128xf32>
    %mul3A_47 = arith.mulf %mul3A_46, %select_n3A : vector<2000x128xf32>
    %swap3A = arith.constant 0 : index
    %swap3A_48 = arith.constant 0 : index
    %swap3A_49 = vector.load %arg6[%swap3A, %swap3A_48] : memref<2000x128xf32, #tpu.memory_space<vmem>>, vector<2000x128xf32>
    tpu.vector_store %arg6[%swap3A, %swap3A_48], %mul3A_47 {strides = array<i32>} : memref<2000x128xf32, #tpu.memory_space<vmem>>, vector<2000x128xf32>,
    return
  }
  func.func @transform_0(%arg0: i32) -> (i32, i32) {
    %c0_i32 = arith.constant 0 : i32
    %c0_i32_0 = arith.constant 0 : i32
    return %arg0, %c0_i32 : i32, i32
  }
  func.func @transform_1(%arg0: i32) -> (i32, i32, i32) {
    %c0_i32 = arith.constant 0 : i32
    %c0_i32_0 = arith.constant 0 : i32
    %c0_i32_1 = arith.constant 0 : i32
    return %c0_i32, %arg0, %c0_i32_0 : i32, i32, i32
  }
  func.func @transform_2(%arg0: i32) -> (i32, i32, i32) {
    %c0_i32 = arith.constant 0 : i32
    %c0_i32_0 = arith.constant 0 : i32
    %c0_i32_1 = arith.constant 0 : i32
    return %c0_i32, %arg0, %c0_i32_0 : i32, i32, i32
  }
  func.func @transform_3(%arg0: i32) -> (i32, i32) {
    %c0_i32 = arith.constant 0 : i32
    %c0_i32_0 = arith.constant 0 : i32
    %c0_i32_1 = arith.constant 0 : i32
    return %c0_i32, %c0_i32_0 : i32, i32
  }
  func.func @transform_4(%arg0: i32) -> (i32, i32) {
    %c0_i32 = arith.constant 0 : i32
    %c0_i32_0 = arith.constant 0 : i32
    %c0_i32_1 = arith.constant 0 : i32
    return %c0_i32, %c0_i32_0 : i32, i32
  }
  func.func @transform_5(%arg0: i32) -> (i32, i32) {
    %c0_i32 = arith.constant 0 : i32
    %c0_i32_0 = arith.constant 0 : i32
    return %arg0, %c0_i32 : i32, i32
  }
}

</mosaic_0001>

<sc_bundles>
// kernel: kernel.6.cloned.1.call-start
scs
__scs_entry_jumppad:
0x0: {  	(pc) =	sbr.rel $0x88, $3  }
0x1: {  	(tag) =	ssettag $0x0;
	lr =	simm.s32 $0x1  }
0x2: {  	[smem:$0x3F9C] =	sst lr;
	_ =	strace $0xD0000000  }
0x3: {  	_ = 	snop  }
0x4: {  	_ = 	snop  }
0x5: {  	_ = 	snop  }
0x6: {  	_ = 	snop  }
0x7: {  	_ = 	snop  }
__scs_overlays_trampoline_lowered:
0x8: {  	[smem:$0x3FAB] =	sst s0  }
0x9: {  	[smem:$0x3FAC] =	sst s1  }
0xa: {  	[smem:$0x3FAD] =	sst s2  }
0xb: {  	[smem:$0x3FAE] =	sst s3  }
0xc: {  	[smem:$0x3FAF] =	sst s4  }
0xd: {  	[smem:$0x3FB0] =	sst s5  }
0xe: {  	[smem:$0x3FB1] =	sst s6  }
0xf: {  	[smem:$0x3FB2] =	sst s7  }
0x10: {  	[smem:$0x3FB3] =	sst s8  }
0x11: {  	[smem:$0x3FB4] =	sst s9;
	s0 =	simm.s32 @!p0 $0x0  }
0x12: {  	s1 =	sld [smem:$0x3F9A];
	s0 =	simm.s32 @p0 $0x1  }
0x13: {  	[smem:$0x3FB5] =	sst s0;
	s0 =	simm.s32 @!p1 $0x0  }
0x14: {  	s2 =	sld [smem:$0x3F99];
	s0 =	simm.s32 @p1 $0x1  }
0x15: {  	[smem:$0x3FB6] =	sst s0;
	s0 =	simm.s32 @!p2 $0x0  }
0x16: {  	s3 =	sld [smem:$0x3FDB];
	s0 =	simm.s32 @p2 $0x1  }
0x17: {  	s4 =	simm.s32 $0x1BF5;
	[smem:$0x3FB8] =	sst s0  }
0x18: {  	s0 =	sld [smem:$0x3F9B];
	_ =	swait.ge [sflag:s4], $0x0  }
0x19: {  	s7 =	sld [smem:$0x3F9C]  }
0x1a: {  	s8 =	sadd.s32 $0xFFFFE003, lr  }
0x1b: {  	s9 =	sadd.s32 $0xFFFFFEF7, lr;
	s5 =	simm.s32 $0xFFFFFFFF;
	p2 =	slt.u32 s8, $0xFFFFF086  }
0x1c: {  	p1 =	slt.u32 s9, $0xF7A;
	s5 =	simm.s32 @!p2 $0x0  }
0x1d: {  	s5 =	simm.s32 @p1 $0x1;
	p0 =	seq.s32 s7, s2  }
0x1e: {  	s7 =	smul.u32 @!p0 $0xF7A, s2;
	p2 =	seq.s32 @!p0 s5, $0x0  }
0x1f: {  	s9 =	smul.u32 $0xF7A, s1;
	s8 =	simm.s32 @!p0 $0x1BF5;
	p2 =	por !p2, p0  }
0x20: {  	[sflag:s8] =	ssyncset.s32 @!p0 $0xFFFFF086;
	s6 =	sadd.s32 @!p0 s3, s7;
	s7 =	simm.s32 @!p0 $0x108  }
0x21: {  	s3 =	sadd.s32 s3, s9;
	s6 =	sadd.s32 @!p0 $0x88, s6;
	s7 =	simm.s32 @p2 $0x1082  }
0x22: {  	[simem:s7], [sflag:s8] =	dma.local @!p0 [hbm:s6], $0xF7A  }
0x23: {  	s9 =	sor.u32 $0xD0000000, s2;
	s6 =	simm.s32 $0x108;
	_ =	swait.ge @!p0 [sflag:s8], $0x0  }
0x24: {  	s3 =	sadd.s32 $0x88, s3;
	s6 =	simm.s32 @!p1 $0x1082;
	[sflag:s4] =	ssyncset.s32 $0xFFFFF086  }
0x25: {  	[simem:s6], [sflag:s4] =	dma.local [hbm:s3], $0xF7A  }
0x26: {  	[smem:$0x3F9C] =	sst s1;
	(tag) =	ssettag s2;
	_ =	strace s9  }
0x27: {  	s1 =	sld [smem:$0x3FAC]  }
0x28: {  	s2 =	sld [smem:$0x3FAD]  }
0x29: {  	s4 =	sld [smem:$0x3FAF]  }
0x2a: {  	p0 =	seq.s32 s5, $0x0;
	s5 =	sld [smem:$0x3FB0]  }
0x2b: {  	s6 =	sld [smem:$0x3FB1]  }
0x2c: {  	s7 =	sld [smem:$0x3FB2]  }
0x2d: {  	s3 =	simm.s32 $0x108;
	s8 =	sld [smem:$0x3FB3]  }
0x2e: {  	s3 =	simm.s32 @!p0 $0x1082;
	s9 =	sld [smem:$0x3FB4]  }
0x2f: {  	lr =	sadd.s32 s0, s3;
	s0 =	sld [smem:$0x3FAB]  }
0x30: {  	s3 =	sld [smem:$0x3FAE]  }
0x31: {  	[smem:$0x3FB7] =	sst s10  }
0x32: {  	s10 =	sld [smem:$0x3FB5];
	_ =	sdelay $0x3  }
0x33: {  	p0 =	seq.s32 s10, $0x1;
	s10 =	sld [smem:$0x3FB7];
	_ =	sdelay $0x3  }
0x34: {  	[smem:$0x3FB7] =	sst s10  }
0x35: {  	s10 =	sld [smem:$0x3FB6];
	_ =	sdelay $0x3  }
0x36: {  	p1 =	seq.s32 s10, $0x1;
	s10 =	sld [smem:$0x3FB7];
	_ =	sdelay $0x3  }
0x37: {  	[smem:$0x3FB7] =	sst s10  }
0x38: {  	s10 =	sld [smem:$0x3FB8]  }
0x39: {  	_ = 	snop;
	(pc) =	sbr.ind lr, $3  }
0x3a: {  	_ = 	snop  }
0x3b: {  	_ = 	snop  }
0x3c: {  	p2 =	seq.s32 s10, $0x1;
	s10 =	sld [smem:$0x3FB7]  }
0x3d: {  	_ =	shalt  }
0x3e: {  	_ =	shalt  }
0x3f: {  	_ =	shalt  }
0x40: {  	_ =	shalt  }
0x41: {  	_ =	shalt  }
0x42: {  	_ =	shalt  }
0x43: {  	_ =	shalt  }
0x44: {  	_ =	shalt  }
0x45: {  	_ =	shalt  }
0x46: {  	_ =	shalt  }
0x47: {  	_ =	shalt  }
0x48: {  	_ =	shalt  }
0x49: {  	_ =	shalt  }
0x4a: {  	_ =	shalt  }
0x4b: {  	_ =	shalt  }
0x4c: {  	_ =	shalt  }
0x4d: {  	_ =	shalt  }
0x4e: {  	_ =	shalt  }
0x4f: {  	_ =	shalt  }
0x50: {  	_ =	shalt  }
0x51: {  	_ =	shalt  }
0x52: {  	_ =	shalt  }
0x53: {  	_ =	shalt  }
0x54: {  	_ =	shalt  }
0x55: {  	_ =	shalt  }
0x56: {  	_ =	shalt  }
0x57: {  	_ =	shalt  }
0x58: {  	_ =	shalt  }
0x59: {  	_ =	shalt  }
0x5a: {  	_ =	shalt  }
0x5b: {  	_ =	shalt  }
0x5c: {  	_ =	shalt  }
0x5d: {  	_ =	shalt  }
0x5e: {  	_ =	shalt  }
0x5f: {  	_ =	shalt  }
0x60: {  	_ =	shalt  }
0x61: {  	_ =	shalt  }
0x62: {  	_ =	shalt  }
0x63: {  	_ =	shalt  }
0x64: {  	_ =	shalt  }
0x65: {  	_ =	shalt  }
0x66: {  	_ =	shalt  }
0x67: {  	_ =	shalt  }
0x68: {  	_ =	shalt  }
0x69: {  	_ =	shalt  }
0x6a: {  	_ =	shalt  }
0x6b: {  	_ =	shalt  }
0x6c: {  	_ =	shalt  }
0x6d: {  	_ =	shalt  }
0x6e: {  	_ =	shalt  }
0x6f: {  	_ =	shalt  }
0x70: {  	_ =	shalt  }
0x71: {  	_ =	shalt  }
0x72: {  	_ =	shalt  }
0x73: {  	_ =	shalt  }
0x74: {  	_ =	shalt  }
0x75: {  	_ =	shalt  }
0x76: {  	_ =	shalt  }
0x77: {  	_ =	shalt  }
0x78: {  	_ =	shalt  }
0x79: {  	_ =	shalt  }
0x7a: {  	_ =	shalt  }
0x7b: {  	_ =	shalt  }
0x7c: {  	_ =	shalt  }
0x7d: {  	_ =	shalt  }
0x7e: {  	_ =	shalt  }
0x7f: {  	_ =	shalt  }
0x80: {  	_ =	shalt  }
0x81: {  	_ =	shalt  }
0x82: {  	_ =	shalt  }
0x83: {  	_ =	shalt  }
0x84: {  	_ =	shalt  }
0x85: {  	_ =	shalt  }
0x86: {  	_ =	shalt  }
0x87: {  	_ =	shalt  }
.Lfunc_end0:
.L_simem_size_0:
called_computation_lowered:
.L_overlay_start_0:
0x88: {  	s2 =	sld [smem:$0x3FD9]  }
0x89: {  	s3 =	sld [smem:$0x3FFE];
	_ =	sdelay $0x1  }
0x8a: {  	s1 =	srdreg.scid  }
0x8b: {  	s0 =	sand.u32 $0x1, s1  }
0x8c: {  	s17 =	sshll.u32 s0, $0xA;
	s2 =	sadd.s32 s3, s2  }
0x8d: {  	s2 =	sadd.s32 s2, s17  }
0x8e: {  	[smem:$0x3FC3] =	sst s2  }
0x8f: {  	_ = 	snop  }
0x90: {  	s2 =	sld [smem:$0x3FC9]  }
0x91: {  	s18 =	sld [smem:$0x3FD0];
	(tm) =	ssettm $0x1  }
0x92: {  	s4 =	sld [smem:$0x3FFB];
	_ =	sdelay $0x3  }
0x93: {  	_ =	strace s4  }
0x94: {  	s4 =	sld [smem:$0x3FFC];
	_ =	sdelay $0x3  }
0x95: {  	_ =	strace s4  }
0x96: {  	s4 =	sld [smem:$0x3FFD];
	_ =	sdelay $0x3  }
0x97: {  	_ =	strace s4  }
0x98: {  	_ =	strace $0x8FFFFFFF  }
0x99: {  	s19 =	sld [smem:$0x3FDB];
	_ =	sdelay $0x1  }
0x9a: {  	s5 =	simm.s32 $_scs_section_size  }
0x9b: {  	s6 =	simm.s32 $_size__tile_overlayer_lowered;
	s7 =	simm.s32 $_tile_overlayer_lowered  }
0x9c: {  	s22 =	simm.s32 $0x1BFF;
	s21 =	sshll.u32 s7, $0x1;
	s4 =	sadd.s32 s5, s19  }
0x9d: {  	s8 =	simm.s32 $0x0;
	s20 =	sshll.u32 s6, $0x1;
	s6 =	sadd.s32 s21, s4  }
0x9e: {  	[timem:s8], [sflag:s22] =	dma.local [hbm:s6], s20  }
0x9f: {  	_ =	swait.ge [sflag:s22], s20  }
0xa0: {  	s5 =	ssub.s32 $0x0, s20;
	[sflag:s22] =	ssyncset.done $0x0  }
0xa1: {  	[sflag:s22] =	ssyncadd.s32 s5;
	_ =	sdelay $0x1  }
0xa2: {  	s23 =	simm.s32 $0x1B8B  }
0xa3: {  	_ =	swait.ge [sflag:s23], $0x1  }
0xa4: {  	[sflag:s23] =	ssyncset.done $0x0  }
0xa5: {  	s25 =	simm.s32 $0x1B8E;
	s24 =	sld [smem:$0x3FFE];
	[sflag:s23] =	ssyncadd.s32 $0xFFFFFFFF  }
0xa6: {  	s26 =	simm.s32 $execute0_lowered;
	[smem:$0x3FD2] =	sst s25  }
0xa7: {  	s6 =	sshll.u32 s26, $0x1;
	_ =	strace $0x80000046;
	[dreg:$0x1] =	wrdreg $0xFFFFFFFF  }
0xa8: {  	s28 =	simm.s32 $_size_execute0_lowered;
	s4 =	sadd.s32 s4, s6;
	[dreg:$0x0] =	wrdreg $0x0  }
0xa9: {  	s6 =	sshll.u32 s28, $0x1;
	[dreg:$0x2] =	wrdreg s4  }
0xaa: {  	[dreg:$0x3] =	wrdreg s6  }
0xab: {  	[dreg:$0x4] =	wrdreg $0xC0  }
0xac: {  	_ =	task [dreg:s8], $0x5FFFF  }
0xad: {  	[dreg:$0x1] =	wrdreg $0xFFFFFFFF  }
0xae: {  	[dreg:$0x0] =	wrdreg $0x60  }
0xaf: {  	[dreg:$0x2] =	wrdreg s2  }
0xb0: {  	[dreg:$0x3] =	wrdreg s18  }
0xb1: {  	[dreg:$0x4] =	wrdreg s24  }
0xb2: {  	[dreg:$0x5] =	wrdreg $0x0  }
0xb3: {  	[dreg:$0x6] =	wrdreg $0x9  }
0xb4: {  	_ =	task.clear_ibuf [dreg:s8], $0x7FFFF;
	_ =	strace $0x90000046  }
0xb5: {  	s29 =	simm.s32 $0x9;
	_ =	strace $0x80000048  }
0xb6: {  	_ =	swait.ge [sflag:s29], $0x1  }
0xb7: {  	[sflag:s29] =	ssyncadd.s32 $0xFFFFFFFF  }
0xb8: {  	_ =	strace $0x90000048  }
0xb9: {  	_ =	sfence  }
0xba: {  	s30 =	sld [smem:$0x0];
	_ =	sdelay $0x2  }
0xbb: {  	s31 =	sshll.u32 s1, $0xD;
	s1 =	sshrl.u32 s1, $0x2  }
0xbc: {  	s3 =	sand.u32 $0x4000, s31;
	s1 =	sadd.s32 s1, s30  }
0xbd: {  	s0 =	sor.u32 s3, s0;
	s1 =	sshll.u32 s1, $0x11  }
0xbe: {  	s0 =	sor.u32 s1, s0  }
0xbf: {  	s0 =	sadd.s32 $0x8F2B, s0  }
0xc0: {  	[sflag:s0] =	ssyncadd.remote.s32 $0x1  }
0xc1: {  	_ =	sfence.sel $0xFFFF  }
0xc2: {  	[dreg:$0x0] =	wrdreg $0xFFFFFFFF;
	(pc) =	sbr.abs _section_cstart, $3  }
0xc3: {  	[dreg:$0x1] =	wrdreg $0xFFFFFFFF  }
0xc4: {  	_ =	task.clear_ibuf [dreg:s8], $0x2FFFF;
	_ =	strace $0x9FFFFFFF  }
0xc5: {  	(tm) =	ssettm $0x7FFFFFFF  }
tec
execute0_lowered:
.L_overlay_start_1:
0x0: {  	(tag) =	ssettag $0x1  }
0x1: {  	s1 =	rddreg [dreg:$0x0]  }
0x2: {  	s19 =	rddreg [dreg:$0x1];
	s0 =	srdreg.scid  }
0x3: {  	s18 =	stileid.u32;
	s2 =	rddreg [dreg:$0x2]  }
0x4: {  	s4 =	rddreg [dreg:$0x3];
	s3 =	sand.u32 $0x1, s0;
	s0 =	smul.u32 $0x13880, s18  }
0x5: {  	s29 =	simm.s32 $0x4;
	s2 =	sadd.s32 $0x2800, s2;
	s31 =	smul.u32 $0x4D80, s18  }
0x6: {  	s10 =	sshll.u32 s18, $0x1;
	s5 =	smul.u32 $0x138800, s3;
	s7 =	ssub.s32 $0x2, s3  }
0x7: {  	s6 =	sadd.s32 $0x11800, s0;
	s9 =	sshrl.u32 s7, $0x1;
	s11 =	sadd.s32 $0x7800, s0  }
0x8: {  	s13 =	sadd.s32 $0xA000, s0;
	s14 =	sadd.s32 $0xC800, s0;
	s15 =	sadd.s32 $0xF000, s0  }
0x9: {  	s8 =	sadd.s32 s5, s6;
	s7 =	ssub.s32 s7, s9;
	s9 =	sor.u32 s3, s10  }
0xa: {  	s10 =	sadd.s32 $0x5000, s0;
	s12 =	sadd.s32 s5, s0;
	s22 =	sadd.s32 s5, s11  }
0xb: {  	s24 =	sadd.s32 s5, s13;
	s26 =	sadd.s32 s5, s14;
	s3 =	smul.u32 $0x26C0, s3  }
0xc: {  	s8 =	sshrl.u32 s8, $0x3;
	s12 =	sshrl.u32 s12, $0x3;
	s20 =	sadd.s32 s5, s10  }
0xd: {  	s23 =	sshrl.u32 s22, $0x3;
	s25 =	sshrl.u32 s24, $0x3;
	s8 =	sadd.s32 s2, s8  }
0xe: {  	s28 =	sshrl.u32 s26, $0x3;
	[dreg:$0x5] =	wrdreg s8;
	s8 =	sadd.s32 $0x2800, s0  }
0xf: {  	s22 =	smul.u32 $0x50, s9;
	s12 =	sadd.s32 s2, s12;
	s16 =	sadd.s32 s5, s8  }
0x10: {  	s21 =	sshrl.u32 s20, $0x3;
	s20 =	sadd.s32 s6, s4;
	s17 =	sshrl.u32 s16, $0x3  }
0x11: {  	[dreg:$0x6] =	wrdreg s12;
	s5 =	sadd.s32 s5, s15;
	s12 =	sadd.s32 s2, s17  }
0x12: {  	s17 =	smul.u32 $0x26C0, s9;
	[dreg:$0x7] =	wrdreg s12;
	s12 =	sadd.s32 s2, s21  }
0x13: {  	s5 =	sshrl.u32 s5, $0x3;
	[dreg:$0x8] =	wrdreg s12;
	s12 =	sadd.s32 s2, s23  }
0x14: {  	s21 =	sadd.s32 $0x78, s17;
	[dreg:$0x9] =	wrdreg s12;
	s12 =	sadd.s32 s2, s25  }
0x15: {  	s25 =	sshrl.u32 s22, $0x3;
	[dreg:$0xa] =	wrdreg s12;
	s12 =	sadd.s32 s2, s28  }
0x16: {  	s2 =	sadd.s32 s2, s5;
	s5 =	sadd.s32 $0x4D828, s22;
	[dreg:$0xb] =	wrdreg s12  }
0x17: {  	s12 =	simm.s32 $0x0;
	[dreg:$0xc] =	wrdreg s2;
	s2 =	sadd.s32 s3, s31  }
0x18: {  	s3 =	sshrl.u32 s21, $0x3;
	s5 =	sshrl.u32 s5, $0x3;
	[smem:$0x7FF] =	sst s12  }
0x19: {  	s3 =	sadd.s32 s19, s3;
	_ =	strace $0x80000047;
	[dreg:$0xd] =	wrdreg s20  }
0x1a: {  	s6 =	sadd.s32 s19, s25;
	s28 =	sadd.s32 s19, s5;
	[dreg:$0xf] =	wrdreg s3  }
0x1b: {  	s30 =	simm.s32 $0x9;
	s31 =	sadd.s32 $0x9B00, s6;
	[dreg:$0x11] =	wrdreg s28  }
0x1c: {  	s26 =	smul.u32 $0x4E200, s18;
	s5 =	sadd.s32 $0x13740, s6;
	[dreg:$0x12] =	wrdreg s31  }
0x1d: {  	s18 =	sadd.s32 s11, s4;
	s0 =	sadd.s32 s0, s4;
	[dreg:$0x13] =	wrdreg s5  }
0x1e: {  	s16 =	sadd.s32 s8, s4;
	s9 =	smax.u32 s7, $0x1;
	[dreg:$0x14] =	wrdreg s0  }
0x1f: {  	s23 =	sshrl.u32 s17, $0x3;
	s24 =	sadd.s32 $0xC8, s17;
	[dreg:$0x15] =	wrdreg s9  }
0x20: {  	s17 =	sadd.s32 s10, s4;
	s22 =	sadd.s32 s14, s4;
	[dreg:$0x17] =	wrdreg s16  }
0x21: {  	s25 =	sadd.s32 s15, s4;
	s21 =	sadd.s32 s13, s4;
	[dreg:$0x18] =	wrdreg s17  }
0x22: {  	s6 =	sshrl.u32 s26, $0x2;
	s10 =	sadd.s32 $0x4E340, s2;
	[dreg:$0x19] =	wrdreg s18  }
0x23: {  	s11 =	sadd.s32 $0x168, s2;
	s20 =	sadd.s32 s19, s23;
	[dreg:$0x1a] =	wrdreg s21  }
0x24: {  	s3 =	sshrl.u32 s24, $0x3;
	s0 =	sadd.s32 s6, s4;
	[dreg:$0x1b] =	wrdreg s22  }
0x25: {  	s23 =	sadd.s32 $0x4E3E0, s2;
	s24 =	sadd.s32 $0x208, s2;
	[dreg:$0x1c] =	wrdreg s25  }
0x26: {  	s28 =	sadd.s32 $0x1E0, s2;
	s31 =	sadd.s32 $0x4E390, s2;
	s9 =	sadd.s32 $0x190, s2  }
0x27: {  	s14 =	sshrl.u32 s10, $0x3;
	s15 =	sshrl.u32 s11, $0x3;
	s18 =	sadd.s32 $0x140, s2  }
0x28: {  	s21 =	sadd.s32 $0x4E2F0, s2;
	s22 =	sadd.s32 $0x118, s2;
	[dreg:$0x16] =	wrdreg s0  }
0x29: {  	s10 =	simm.s32 $0xD;
	s3 =	sadd.s32 s19, s3;
	[smem:$0x7F7] =	sst s18  }
0x2a: {  	s0 =	sshrl.u32 s23, $0x3;
	s5 =	sshrl.u32 s31, $0x3;
	[dreg:$0xe] =	wrdreg s20  }
0x2b: {  	s16 =	sadd.s32 s14, s19;
	s17 =	sadd.s32 s15, s19;
	[dreg:$0x10] =	wrdreg s3  }
0x2c: {  	s23 =	sadd.s32 $0x5, s20;
	s25 =	sadd.s32 $0xA, s20;
	[smem:$0x7F5] =	sst s16  }
0x2d: {  	s31 =	sadd.s32 $0x9C54, s20;
	s14 =	simm.s32 $0x138D0;
	[smem:$0x7F6] =	sst s17  }
0x2e: {  	s18 =	simm.s32 $0x8;
	s3 =	sshrl.u32 s24, $0x3;
	[smem:$0x7F8] =	sst s23  }
0x2f: {  	s0 =	sadd.s32 s0, s19;
	s7 =	sadd.s32 s5, s19;
	[smem:$0x7FA] =	sst s25  }
0x30: {  	s5 =	sshrl.u32 s9, $0x3;
	s24 =	sadd.s32 $0x9C40, s20;
	[smem:$0x7FD] =	sst s31  }
0x31: {  	s23 =	simm.s32 $0x13920;
	s25 =	simm.s32 $0x1;
	s17 =	simm.s32 $0x5  }
0x32: {  	[dreg:$0x1d] =	wrdreg s0;
	s26 =	sadd.s32 s3, s19;
	s0 =	sshrl.u32 s28, $0x3  }
0x33: {  	s3 =	sadd.s32 $0x1B8, s2;
	[smem:$0x7F2] =	sst s7;
	s13 =	sadd.s32 s5, s19  }
0x34: {  	s2 =	sadd.s32 $0xF0, s2;
	s5 =	sshrl.u32 s21, $0x3;
	[smem:$0x7F9] =	sst s24  }
0x35: {  	s28 =	sadd.s32 $0x14, s20;
	s7 =	simm.s32 $0x50;
	s21 =	simm.s32 $0x1B300  }
0x36: {  	[dreg:$0x1e] =	wrdreg s26;
	s0 =	sadd.s32 s0, s19;
	s6 =	sshrl.u32 s3, $0x3  }
0x37: {  	[smem:$0x7F4] =	sst s13;
	s2 =	sshrl.u32 s2, $0x3;
	s11 =	sadd.s32 s5, s19  }
0x38: {  	s26 =	sadd.s32 $0x9C4A, s20;
	[smem:$0x7FC] =	sst s28;
	s5 =	simm.s32 $0x1B2B0  }
.Ltmp0:
0x39: {  	s20 =	simm.s32 $0xA;
	s3 =	simm.s32 $0x0;
	(pc) =	sbr.rel .LBB2_1-.Ltmp0, $4  }
0x3a: {  	[dreg:$0x1f] =	wrdreg s0;
	s8 =	sadd.s32 s6, s19;
	s6 =	sshrl.u32 s22, $0x3  }
0x3b: {  	s16 =	sadd.s32 s2, s19;
	[smem:$0x7FB] =	sst s26;
	s26 =	simm.s32 $0x28  }
0x3c: {  	s2 =	simm.s32 $0x7;
	s22 =	simm.s32 $0xB;
	[smem:$0x7F3] =	sst s8  }
0x3d: {  	v0 =	vimm.f32 $0.0e+00;
	s13 =	sadd.s32 s6, s19;
	s8 =	simm.s32 $0x18A60;
	s6 =	simm.s32 $0x2  }
.LBB2_9:
0x3e: {  	s0 =	simm.s32 $0x3  }
0x3f: {  	_ =	swait.ge [sflag:s0], $0x2800  }
0x40: {  	[sflag:s0] =	ssyncset.done $0x0  }
0x41: {  	s19 =	simm.s32 $0x6;
	[sflag:s0] =	ssyncadd.s32 $0xFFFFD800  }
0x42: {  	_ =	swait.ge [sflag:s19], $0x2800  }
0x43: {  	[sflag:s19] =	ssyncset.done $0x0  }
0x44: {  	[sflag:s19] =	ssyncadd.s32 $0xFFFFD800  }
0x45: {  	_ =	swait.ge [sflag:s30], $0x2800  }
0x46: {  	[sflag:s30] =	ssyncset.done $0x0  }
0x47: {  	s24 =	simm.s32 $0xC;
	[sflag:s30] =	ssyncadd.s32 $0xFFFFD800  }
0x48: {  	_ =	swait.ge [sflag:s24], $0x2800  }
0x49: {  	[sflag:s24] =	ssyncset.done $0x0  }
0x4a: {  	s3 =	simm.s32 $0x13880;
	s28 =	rddreg [dreg:$0x12];
	[sflag:s24] =	ssyncadd.s32 $0xFFFFD800  }
0x4b: {  	[tilespmem:s3], [sflag:$0xD] =	stream.linear.gather [hbm4b:s28+s12], $0x28, $0x38;
	[tilespmem:$0x1DB00] =	vst v63  }
0x4c: {  	_ =	swait.ge [sflag:s10], $0x28  }
0x4d: {  	[sflag:s10] =	ssyncset.done $0x0  }
0x4e: {  	s14 =	simm.s32 $0x138A8;
	s31 =	rddreg [dreg:$0x11];
	[sflag:s10] =	ssyncadd.s32 $0xFFFFFFD8  }
0x4f: {  	[tilespmem:s14], [sflag:$0xD] =	stream.linear.gather [hbm4b:s31+s12], $0x28, $0x38;
	[tilespmem:$0x1DB00] =	vst v63  }
0x50: {  	_ =	swait.ge [sflag:s10], $0x28  }
0x51: {  	[sflag:s10] =	ssyncset.done $0x0  }
0x52: {  	s15 =	simm.s32 $0x138D0;
	s9 =	rddreg [dreg:$0x13];
	[sflag:s10] =	ssyncadd.s32 $0xFFFFFFD8  }
0x53: {  	[tilespmem:s15], [sflag:$0xD] =	stream.linear.gather [hbm4b:s9+s12], $0x50, $0x38;
	[tilespmem:$0x1DB00] =	vst v63  }
0x54: {  	_ =	swait.ge [sflag:s10], $0x50  }
0x55: {  	[sflag:s10] =	ssyncset.done $0x0  }
0x56: {  	[sflag:s10] =	ssyncadd.s32 $0xFFFFFFB0  }
0x57: {  	[tilespmem:s23], [sflag:$0x2] =	stream.indirect.gather [hbm4b:s1+s26], $0x80, s3, s26, $0xb8;
	[tilespmem:$0x1DB00] =	vst v63  }
0x58: {  	_ =	swait.ge [sflag:s6], $0x1400  }
0x59: {  	[sflag:s6] =	ssyncset.done $0x0  }
0x5a: {  	s15 =	simm.s32 $0x14D20;
	[sflag:s6] =	ssyncadd.s32 $0xFFFFEC00  }
0x5b: {  	[tilespmem:s15], [sflag:$0x2] =	stream.indirect.gather [hbm4b:s1+s26], $0x80, s14, s26, $0xb8;
	[tilespmem:$0x1DB00] =	vst v63  }
0x5c: {  	_ =	swait.ge [sflag:s6], $0x1400  }
0x5d: {  	[sflag:s6] =	ssyncset.done $0x0  }
0x5e: {  	s14 =	simm.s32 $0x138D0;
	[sflag:s6] =	ssyncadd.s32 $0xFFFFEC00  }
0x5f: {  	[spmem:s4] =	stream.indirect.scatter.add.f32 [tilespmem:s23], [sflag:$0xD], $0x80, s14, s7, $0xb8;
	[tilespmem:$0x1DB00] =	vst v63  }
0x60: {  	_ =	swait.ge [sflag:s10], $0x2800  }
0x61: {  	[sflag:s10] =	ssyncset.done $0x0  }
0x62: {  	[sflag:s10] =	ssyncadd.s32 $0xFFFFD800  }
0x63: {  	[bflag:$0x0] =	sbarrier.arrive $0xFFFF  }
0x64: {  	s19 =	rddreg [dreg:$0x14]  }
0x65: {  	[tilespmem:s23], [sflag:$0xD] =	stream.linear.gather [spmem:s19], $0x2800, $0x38;
	[tilespmem:$0x1DB00] =	vst v63  }
0x66: {  	_ =	swait.ge [sflag:s10], $0x2800  }
0x67: {  	[sflag:s10] =	ssyncset.done $0x0  }
0x68: {  	s24 =	rddreg [dreg:$0x6];
	[sflag:s10] =	ssyncadd.s32 $0xFFFFD800  }
0x69: {  	[hbm4b:s24+s12] =	stream.linear.scatter [tilespmem:s23], [sflag:$0xD], $0x2800, $0x38;
	[tilespmem:$0x1DB00] =	vst v63  }
0x6a: {  	_ =	swait.ge [sflag:s10], $0x2800  }
0x6b: {  	[sflag:s10] =	ssyncset.done $0x0  }
0x6c: {  	s28 =	rddreg [dreg:$0x17];
	[sflag:s10] =	ssyncadd.s32 $0xFFFFD800  }
0x6d: {  	[tilespmem:s23], [sflag:$0xD] =	stream.linear.gather [spmem:s28], $0x2800, $0x38;
	[tilespmem:$0x1DB00] =	vst v63  }
0x6e: {  	_ =	swait.ge [sflag:s10], $0x2800  }
0x6f: {  	[sflag:s10] =	ssyncset.done $0x0  }
0x70: {  	s31 =	rddreg [dreg:$0x7];
	[sflag:s10] =	ssyncadd.s32 $0xFFFFD800  }
0x71: {  	[hbm4b:s31+s12] =	stream.linear.scatter [tilespmem:s23], [sflag:$0xD], $0x2800, $0x38;
	[tilespmem:$0x1DB00] =	vst v63  }
0x72: {  	_ =	swait.ge [sflag:s10], $0x2800  }
0x73: {  	[sflag:s10] =	ssyncset.done $0x0  }
0x74: {  	s3 =	rddreg [dreg:$0x18];
	[sflag:s10] =	ssyncadd.s32 $0xFFFFD800  }
0x75: {  	[tilespmem:s23], [sflag:$0xD] =	stream.linear.gather [spmem:s3], $0x2800, $0x38;
	[tilespmem:$0x1DB00] =	vst v63  }
0x76: {  	_ =	swait.ge [sflag:s10], $0x2800  }
0x77: {  	[sflag:s10] =	ssyncset.done $0x0  }
0x78: {  	s9 =	rddreg [dreg:$0x8];
	[sflag:s10] =	ssyncadd.s32 $0xFFFFD800  }
0x79: {  	[hbm4b:s9+s12] =	stream.linear.scatter [tilespmem:s23], [sflag:$0xD], $0x2800, $0x38;
	[tilespmem:$0x1DB00] =	vst v63  }
0x7a: {  	_ =	swait.ge [sflag:s10], $0x2800  }
0x7b: {  	[sflag:s10] =	ssyncset.done $0x0  }
0x7c: {  	s15 =	rddreg [dreg:$0x19];
	[sflag:s10] =	ssyncadd.s32 $0xFFFFD800  }
0x7d: {  	[tilespmem:s23], [sflag:$0xD] =	stream.linear.gather [spmem:s15], $0x2800, $0x38;
	[tilespmem:$0x1DB00] =	vst v63  }
0x7e: {  	_ =	swait.ge [sflag:s10], $0x2800  }
0x7f: {  	[sflag:s10] =	ssyncset.done $0x0  }
0x80: {  	s19 =	rddreg [dreg:$0x9];
	[sflag:s10] =	ssyncadd.s32 $0xFFFFD800  }
0x81: {  	[hbm4b:s19+s12] =	stream.linear.scatter [tilespmem:s23], [sflag:$0xD], $0x2800, $0x38;
	[tilespmem:$0x1DB00] =	vst v63  }
0x82: {  	_ =	swait.ge [sflag:s10], $0x2800  }
0x83: {  	[sflag:s10] =	ssyncset.done $0x0  }
0x84: {  	s24 =	rddreg [dreg:$0x1a];
	[sflag:s10] =	ssyncadd.s32 $0xFFFFD800  }
0x85: {  	[tilespmem:s23], [sflag:$0xD] =	stream.linear.gather [spmem:s24], $0x2800, $0x38;
	[tilespmem:$0x1DB00] =	vst v63  }
0x86: {  	_ =	swait.ge [sflag:s10], $0x2800  }
0x87: {  	[sflag:s10] =	ssyncset.done $0x0  }
0x88: {  	s28 =	rddreg [dreg:$0xa];
	[sflag:s10] =	ssyncadd.s32 $0xFFFFD800  }
0x89: {  	[hbm4b:s28+s12] =	stream.linear.scatter [tilespmem:s23], [sflag:$0xD], $0x2800, $0x38;
	[tilespmem:$0x1DB00] =	vst v63  }
0x8a: {  	_ =	swait.ge [sflag:s10], $0x2800  }
0x8b: {  	[sflag:s10] =	ssyncset.done $0x0  }
0x8c: {  	s31 =	rddreg [dreg:$0x1b];
	[sflag:s10] =	ssyncadd.s32 $0xFFFFD800  }
0x8d: {  	[tilespmem:s23], [sflag:$0xD] =	stream.linear.gather [spmem:s31], $0x2800, $0x38;
	[tilespmem:$0x1DB00] =	vst v63  }
0x8e: {  	_ =	swait.ge [sflag:s10], $0x2800  }
0x8f: {  	[sflag:s10] =	ssyncset.done $0x0  }
0x90: {  	s3 =	rddreg [dreg:$0xb];
	[sflag:s10] =	ssyncadd.s32 $0xFFFFD800  }
0x91: {  	[hbm4b:s3+s12] =	stream.linear.scatter [tilespmem:s23], [sflag:$0xD], $0x2800, $0x38;
	[tilespmem:$0x1DB00] =	vst v63  }
0x92: {  	_ =	swait.ge [sflag:s10], $0x2800  }
0x93: {  	[sflag:s10] =	ssyncset.done $0x0  }
0x94: {  	s9 =	rddreg [dreg:$0x1c];
	[sflag:s10] =	ssyncadd.s32 $0xFFFFD800  }
0x95: {  	[tilespmem:s23], [sflag:$0xD] =	stream.linear.gather [spmem:s9], $0x2800, $0x38;
	[tilespmem:$0x1DB00] =	vst v63  }
0x96: {  	_ =	swait.ge [sflag:s10], $0x2800  }
0x97: {  	[sflag:s10] =	ssyncset.done $0x0  }
0x98: {  	s15 =	rddreg [dreg:$0xc];
	[sflag:s10] =	ssyncadd.s32 $0xFFFFD800  }
0x99: {  	[hbm4b:s15+s12] =	stream.linear.scatter [tilespmem:s23], [sflag:$0xD], $0x2800, $0x38;
	[tilespmem:$0x1DB00] =	vst v63  }
0x9a: {  	_ =	swait.ge [sflag:s10], $0x2800  }
0x9b: {  	[sflag:s10] =	ssyncset.done $0x0  }
0x9c: {  	s19 =	rddreg [dreg:$0xd];
	[sflag:s10] =	ssyncadd.s32 $0xFFFFD800  }
0x9d: {  	[tilespmem:s23], [sflag:$0xD] =	stream.linear.gather [spmem:s19], $0x2080, $0x38;
	[tilespmem:$0x1DB00] =	vst v63  }
0x9e: {  	_ =	swait.ge [sflag:s10], $0x2080  }
0x9f: {  	[sflag:s10] =	ssyncset.done $0x0  }
0xa0: {  	s24 =	rddreg [dreg:$0x5];
	[sflag:s10] =	ssyncadd.s32 $0xFFFFDF80  }
0xa1: {  	[hbm4b:s24+s12] =	stream.linear.scatter [tilespmem:s23], [sflag:$0xD], $0x2080, $0x38;
	[tilespmem:$0x1DB00] =	vst v63  }
0xa2: {  	_ =	swait.ge [sflag:s10], $0x2080  }
0xa3: {  	s28 =	sld [smem:$0x7F1];
	_ =	sdelay $0x2  }
0xa4: {  	s31 =	rddreg [dreg:$0x15];
	s3 =	sadd.s32 $0x1, s28  }
0xa5: {  	p0 =	sne.s32 s3, s31  }
.Ltmp1:
0xa6: {  	_ = 	snop;
	(pc) =	sbr.rel @!p0 .LBB2_10-.Ltmp1, $3  }
0xa7: {  	_ =	sdelay $0x1  }
0xa8: {  	[sflag:s10] =	ssyncset.done $0x0  }
0xa9: {  	[sflag:s10] =	ssyncadd.s32 $0xFFFFDF80  }
.LBB2_1:
0xaa: {  	[smem:$0x7F1] =	sst s3;
	s19 =	simm.s32 $0x0;
	s31 =	simm.s32 $0x200  }
.LBB2_2:
0xab: {  	p0 =	sne.s32 s31, $0x9E00;
	[tilespmem:s19+$0x13990] =	vst v0  }
0xac: {  	[tilespmem:s19+$0x13920] =	vst v0  }
0xad: {  	[tilespmem:s19+$0x13930] =	vst v0  }
.Ltmp2:
0xae: {  	[tilespmem:s19+$0x13940] =	vst v0;
	(pc) =	sbr.rel @p0 .LBB2_2-.Ltmp2, $4  }
0xaf: {  	[tilespmem:s19+$0x13950] =	vst v0  }
0xb0: {  	[tilespmem:s19+$0x13960] =	vst v0  }
0xb1: {  	[tilespmem:s19+$0x13970] =	vst v0  }
0xb2: {  	[tilespmem:s19+$0x13980] =	vst v0;
	s19 =	sshra.s32 s31, $0x2;
	s31 =	sadd.s32 $0x200, s31  }
0xb3: {  	[tilespmem:s19+$0x13990] =	vst v0  }
0xb4: {  	[tilespmem:s19+$0x13920] =	vst v0  }
0xb5: {  	[tilespmem:s19+$0x13930] =	vst v0  }
0xb6: {  	[tilespmem:s19+$0x13940] =	vst v0  }
0xb7: {  	[tilespmem:s19+$0x13950] =	vst v0  }
0xb8: {  	[tilespmem:s19+$0x13960] =	vst v0  }
0xb9: {  	[tilespmem:s19+$0x13970] =	vst v0  }
0xba: {  	[tilespmem:s19+$0x13980] =	vst v0;
	s0 =	rddreg [dreg:$0x16]  }
0xbb: {  	[spmem:s0] =	stream.linear.scatter [tilespmem:s23], [sflag:$0xD], $0x2800, $0x38;
	[tilespmem:$0x1DB00] =	vst v63  }
0xbc: {  	_ =	swait.ge [sflag:s10], $0x2800  }
0xbd: {  	[sflag:s10] =	ssyncset.done $0x0  }
0xbe: {  	s3 =	rddreg [dreg:$0x17];
	[sflag:s10] =	ssyncadd.s32 $0xFFFFD800  }
0xbf: {  	[spmem:s3] =	stream.linear.scatter [tilespmem:s23], [sflag:$0xD], $0x2800, $0x38;
	[tilespmem:$0x1DB00] =	vst v63  }
0xc0: {  	_ =	swait.ge [sflag:s10], $0x2800  }
0xc1: {  	[sflag:s10] =	ssyncset.done $0x0  }
0xc2: {  	s9 =	rddreg [dreg:$0x18];
	[sflag:s10] =	ssyncadd.s32 $0xFFFFD800  }
0xc3: {  	[spmem:s9] =	stream.linear.scatter [tilespmem:s23], [sflag:$0xD], $0x2800, $0x38;
	[tilespmem:$0x1DB00] =	vst v63  }
0xc4: {  	_ =	swait.ge [sflag:s10], $0x2800  }
0xc5: {  	[sflag:s10] =	ssyncset.done $0x0  }
0xc6: {  	s15 =	rddreg [dreg:$0x19];
	[sflag:s10] =	ssyncadd.s32 $0xFFFFD800  }
0xc7: {  	[spmem:s15] =	stream.linear.scatter [tilespmem:s23], [sflag:$0xD], $0x2800, $0x38;
	[tilespmem:$0x1DB00] =	vst v63  }
0xc8: {  	_ =	swait.ge [sflag:s10], $0x2800  }
0xc9: {  	[sflag:s10] =	ssyncset.done $0x0  }
0xca: {  	s19 =	rddreg [dreg:$0x1a];
	[sflag:s10] =	ssyncadd.s32 $0xFFFFD800  }
0xcb: {  	[spmem:s19] =	stream.linear.scatter [tilespmem:s23], [sflag:$0xD], $0x2800, $0x38;
	[tilespmem:$0x1DB00] =	vst v63  }
0xcc: {  	_ =	swait.ge [sflag:s10], $0x2800  }
0xcd: {  	[sflag:s10] =	ssyncset.done $0x0  }
0xce: {  	s24 =	rddreg [dreg:$0x1b];
	[sflag:s10] =	ssyncadd.s32 $0xFFFFD800  }
0xcf: {  	[spmem:s24] =	stream.linear.scatter [tilespmem:s23], [sflag:$0xD], $0x2800, $0x38;
	[tilespmem:$0x1DB00] =	vst v63  }
0xd0: {  	_ =	swait.ge [sflag:s10], $0x2800  }
0xd1: {  	[sflag:s10] =	ssyncset.done $0x0  }
0xd2: {  	s3 =	rddreg [dreg:$0x1c];
	[sflag:s10] =	ssyncadd.s32 $0xFFFFD800  }
0xd3: {  	[spmem:s3] =	stream.linear.scatter [tilespmem:s23], [sflag:$0xD], $0x2800, $0x38;
	[tilespmem:$0x1DB00] =	vst v63  }
0xd4: {  	_ =	swait.ge [sflag:s10], $0x2800  }
0xd5: {  	[sflag:s10] =	ssyncset.done $0x0  }
0xd6: {  	s9 =	rddreg [dreg:$0xd];
	[sflag:s10] =	ssyncadd.s32 $0xFFFFD800  }
0xd7: {  	[spmem:s9] =	stream.linear.scatter [tilespmem:s23], [sflag:$0xD], $0x2080, $0x38;
	[tilespmem:$0x1DB00] =	vst v63  }
0xd8: {  	_ =	swait.ge [sflag:s10], $0x2080  }
0xd9: {  	[sflag:s10] =	ssyncset.done $0x0  }
0xda: {  	[sflag:s10] =	ssyncadd.s32 $0xFFFFDF80  }
0xdb: {  	[bflag:$0x0] =	sbarrier.arrive $0xFFFF  }
0xdc: {  	s15 =	rddreg [dreg:$0xe]  }
0xdd: {  	s19 =	simm.s32 $0x0;
	s3 =	simm.s32 $0x13880;
	s24 =	sld [smem:$0x7F8]  }
0xde: {  	[tilespmem:s3], [sflag:$0x1] =	stream.linear.gather [hbm4b:s15+s19], $0x28, $0x38;
	[tilespmem:$0x1DB00] =	vst v63  }
0xdf: {  	s9 =	sld [smem:$0x7F9];
	s15 =	simm.s32 $0x138A8  }
0xe0: {  	[tilespmem:s15], [sflag:$0x1] =	stream.linear.gather [hbm4b:s24+s19], $0x28, $0x38;
	[tilespmem:$0x1DB00] =	vst v63  }
0xe1: {  	s24 =	sld [smem:$0x7FA]  }
0xe2: {  	[tilespmem:s14], [sflag:$0x1] =	stream.linear.gather [hbm4b:s9+s19], $0x50, $0x38;
	[tilespmem:$0x1DB00] =	vst v63  }
0xe3: {  	s9 =	simm.s32 $0x16120  }
0xe4: {  	[tilespmem:s9], [sflag:$0x4] =	stream.linear.gather [hbm4b:s24+s19], $0x28, $0x38;
	[tilespmem:$0x1DB00] =	vst v63  }
0xe5: {  	s31 =	simm.s32 $0x16148;
	s24 =	rddreg [dreg:$0xf]  }
0xe6: {  	[tilespmem:s31], [sflag:$0x4] =	stream.linear.gather [hbm4b:s24+s19], $0x28, $0x38;
	[tilespmem:$0x1DB00] =	vst v63  }
0xe7: {  	s24 =	sld [smem:$0x7FB];
	_ =	sdelay $0x1  }
0xe8: {  	s28 =	simm.s32 $0x16170  }
0xe9: {  	[tilespmem:s28], [sflag:$0x4] =	stream.linear.gather [hbm4b:s24+s19], $0x50, $0x38;
	[tilespmem:$0x1DB00] =	vst v63  }
0xea: {  	s24 =	sld [smem:$0x7FC];
	_ =	sdelay $0x1  }
0xeb: {  	s28 =	simm.s32 $0x189C0  }
0xec: {  	[tilespmem:s28], [sflag:$0x7] =	stream.linear.gather [hbm4b:s24+s19], $0x28, $0x38;
	[tilespmem:$0x1DB00] =	vst v63  }
0xed: {  	s0 =	rddreg [dreg:$0x10];
	s24 =	simm.s32 $0x189E8  }
0xee: {  	[tilespmem:s24], [sflag:$0x7] =	stream.linear.gather [hbm4b:s0+s19], $0x28, $0x38;
	[tilespmem:$0x1DB00] =	vst v63  }
0xef: {  	s0 =	sld [smem:$0x7FD];
	_ =	sdelay $0x1  }
0xf0: {  	s24 =	simm.s32 $0x18A10  }
0xf1: {  	[tilespmem:s24], [sflag:$0x7] =	stream.linear.gather [hbm4b:s0+s19], $0x50, $0x38;
	[tilespmem:$0x1DB00] =	vst v63  }
0xf2: {  	_ =	swait.ge [sflag:s25], $0x28  }
0xf3: {  	[sflag:s25] =	ssyncset.done $0x0  }
0xf4: {  	[sflag:s25] =	ssyncadd.s32 $0xFFFFFFD8  }
0xf5: {  	_ =	swait.ge [sflag:s25], $0x28  }
0xf6: {  	[sflag:s25] =	ssyncset.done $0x0  }
0xf7: {  	[sflag:s25] =	ssyncadd.s32 $0xFFFFFFD8  }
0xf8: {  	_ =	swait.ge [sflag:s25], $0x50  }
0xf9: {  	[sflag:s25] =	ssyncset.done $0x0  }
0xfa: {  	[sflag:s25] =	ssyncadd.s32 $0xFFFFFFB0  }
0xfb: {  	[tilespmem:s23], [sflag:$0x2] =	stream.indirect.gather [hbm4b:s1+s26], $0x80, s3, s26, $0xb8;
	[tilespmem:$0x1DB00] =	vst v63  }
0xfc: {  	s3 =	simm.s32 $0x14D20  }
0xfd: {  	[tilespmem:s3], [sflag:$0x2] =	stream.indirect.gather [hbm4b:s1+s26], $0x80, s15, s26, $0xb8;
	[tilespmem:$0x1DB00] =	vst v63  }
0xfe: {  	_ =	swait.ge [sflag:s29], $0x28  }
0xff: {  	[sflag:s29] =	ssyncset.done $0x0  }
0x100: {  	[sflag:s29] =	ssyncadd.s32 $0xFFFFFFD8  }
0x101: {  	_ =	swait.ge [sflag:s29], $0x28  }
0x102: {  	[sflag:s29] =	ssyncset.done $0x0  }
0x103: {  	[sflag:s29] =	ssyncadd.s32 $0xFFFFFFD8  }
0x104: {  	_ =	swait.ge [sflag:s29], $0x50  }
0x105: {  	[sflag:s29] =	ssyncset.done $0x0  }
0x106: {  	s0 =	simm.s32 $0x161C0;
	[sflag:s29] =	ssyncadd.s32 $0xFFFFFFB0  }
0x107: {  	[tilespmem:s0], [sflag:$0x5] =	stream.indirect.gather [hbm4b:s1+s26], $0x80, s9, s26, $0xb8;
	[tilespmem:$0x1DB00] =	vst v63  }
0x108: {  	s9 =	simm.s32 $0x175C0  }
0x109: {  	[tilespmem:s9], [sflag:$0x5] =	stream.indirect.gather [hbm4b:s1+s26], $0x80, s31, s26, $0xb8;
	[tilespmem:$0x1DB00] =	vst v63  }
0x10a: {  	s24 =	simm.s32 $0x189E8;
	s15 =	simm.s32 $0x16170;
	s31 =	sld [smem:$0x7F7]  }
.LBB2_4:
0x10b: {  	_ =	swait.ge [sflag:s2], $0x28  }
0x10c: {  	[sflag:s2] =	ssyncset.done $0x0  }
0x10d: {  	[sflag:s2] =	ssyncadd.s32 $0xFFFFFFD8  }
0x10e: {  	_ =	swait.ge [sflag:s2], $0x28  }
0x10f: {  	[sflag:s2] =	ssyncset.done $0x0  }
0x110: {  	[sflag:s2] =	ssyncadd.s32 $0xFFFFFFD8  }
0x111: {  	_ =	swait.ge [sflag:s2], $0x50  }
0x112: {  	[sflag:s2] =	ssyncset.done $0x0  }
0x113: {  	[sflag:s2] =	ssyncadd.s32 $0xFFFFFFB0  }
0x114: {  	[tilespmem:s8], [sflag:$0x8] =	stream.indirect.gather [hbm4b:s1+s26], $0x80, s28, s26, $0xb8;
	[tilespmem:$0x1DB00] =	vst v63  }
0x115: {  	s3 =	simm.s32 $0x19E60  }
0x116: {  	[tilespmem:s3], [sflag:$0x8] =	stream.indirect.gather [hbm4b:s1+s26], $0x80, s24, s26, $0xb8;
	[tilespmem:$0x1DB00] =	vst v63  }
0x117: {  	_ =	swait.ge [sflag:s6], $0x1400  }
0x118: {  	[sflag:s6] =	ssyncset.done $0x0  }
0x119: {  	[sflag:s6] =	ssyncadd.s32 $0xFFFFEC00  }
0x11a: {  	_ =	swait.ge [sflag:s6], $0x1400  }
0x11b: {  	p0 =	seq.s32 s19, $0x0;
	[sflag:s6] =	ssyncset.done $0x0  }
0x11c: {  	s3 =	simm.s32 @!p0 $0xC;
	[sflag:s6] =	ssyncadd.s32 $0xFFFFEC00  }
0x11d: {  	[spmem:s4] =	stream.indirect.scatter.add.f32 [tilespmem:s23], [sflag:$0x3], $0x80, s14, s7, $0xb8;
	[tilespmem:$0x1DB00] =	vst v63  }
0x11e: {  	_ =	swait.ge @!p0 [sflag:s3], $0x2800  }
0x11f: {  	[sflag:s3] =	ssyncset.done @!p0 $0x0  }
0x120: {  	s9 =	sadd.s32 s19, s16;
	s8 =	simm.s32 $0x1B260;
	[sflag:s3] =	ssyncadd.s32 @!p0 $0xFFFFD800  }
0x121: {  	[tilespmem:s8], [sflag:$0xA] =	stream.linear.gather [hbm4b:s9+s12], $0x28, $0x38;
	[tilespmem:$0x1DB00] =	vst v63  }
0x122: {  	s3 =	sadd.s32 s19, s13;
	s9 =	simm.s32 $0x1B288  }
0x123: {  	[tilespmem:s9], [sflag:$0xA] =	stream.linear.gather [hbm4b:s3+s12], $0x28, $0x38;
	[tilespmem:$0x1DB00] =	vst v63  }
0x124: {  	s3 =	sadd.s32 s19, s11  }
0x125: {  	[tilespmem:s5], [sflag:$0xA] =	stream.linear.gather [hbm4b:s3+s12], $0x50, $0x38;
	[tilespmem:$0x1DB00] =	vst v63  }
0x126: {  	_ =	swait.ge [sflag:s20], $0x28  }
0x127: {  	[sflag:s20] =	ssyncset.done $0x0  }
0x128: {  	[sflag:s20] =	ssyncadd.s32 $0xFFFFFFD8  }
0x129: {  	_ =	swait.ge [sflag:s20], $0x28  }
0x12a: {  	[sflag:s20] =	ssyncset.done $0x0  }
0x12b: {  	[sflag:s20] =	ssyncadd.s32 $0xFFFFFFD8  }
0x12c: {  	_ =	swait.ge [sflag:s20], $0x50  }
0x12d: {  	[sflag:s20] =	ssyncset.done $0x0  }
0x12e: {  	[sflag:s20] =	ssyncadd.s32 $0xFFFFFFB0  }
0x12f: {  	[tilespmem:s21], [sflag:$0xB] =	stream.indirect.gather [hbm4b:s1+s26], $0x80, s8, s26, $0xb8;
	[tilespmem:$0x1DB00] =	vst v63  }
0x130: {  	s8 =	simm.s32 $0x1C700  }
0x131: {  	[tilespmem:s8], [sflag:$0xB] =	stream.indirect.gather [hbm4b:s1+s26], $0x80, s9, s26, $0xb8;
	[tilespmem:$0x1DB00] =	vst v63  }
0x132: {  	_ =	swait.ge [sflag:s17], $0x1400  }
0x133: {  	p0 =	seq.s32 s19, $0x4B0;
	[sflag:s17] =	ssyncset.done $0x0  }
.Ltmp3:
0x134: {  	[sflag:s17] =	ssyncadd.s32 $0xFFFFEC00;
	(pc) =	sbr.rel @!p0 .LBB2_5-.Ltmp3, $4  }
0x135: {  	_ =	swait.ge [sflag:s17], $0x1400  }
0x136: {  	[sflag:s17] =	ssyncset.done $0x0  }
0x137: {  	s9 =	simm.s32 $0x18A60;
	s8 =	simm.s32 $0x161C0;
	[sflag:s17] =	ssyncadd.s32 $0xFFFFEC00  }
0x138: {  	[spmem:s4] =	stream.indirect.scatter.add.f32 [tilespmem:s0], [sflag:$0x6], $0x80, s15, s7, $0xb8;
	[tilespmem:$0x1DB00] =	vst v63  }
0x139: {  	_ =	swait.ge [sflag:s18], $0x1400  }
0x13a: {  	[sflag:s18] =	ssyncset.done $0x0  }
.Ltmp4:
0x13b: {  	[sflag:s18] =	ssyncadd.s32 $0xFFFFEC00;
	(pc) =	sbr.rel .LBB2_7-.Ltmp4, $4  }
0x13c: {  	_ =	swait.ge [sflag:s18], $0x1400  }
0x13d: {  	[sflag:s18] =	ssyncset.done $0x0  }
0x13e: {  	s0 =	simm.s32 $0x18A10;
	s8 =	simm.s32 $0x18A60;
	[sflag:s18] =	ssyncadd.s32 $0xFFFFEC00  }
0x13f: {  	[spmem:s4] =	stream.indirect.scatter.add.f32 [tilespmem:s9], [sflag:$0x9], $0x80, s0, s7, $0xb8;
	[tilespmem:$0x1DB00] =	vst v63  }
.LBB2_5:
0x140: {  	s0 =	simm.s32 $0x3  }
0x141: {  	_ =	swait.ge [sflag:s0], $0x2800  }
0x142: {  	[sflag:s0] =	ssyncset.done $0x0  }
0x143: {  	[sflag:s0] =	ssyncadd.s32 $0xFFFFD800  }
0x144: {  	s3 =	sshrl.u32 s31, $0x3;
	s0 =	rddreg [dreg:$0x1]  }
0x145: {  	s15 =	simm.s32 $0x13880;
	s24 =	sld [smem:$0x7F6];
	s3 =	sadd.s32 s0, s3  }
0x146: {  	[tilespmem:s15], [sflag:$0x1] =	stream.linear.gather [hbm4b:s3+s12], $0x28, $0x38;
	[tilespmem:$0x1DB00] =	vst v63  }
0x147: {  	s3 =	sld [smem:$0x7F5]  }
0x148: {  	s14 =	simm.s32 $0x138A8;
	s0 =	sadd.s32 s19, s24  }
0x149: {  	[tilespmem:s14], [sflag:$0x1] =	stream.linear.gather [hbm4b:s0+s12], $0x28, $0x38;
	[tilespmem:$0x1DB00] =	vst v63  }
0x14a: {  	s24 =	simm.s32 $0x138D0;
	s0 =	sadd.s32 s19, s3  }
0x14b: {  	[tilespmem:s24], [sflag:$0x1] =	stream.linear.gather [hbm4b:s0+s12], $0x50, $0x38;
	[tilespmem:$0x1DB00] =	vst v63  }
0x14c: {  	_ =	swait.ge [sflag:s25], $0x28  }
0x14d: {  	[sflag:s25] =	ssyncset.done $0x0  }
0x14e: {  	[sflag:s25] =	ssyncadd.s32 $0xFFFFFFD8  }
0x14f: {  	_ =	swait.ge [sflag:s25], $0x28  }
0x150: {  	[sflag:s25] =	ssyncset.done $0x0  }
0x151: {  	[sflag:s25] =	ssyncadd.s32 $0xFFFFFFD8  }
0x152: {  	_ =	swait.ge [sflag:s25], $0x50  }
0x153: {  	[sflag:s25] =	ssyncset.done $0x0  }
0x154: {  	[sflag:s25] =	ssyncadd.s32 $0xFFFFFFB0  }
0x155: {  	[tilespmem:s23], [sflag:$0x2] =	stream.indirect.gather [hbm4b:s1+s26], $0x80, s15, s26, $0xb8;
	[tilespmem:$0x1DB00] =	vst v63  }
0x156: {  	s3 =	simm.s32 $0x14D20  }
0x157: {  	[tilespmem:s3], [sflag:$0x2] =	stream.indirect.gather [hbm4b:s1+s26], $0x80, s14, s26, $0xb8;
	[tilespmem:$0x1DB00] =	vst v63  }
0x158: {  	_ =	swait.ge [sflag:s18], $0x1400  }
0x159: {  	[sflag:s18] =	ssyncset.done $0x0  }
0x15a: {  	[sflag:s18] =	ssyncadd.s32 $0xFFFFEC00  }
0x15b: {  	_ =	swait.ge [sflag:s18], $0x1400  }
0x15c: {  	[sflag:s18] =	ssyncset.done $0x0  }
0x15d: {  	s24 =	simm.s32 $0x6;
	s15 =	simm.s32 $0x18A10;
	[sflag:s18] =	ssyncadd.s32 $0xFFFFEC00  }
0x15e: {  	[spmem:s4] =	stream.indirect.scatter.add.f32 [tilespmem:s9], [sflag:$0x9], $0x80, s15, s7, $0xb8;
	[tilespmem:$0x1DB00] =	vst v63  }
0x15f: {  	_ =	swait.ge [sflag:s24], $0x2800  }
0x160: {  	s3 =	sld [smem:$0x7F4]  }
0x161: {  	[sflag:s24] =	ssyncset.done $0x0  }
0x162: {  	[sflag:s24] =	ssyncadd.s32 $0xFFFFD800;
	s24 =	sld [smem:$0x7F3]  }
0x163: {  	s15 =	simm.s32 $0x16120;
	s9 =	sadd.s32 s19, s3;
	s3 =	sld [smem:$0x7F2]  }
0x164: {  	[tilespmem:s15], [sflag:$0x4] =	stream.linear.gather [hbm4b:s9+s12], $0x28, $0x38;
	[tilespmem:$0x1DB00] =	vst v63  }
0x165: {  	s0 =	sadd.s32 s19, s24;
	s24 =	simm.s32 $0x16148  }
0x166: {  	[tilespmem:s24], [sflag:$0x4] =	stream.linear.gather [hbm4b:s0+s12], $0x28, $0x38;
	[tilespmem:$0x1DB00] =	vst v63  }
0x167: {  	s28 =	simm.s32 $0x16170;
	s9 =	sadd.s32 s19, s3  }
0x168: {  	[tilespmem:s28], [sflag:$0x4] =	stream.linear.gather [hbm4b:s9+s12], $0x50, $0x38;
	[tilespmem:$0x1DB00] =	vst v63  }
0x169: {  	_ =	swait.ge [sflag:s29], $0x28  }
0x16a: {  	[sflag:s29] =	ssyncset.done $0x0  }
0x16b: {  	[sflag:s29] =	ssyncadd.s32 $0xFFFFFFD8  }
0x16c: {  	_ =	swait.ge [sflag:s29], $0x28  }
0x16d: {  	[sflag:s29] =	ssyncset.done $0x0  }
0x16e: {  	[sflag:s29] =	ssyncadd.s32 $0xFFFFFFD8  }
0x16f: {  	_ =	swait.ge [sflag:s29], $0x50  }
0x170: {  	[sflag:s29] =	ssyncset.done $0x0  }
0x171: {  	[sflag:s29] =	ssyncadd.s32 $0xFFFFFFB0  }
0x172: {  	[tilespmem:s8], [sflag:$0x5] =	stream.indirect.gather [hbm4b:s1+s26], $0x80, s15, s26, $0xb8;
	[tilespmem:$0x1DB00] =	vst v63  }
0x173: {  	s14 =	simm.s32 $0x138D0;
	s28 =	simm.s32 $0x189C0;
	s15 =	simm.s32 $0x175C0  }
0x174: {  	[tilespmem:s15], [sflag:$0x5] =	stream.indirect.gather [hbm4b:s1+s26], $0x80, s24, s26, $0xb8;
	[tilespmem:$0x1DB00] =	vst v63  }
0x175: {  	s8 =	simm.s32 $0x18A60;
	s24 =	simm.s32 $0x189E8;
	s15 =	simm.s32 $0x16170  }
.LBB2_7:
0x176: {  	_ =	swait.ge [sflag:s22], $0x1400  }
0x177: {  	[sflag:s22] =	ssyncset.done $0x0  }
.Ltmp5:
0x178: {  	[sflag:s22] =	ssyncadd.s32 $0xFFFFEC00;
	(pc) =	sbr.rel @p0 .LBB2_9-.Ltmp5, $4  }
0x179: {  	_ =	swait.ge [sflag:s22], $0x1400  }
0x17a: {  	[sflag:s22] =	ssyncset.done $0x0  }
0x17b: {  	[sflag:s22] =	ssyncadd.s32 $0xFFFFEC00  }
0x17c: {  	[spmem:s4] =	stream.indirect.scatter.add.f32 [tilespmem:s21], [sflag:$0xC], $0x80, s5, s7, $0xb8;
	[tilespmem:$0x1DB00] =	vst v63  }
0x17d: {  	_ =	swait.ge [sflag:s30], $0x2800  }
0x17e: {  	[sflag:s30] =	ssyncset.done $0x0;
	s0 =	rddreg [dreg:$0x1f]  }
0x17f: {  	s9 =	rddreg [dreg:$0x1e];
	[sflag:s30] =	ssyncadd.s32 $0xFFFFD800;
	s3 =	sadd.s32 s19, s0  }
0x180: {  	[tilespmem:s28], [sflag:$0x7] =	stream.linear.gather [hbm4b:s3+s12], $0x28, $0x38;
	[tilespmem:$0x1DB00] =	vst v63  }
.Ltmp6:
0x181: {  	s0 =	sadd.s32 s19, s9;
	s9 =	rddreg [dreg:$0x1d];
	(pc) =	sbr.rel .LBB2_4-.Ltmp6, $4  }
0x182: {  	[tilespmem:s24], [sflag:$0x7] =	stream.linear.gather [hbm4b:s0+s12], $0x28, $0x38;
	[tilespmem:$0x1DB00] =	vst v63  }
0x183: {  	s0 =	sadd.s32 s19, s9;
	s9 =	simm.s32 $0x18A10  }
0x184: {  	[tilespmem:s9], [sflag:$0x7] =	stream.linear.gather [hbm4b:s0+s12], $0x50, $0x38;
	[tilespmem:$0x1DB00] =	vst v63  }
0x185: {  	s31 =	sadd.s32 $0x140, s31;
	s19 =	sadd.s32 $0x28, s19;
	s0 =	simm.s32 $0x161C0  }
.LBB2_10:
0x186: {  	_ =	sfence.sel $0x180000  }
0x187: {  	[bflag:$0x0] =	sbarrier.arrive $0xFFFF  }
0x188: {  	_ =	strace $0x90000047  }
0x189: {  	s0 =	stileid.u32;
	[bflag:$0x2] =	sbarrier.arrive $0xFFFF  }
0x18a: {  	p0 =	sne.s32 s0, $0x0;
	s0 =	rddreg [dreg:$0x4]  }
0x18b: {  	s0 =	sadd.s32 @!p0 $0x100000, s0  }
0x18c: {  	[sflag:s0] =	ssyncadd.tile.s32 @!p0 $0x1;
	_ =	shalt  }
.Lfunc_end2:
_tile_overlayer_lowered:
.L_overlay_start_2:
0x18d: {  	(tag) =	ssettag $0x2  }
0x18e: {  	s0 =	rddreg [dreg:$0x0];
	s2 =	stileid.u32  }
0x18f: {  	s1 =	rddreg [dreg:$0x1];
	p0 =	sne.s32 s2, $0x0  }
0x190: {  	s3 =	rddreg [dreg:$0x2];
	[bflag:$0x3] =	sbarrier.arrive $0xFFFF;
	s2 =	simm.s32 @!p0 $0x1C0D  }
0x191: {  	[timem:s3], [sflag:s2] =	dma.local @!p0 [hbm:s0], s1  }
0x192: {  	s0 =	simm.s32 @!p0 $0xD  }
0x193: {  	_ =	swait.ge @!p0 [sflag:s0], s1  }
0x194: {  	s1 =	ssub.s32 @!p0 $0x0, s1;
	[sflag:s0] =	ssyncset.done @!p0 $0x0  }
0x195: {  	[sflag:s0] =	ssyncadd.s32 @!p0 s1  }
0x196: {  	[bflag:$0x3] =	sbarrier.arrive $0xFFFF  }
0x197: {  	_ =	shalt  }

// kernel: kernel.9.cloned.1.call-start
scs
__scs_entry_jumppad:
0x0: {  	(pc) =	sbr.rel $0x88, $3  }
0x1: {  	(tag) =	ssettag $0x0;
	lr =	simm.s32 $0x1  }
0x2: {  	[smem:$0x3F9C] =	sst lr;
	_ =	strace $0xD0000000  }
0x3: {  	_ = 	snop  }
0x4: {  	_ = 	snop  }
0x5: {  	_ = 	snop  }
0x6: {  	_ = 	snop  }
0x7: {  	_ = 	snop  }
__scs_overlays_trampoline_lowered:
0x8: {  	[smem:$0x3FAB] =	sst s0  }
0x9: {  	[smem:$0x3FAC] =	sst s1  }
0xa: {  	[smem:$0x3FAD] =	sst s2  }
0xb: {  	[smem:$0x3FAE] =	sst s3  }
0xc: {  	[smem:$0x3FAF] =	sst s4  }
0xd: {  	[smem:$0x3FB0] =	sst s5  }
0xe: {  	[smem:$0x3FB1] =	sst s6  }
0xf: {  	[smem:$0x3FB2] =	sst s7  }
0x10: {  	[smem:$0x3FB3] =	sst s8  }
0x11: {  	[smem:$0x3FB4] =	sst s9;
	s0 =	simm.s32 @!p0 $0x0  }
0x12: {  	s1 =	sld [smem:$0x3F9A];
	s0 =	simm.s32 @p0 $0x1  }
0x13: {  	[smem:$0x3FB5] =	sst s0;
	s0 =	simm.s32 @!p1 $0x0  }
0x14: {  	s2 =	sld [smem:$0x3F99];
	s0 =	simm.s32 @p1 $0x1  }
0x15: {  	[smem:$0x3FB6] =	sst s0;
	s0 =	simm.s32 @!p2 $0x0  }
0x16: {  	s3 =	sld [smem:$0x3FDB];
	s0 =	simm.s32 @p2 $0x1  }
0x17: {  	s4 =	simm.s32 $0x1BF5;
	[smem:$0x3FB8] =	sst s0  }
0x18: {  	s0 =	sld [smem:$0x3F9B];
	_ =	swait.ge [sflag:s4], $0x0  }
0x19: {  	s7 =	sld [smem:$0x3F9C]  }
0x1a: {  	s8 =	sadd.s32 $0xFFFFE003, lr  }
0x1b: {  	s9 =	sadd.s32 $0xFFFFFEF7, lr;
	s5 =	simm.s32 $0xFFFFFFFF;
	p2 =	slt.u32 s8, $0xFFFFF086  }
0x1c: {  	p1 =	slt.u32 s9, $0xF7A;
	s5 =	simm.s32 @!p2 $0x0  }
0x1d: {  	s5 =	simm.s32 @p1 $0x1;
	p0 =	seq.s32 s7, s2  }
0x1e: {  	s7 =	smul.u32 @!p0 $0xF7A, s2;
	p2 =	seq.s32 @!p0 s5, $0x0  }
0x1f: {  	s9 =	smul.u32 $0xF7A, s1;
	s8 =	simm.s32 @!p0 $0x1BF5;
	p2 =	por !p2, p0  }
0x20: {  	[sflag:s8] =	ssyncset.s32 @!p0 $0xFFFFF086;
	s6 =	sadd.s32 @!p0 s3, s7;
	s7 =	simm.s32 @!p0 $0x108  }
0x21: {  	s3 =	sadd.s32 s3, s9;
	s6 =	sadd.s32 @!p0 $0x88, s6;
	s7 =	simm.s32 @p2 $0x1082  }
0x22: {  	[simem:s7], [sflag:s8] =	dma.local @!p0 [hbm:s6], $0xF7A  }
0x23: {  	s9 =	sor.u32 $0xD0000000, s2;
	s6 =	simm.s32 $0x108;
	_ =	swait.ge @!p0 [sflag:s8], $0x0  }
0x24: {  	s3 =	sadd.s32 $0x88, s3;
	s6 =	simm.s32 @!p1 $0x1082;
	[sflag:s4] =	ssyncset.s32 $0xFFFFF086  }
0x25: {  	[simem:s6], [sflag:s4] =	dma.local [hbm:s3], $0xF7A  }
0x26: {  	[smem:$0x3F9C] =	sst s1;
	(tag) =	ssettag s2;
	_ =	strace s9  }
0x27: {  	s1 =	sld [smem:$0x3FAC]  }
0x28: {  	s2 =	sld [smem:$0x3FAD]  }
0x29: {  	s4 =	sld [smem:$0x3FAF]  }
0x2a: {  	p0 =	seq.s32 s5, $0x0;
	s5 =	sld [smem:$0x3FB0]  }
0x2b: {  	s6 =	sld [smem:$0x3FB1]  }
0x2c: {  	s7 =	sld [smem:$0x3FB2]  }
0x2d: {  	s3 =	simm.s32 $0x108;
	s8 =	sld [smem:$0x3FB3]  }
0x2e: {  	s3 =	simm.s32 @!p0 $0x1082;
	s9 =	sld [smem:$0x3FB4]  }
0x2f: {  	lr =	sadd.s32 s0, s3;
	s0 =	sld [smem:$0x3FAB]  }
0x30: {  	s3 =	sld [smem:$0x3FAE]  }
0x31: {  	[smem:$0x3FB7] =	sst s10  }
0x32: {  	s10 =	sld [smem:$0x3FB5];
	_ =	sdelay $0x3  }
0x33: {  	p0 =	seq.s32 s10, $0x1;
	s10 =	sld [smem:$0x3FB7];
	_ =	sdelay $0x3  }
0x34: {  	[smem:$0x3FB7] =	sst s10  }
0x35: {  	s10 =	sld [smem:$0x3FB6];
	_ =	sdelay $0x3  }
0x36: {  	p1 =	seq.s32 s10, $0x1;
	s10 =	sld [smem:$0x3FB7];
	_ =	sdelay $0x3  }
0x37: {  	[smem:$0x3FB7] =	sst s10  }
0x38: {  	s10 =	sld [smem:$0x3FB8]  }
0x39: {  	_ = 	snop;
	(pc) =	sbr.ind lr, $3  }
0x3a: {  	_ = 	snop  }
0x3b: {  	_ = 	snop  }
0x3c: {  	p2 =	seq.s32 s10, $0x1;
	s10 =	sld [smem:$0x3FB7]  }
0x3d: {  	_ =	shalt  }
0x3e: {  	_ =	shalt  }
0x3f: {  	_ =	shalt  }
0x40: {  	_ =	shalt  }
0x41: {  	_ =	shalt  }
0x42: {  	_ =	shalt  }
0x43: {  	_ =	shalt  }
0x44: {  	_ =	shalt  }
0x45: {  	_ =	shalt  }
0x46: {  	_ =	shalt  }
0x47: {  	_ =	shalt  }
0x48: {  	_ =	shalt  }
0x49: {  	_ =	shalt  }
0x4a: {  	_ =	shalt  }
0x4b: {  	_ =	shalt  }
0x4c: {  	_ =	shalt  }
0x4d: {  	_ =	shalt  }
0x4e: {  	_ =	shalt  }
0x4f: {  	_ =	shalt  }
0x50: {  	_ =	shalt  }
0x51: {  	_ =	shalt  }
0x52: {  	_ =	shalt  }
0x53: {  	_ =	shalt  }
0x54: {  	_ =	shalt  }
0x55: {  	_ =	shalt  }
0x56: {  	_ =	shalt  }
0x57: {  	_ =	shalt  }
0x58: {  	_ =	shalt  }
0x59: {  	_ =	shalt  }
0x5a: {  	_ =	shalt  }
0x5b: {  	_ =	shalt  }
0x5c: {  	_ =	shalt  }
0x5d: {  	_ =	shalt  }
0x5e: {  	_ =	shalt  }
0x5f: {  	_ =	shalt  }
0x60: {  	_ =	shalt  }
0x61: {  	_ =	shalt  }
0x62: {  	_ =	shalt  }
0x63: {  	_ =	shalt  }
0x64: {  	_ =	shalt  }
0x65: {  	_ =	shalt  }
0x66: {  	_ =	shalt  }
0x67: {  	_ =	shalt  }
0x68: {  	_ =	shalt  }
0x69: {  	_ =	shalt  }
0x6a: {  	_ =	shalt  }
0x6b: {  	_ =	shalt  }
0x6c: {  	_ =	shalt  }
0x6d: {  	_ =	shalt  }
0x6e: {  	_ =	shalt  }
0x6f: {  	_ =	shalt  }
0x70: {  	_ =	shalt  }
0x71: {  	_ =	shalt  }
0x72: {  	_ =	shalt  }
0x73: {  	_ =	shalt  }
0x74: {  	_ =	shalt  }
0x75: {  	_ =	shalt  }
0x76: {  	_ =	shalt  }
0x77: {  	_ =	shalt  }
0x78: {  	_ =	shalt  }
0x79: {  	_ =	shalt  }
0x7a: {  	_ =	shalt  }
0x7b: {  	_ =	shalt  }
0x7c: {  	_ =	shalt  }
0x7d: {  	_ =	shalt  }
0x7e: {  	_ =	shalt  }
0x7f: {  	_ =	shalt  }
0x80: {  	_ =	shalt  }
0x81: {  	_ =	shalt  }
0x82: {  	_ =	shalt  }
0x83: {  	_ =	shalt  }
0x84: {  	_ =	shalt  }
0x85: {  	_ =	shalt  }
0x86: {  	_ =	shalt  }
0x87: {  	_ =	shalt  }
.Lfunc_end0:
.L_simem_size_0:
called_computation.1_lowered:
.L_overlay_start_0:
0x88: {  	s2 =	sld [smem:$0x3FD9]  }
0x89: {  	s3 =	sld [smem:$0x3FFE];
	_ =	sdelay $0x1  }
0x8a: {  	s1 =	srdreg.scid  }
0x8b: {  	s0 =	sand.u32 $0x1, s1  }
0x8c: {  	s17 =	sshll.u32 s0, $0xA;
	s2 =	sadd.s32 s3, s2  }
0x8d: {  	s2 =	sadd.s32 s2, s17  }
0x8e: {  	[smem:$0x3FC3] =	sst s2  }
0x8f: {  	_ = 	snop  }
0x90: {  	s2 =	sld [smem:$0x3FD0];
	(tm) =	ssettm $0x1  }
0x91: {  	s18 =	sld [smem:$0x3FFB];
	_ =	sdelay $0x3  }
0x92: {  	_ =	strace s18  }
0x93: {  	s3 =	sld [smem:$0x3FFC];
	_ =	sdelay $0x3  }
0x94: {  	_ =	strace s3  }
0x95: {  	s3 =	sld [smem:$0x3FFD];
	_ =	sdelay $0x3  }
0x96: {  	_ =	strace s3  }
0x97: {  	_ =	strace $0x8FFFFFFF  }
0x98: {  	s19 =	sld [smem:$0x3FDB];
	_ =	sdelay $0x1  }
0x99: {  	s4 =	simm.s32 $_scs_section_size  }
0x9a: {  	s5 =	simm.s32 $_size__tile_overlayer_lowered;
	s6 =	simm.s32 $_tile_overlayer_lowered  }
0x9b: {  	s22 =	simm.s32 $0x1BFF;
	s21 =	sshll.u32 s6, $0x1;
	s3 =	sadd.s32 s4, s19  }
0x9c: {  	s7 =	simm.s32 $0x0;
	s20 =	sshll.u32 s5, $0x1;
	s5 =	sadd.s32 s21, s3  }
0x9d: {  	[timem:s7], [sflag:s22] =	dma.local [hbm:s5], s20  }
0x9e: {  	_ =	swait.ge [sflag:s22], s20  }
0x9f: {  	s4 =	ssub.s32 $0x0, s20;
	[sflag:s22] =	ssyncset.done $0x0  }
0xa0: {  	[sflag:s22] =	ssyncadd.s32 s4;
	_ =	sdelay $0x1  }
0xa1: {  	s23 =	simm.s32 $0x1B8B  }
0xa2: {  	_ =	swait.ge [sflag:s23], $0x1  }
0xa3: {  	[sflag:s23] =	ssyncset.done $0x0  }
0xa4: {  	s25 =	simm.s32 $0x1B8E;
	s24 =	sld [smem:$0x3FFE];
	[sflag:s23] =	ssyncadd.s32 $0xFFFFFFFF  }
0xa5: {  	s26 =	simm.s32 $execute0_lowered;
	[smem:$0x3FD2] =	sst s25  }
0xa6: {  	s5 =	sshll.u32 s26, $0x1;
	_ =	strace $0x80000049;
	[dreg:$0x1] =	wrdreg $0xFFFFFFFF  }
0xa7: {  	s28 =	simm.s32 $_size_execute0_lowered;
	s3 =	sadd.s32 s3, s5;
	[dreg:$0x0] =	wrdreg $0x0  }
0xa8: {  	s5 =	sshll.u32 s28, $0x1;
	[dreg:$0x2] =	wrdreg s3  }
0xa9: {  	[dreg:$0x3] =	wrdreg s5  }
0xaa: {  	[dreg:$0x4] =	wrdreg $0xC0  }
0xab: {  	_ =	task [dreg:s7], $0x5FFFF  }
0xac: {  	[dreg:$0x1] =	wrdreg $0xFFFFFFFF  }
0xad: {  	[dreg:$0x0] =	wrdreg $0x60  }
0xae: {  	[dreg:$0x2] =	wrdreg s2  }
0xaf: {  	[dreg:$0x3] =	wrdreg s24  }
0xb0: {  	[dreg:$0x4] =	wrdreg $0x0  }
0xb1: {  	[dreg:$0x5] =	wrdreg $0x27100  }
0xb2: {  	[dreg:$0x6] =	wrdreg $0x9  }
0xb3: {  	_ =	task.clear_ibuf [dreg:s7], $0x7FFFF;
	_ =	strace $0x90000049  }
0xb4: {  	s29 =	simm.s32 $0x9;
	_ =	strace $0x8000004B  }
0xb5: {  	_ =	swait.ge [sflag:s29], $0x1  }
0xb6: {  	[sflag:s29] =	ssyncadd.s32 $0xFFFFFFFF  }
0xb7: {  	_ =	strace $0x9000004B  }
0xb8: {  	_ =	sfence  }
0xb9: {  	s30 =	sld [smem:$0x0];
	_ =	sdelay $0x2  }
0xba: {  	s31 =	sshll.u32 s1, $0xD;
	s1 =	sshrl.u32 s1, $0x2  }
0xbb: {  	s3 =	sand.u32 $0x4000, s31;
	s1 =	sadd.s32 s1, s30  }
0xbc: {  	s0 =	sor.u32 s3, s0;
	s1 =	sshll.u32 s1, $0x11  }
0xbd: {  	s0 =	sor.u32 s1, s0  }
0xbe: {  	s0 =	sadd.s32 $0x8F2B, s0  }
0xbf: {  	[sflag:s0] =	ssyncadd.remote.s32 $0x1  }
0xc0: {  	_ =	sfence.sel $0xFFFF  }
0xc1: {  	[dreg:$0x0] =	wrdreg $0xFFFFFFFF;
	(pc) =	sbr.abs _section_cstart, $3  }
0xc2: {  	[dreg:$0x1] =	wrdreg $0xFFFFFFFF  }
0xc3: {  	_ =	task.clear_ibuf [dreg:s7], $0x2FFFF;
	_ =	strace $0x9FFFFFFF  }
0xc4: {  	(tm) =	ssettm $0x7FFFFFFF  }
0xc5: {  	_ =	shalt  }
tec
execute0_lowered:
.L_overlay_start_1:
0x0: {  	(tag) =	ssettag $0x1  }
0x1: {  	s0 =	rddreg [dreg:$0x1]  }
0x2: {  	s2 =	rddreg [dreg:$0x0];
	s1 =	simm.s32 $0x0  }
0x3: {  	s5 =	srdreg.scid;
	s18 =	stileid.u32;
	s3 =	sadd.s32 $0x532A00, s0  }
0x4: {  	s4 =	sadd.s32 $0x5AA00, s0;
	s5 =	sand.u32 $0x1, s5;
	s7 =	smul.u32 $0x2710, s18  }
0x5: {  	s6 =	sshll.u32 s18, $0x1;
	s0 =	sadd.s32 $0x50C00, s0;
	s21 =	smul.u32 $0x9C00, s18  }
0x6: {  	[smem:$0x7FF] =	sst s1;
	s6 =	sor.u32 s5, s6;
	s8 =	smul.u32 $0x27100, s5  }
0x7: {  	p0 =	sgt.u32 s18, $0x1;
	s9 =	ssub.s32 $0x2, s5;
	s11 =	smul.u32 $0x2700, s6  }
0x8: {  	s10 =	sadd.s32 $0x2000, s7;
	s12 =	sshrl.u32 s9, $0x1;
	s13 =	smul.u32 $0x4E00, s6  }
0x9: {  	s17 =	sadd.s32 $0x1800, s7;
	s14 =	sadd.s32 s8, s10;
	s9 =	ssub.s32 s9, s12  }
0xa: {  	s24 =	sadd.s32 s8, s7;
	s11 =	sshrl.u32 s11, $0x3;
	s22 =	sshrl.u32 s14, $0x3  }
0xb: {  	s19 =	sadd.s32 s3, s13;
	s13 =	sadd.s32 $0x1000, s7;
	s14 =	sshrl.u32 s24, $0x3  }
0xc: {  	s23 =	sadd.s32 s4, s22;
	s12 =	sadd.s32 s0, s22;
	s16 =	sadd.s32 s4, s14  }
0xd: {  	s25 =	sadd.s32 s8, s13;
	s14 =	sadd.s32 s0, s14;
	s22 =	sshll.u32 s6, $0x8  }
0xe: {  	s24 =	sadd.s32 s2, s11;
	s6 =	sshll.u32 s6, $0x4;
	[dreg:$0x6] =	wrdreg s23  }
0xf: {  	s11 =	smax.u32 s9, $0x1;
	s9 =	simm.s32 $0x1;
	[dreg:$0x7] =	wrdreg s12  }
0x10: {  	s12 =	sadd.s32 $0x800, s7;
	[dreg:$0x8] =	wrdreg s16;
	s23 =	smul.u32 $0x4E00, s5  }
0x11: {  	[dreg:$0x9] =	wrdreg s14;
	s16 =	sshrl.u32 s25, $0x3;
	s5 =	smul.u32 $0x4E0, s5  }
0x12: {  	s6 =	sadd.s32 s6, s2;
	s15 =	sadd.s32 s8, s12;
	s20 =	sadd.s32 s4, s16  }
0x13: {  	s8 =	sadd.s32 s8, s17;
	s14 =	sadd.s32 s0, s16;
	[dreg:$0xc] =	wrdreg s20  }
0x14: {  	s15 =	sshrl.u32 s15, $0x3;
	[dreg:$0xd] =	wrdreg s14;
	s8 =	sshrl.u32 s8, $0x3  }
0x15: {  	s14 =	rddreg [dreg:$0x2];
	s26 =	sadd.s32 s4, s15;
	s15 =	sadd.s32 s0, s15  }
0x16: {  	s4 =	sadd.s32 s4, s8;
	s0 =	sadd.s32 s0, s8;
	[dreg:$0xa] =	wrdreg s26  }
0x17: {  	s25 =	sadd.s32 s10, s14;
	s8 =	sadd.s32 $0x9C50, s24;
	[dreg:$0xb] =	wrdreg s15  }
0x18: {  	s28 =	sadd.s32 s7, s14;
	s30 =	sadd.s32 s12, s14;
	[dreg:$0xe] =	wrdreg s4  }
0x19: {  	s20 =	sadd.s32 s13, s14;
	[dreg:$0xf] =	wrdreg s0;
	s0 =	sadd.s32 s22, s3  }
0x1a: {  	s3 =	sadd.s32 s21, s3;
	s26 =	smul.u32 $0x9C0, s18;
	s15 =	rddreg [dreg:$0x3]  }
0x1b: {  	s22 =	sadd.s32 s17, s14;
	_ =	strace $0x8000004A;
	[dreg:$0x12] =	wrdreg s8  }
0x1c: {  	s16 =	sadd.s32 s23, s3;
	s4 =	sadd.s32 s10, s15;
	[dreg:$0x15] =	wrdreg s11  }
0x1d: {  	s10 =	sadd.s32 $0x13840, s6;
	s0 =	sadd.s32 $0x9C000, s0;
	[dreg:$0x16] =	wrdreg s20  }
0x1e: {  	s29 =	sadd.s32 s7, s15;
	s31 =	sadd.s32 s12, s15;
	[dreg:$0x18] =	wrdreg s22  }
0x1f: {  	s21 =	sadd.s32 s13, s15;
	s23 =	sadd.s32 s17, s15;
	[dreg:$0x5] =	wrdreg s19  }
0x20: {  	s6 =	simm.s32 $0x5E20;
	s7 =	simm.s32 $0x66A0;
	[dreg:$0x10] =	wrdreg s4  }
0x21: {  	s8 =	simm.s32 $0x6720;
	s11 =	simm.s32 $0x4E20;
	[dreg:$0x13] =	wrdreg s10  }
0x22: {  	s12 =	simm.s32 $0x6F20;
	s20 =	simm.s32 $0x3;
	[dreg:$0x14] =	wrdreg s0  }
0x23: {  	s22 =	simm.s32 $0x2;
	s3 =	simm.s32 $0x6;
	[dreg:$0x17] =	wrdreg s21  }
0x24: {  	s2 =	sadd.s32 s26, s2;
	[dreg:$0x19] =	wrdreg s23;
	s26 =	sadd.s32 $0x100, s19  }
.Ltmp0:
0x25: {  	s4 =	simm.s32 $0x5EA0;
	s10 =	simm.s32 $0x80;
	(pc) =	sbr.rel .LBB2_1-.Ltmp0, $4  }
0x26: {  	s19 =	simm.s32 $0x6FA0;
	s21 =	simm.s32 $0x5;
	s23 =	simm.s32 $0x4  }
0x27: {  	s2 =	sadd.s32 s5, s2;
	s5 =	sadd.s32 $0x9C40, s24;
	[dreg:$0x1b] =	wrdreg s26  }
0x28: {  	s0 =	simm.s32 $0x0;
	[dreg:$0x11] =	wrdreg s5;
	s24 =	sadd.s32 $0x9C80, s2  }
0x29: {  	v0 =	vimm.f32 $0.0e+00;
	v1 =	vimm.f32 $1.000000000e+00;
	s5 =	simm.s32 $0x7;
	s2 =	simm.s32 $0x5620;
	[dreg:$0x1a] =	wrdreg s24  }
.LBB2_6:
0x2a: {  	_ =	swait.ge [sflag:s21], $0x80  }
0x2b: {  	[sflag:s21] =	ssyncset.done $0x0  }
0x2c: {  	[sflag:s21] =	ssyncadd.s32 $0xFFFFFF80  }
0x2d: {  	_ =	swait.ge [sflag:s21], $0x800  }
0x2e: {  	[sflag:s21] =	ssyncset.done $0x0  }
0x2f: {  	[sflag:s21] =	ssyncadd.s32 $0xFFFFF800  }
0x30: {  	[spmem:s14] =	stream.indirect.scatter.add.f32 [tilespmem:s19], [sflag:$0x6], $0x10, s12, s10, $0xb8;
	[tilespmem:$0x77A0] =	vst v63  }
0x31: {  	_ = 	snop  }
0x32: {  	[spmem:s15] =	stream.indirect.scatter.add.f32 [tilespmem:s11], [sflag:$0x6], $0x10, s12, s10, $0xb8;
	[tilespmem:$0x77A0] =	vst v63  }
0x33: {  	_ =	swait.ge [sflag:s22], $0x800  }
0x34: {  	[sflag:s22] =	ssyncset.done $0x0  }
0x35: {  	[sflag:s22] =	ssyncadd.s32 $0xFFFFF800  }
0x36: {  	_ =	swait.ge [sflag:s22], $0x800  }
0x37: {  	[sflag:s22] =	ssyncset.done $0x0  }
0x38: {  	[sflag:s22] =	ssyncadd.s32 $0xFFFFF800  }
0x39: {  	_ =	swait.ge [sflag:s23], $0x800  }
0x3a: {  	[sflag:s23] =	ssyncset.done $0x0  }
0x3b: {  	[sflag:s23] =	ssyncadd.s32 $0xFFFFF800  }
0x3c: {  	_ =	swait.ge [sflag:s23], $0x800  }
0x3d: {  	[sflag:s23] =	ssyncset.done $0x0  }
0x3e: {  	[sflag:s23] =	ssyncadd.s32 $0xFFFFF800  }
0x3f: {  	_ =	swait.ge [sflag:s3], $0x800  }
0x40: {  	[sflag:s3] =	ssyncset.done $0x0  }
0x41: {  	[sflag:s3] =	ssyncadd.s32 $0xFFFFF800  }
0x42: {  	_ =	swait.ge [sflag:s3], $0x800  }
0x43: {  	s17 =	simm.s32 @!p0 $0x0;
	[sflag:s3] =	ssyncset.done $0x0  }
0x44: {  	s18 =	simm.s32 @!p0 $0x5E20;
	s24 =	rddreg [dreg:$0x13];
	[sflag:s3] =	ssyncadd.s32 $0xFFFFF800  }
0x45: {  	[tilespmem:s18], [sflag:$0x7] =	stream.linear.gather @!p0 [hbm4b:s24+s17], $0x80, $0x38;
	[tilespmem:$0x77A0] =	vst v63  }
0x46: {  	s24 =	simm.s32 @!p0 $0x7  }
0x47: {  	s25 =	simm.s32 @!p0 $0x5EA0;
	s13 =	smov.u32 s31;
	_ =	swait.ge @!p0 [sflag:s24], $0x80  }
0x48: {  	s31 =	smov.u32 s30;
	s30 =	smov.u32 s29;
	[sflag:s24] =	ssyncset.done @!p0 $0x0  }
0x49: {  	s29 =	smov.u32 s28;
	s28 =	rddreg [dreg:$0x14];
	[sflag:s24] =	ssyncadd.s32 @!p0 $0xFFFFFF80  }
0x4a: {  	[tilespmem:s25], [sflag:$0x7] =	stream.linear.gather @!p0 [hbm4b:s28+s17], $0x800, $0x38;
	[tilespmem:$0x77A0] =	vst v63  }
0x4b: {  	_ =	swait.ge @!p0 [sflag:s24], $0x800  }
0x4c: {  	[sflag:s24] =	ssyncset.done @!p0 $0x0  }
0x4d: {  	s17 =	simm.s32 @!p0 $0x80;
	[sflag:s24] =	ssyncadd.s32 @!p0 $0xFFFFF800  }
0x4e: {  	[spmem:s14] =	stream.indirect.scatter.add.f32 @!p0 [tilespmem:s25], [sflag:$0x7], $0x10, s18, s17, $0xb8;
	[tilespmem:$0x77A0] =	vst v63  }
0x4f: {  	_ =	swait.ge @!p0 [sflag:s24], $0x800  }
0x50: {  	[sflag:s24] =	ssyncset.done @!p0 $0x0  }
0x51: {  	s25 =	simm.s32 @!p0 $0x4E20;
	[sflag:s24] =	ssyncadd.s32 @!p0 $0xFFFFF800  }
0x52: {  	[spmem:s15] =	stream.indirect.scatter.add.f32 @!p0 [tilespmem:s25], [sflag:$0x7], $0x10, s18, s17, $0xb8;
	[tilespmem:$0x77A0] =	vst v63  }
0x53: {  	_ =	swait.ge @!p0 [sflag:s24], $0x800  }
0x54: {  	[sflag:s24] =	ssyncset.done @!p0 $0x0  }
0x55: {  	[sflag:s24] =	ssyncadd.s32 @!p0 $0xFFFFF800  }
0x56: {  	s28 =	smov.u32 s29;
	[bflag:$0x0] =	sbarrier.arrive $0xFFFF  }
0x57: {  	[tilespmem:s4], [sflag:$0x7] =	stream.linear.gather [spmem:s28], $0x800, $0x38;
	[tilespmem:$0x77A0] =	vst v63  }
0x58: {  	_ =	swait.ge [sflag:s5], $0x800  }
0x59: {  	[sflag:s5] =	ssyncset.done $0x0  }
0x5a: {  	s18 =	rddreg [dreg:$0x8];
	[sflag:s5] =	ssyncadd.s32 $0xFFFFF800  }
0x5b: {  	[hbm4b:s18+s1] =	stream.linear.scatter [tilespmem:s4], [sflag:$0x7], $0x800, $0x38;
	[tilespmem:$0x77A0] =	vst v63  }
0x5c: {  	_ =	swait.ge [sflag:s5], $0x800  }
0x5d: {  	[sflag:s5] =	ssyncset.done $0x0  }
0x5e: {  	s29 =	smov.u32 s30;
	[sflag:s5] =	ssyncadd.s32 $0xFFFFF800  }
0x5f: {  	[tilespmem:s2], [sflag:$0x7] =	stream.linear.gather [spmem:s29], $0x800, $0x38;
	[tilespmem:$0x77A0] =	vst v63  }
0x60: {  	_ =	swait.ge [sflag:s5], $0x800  }
0x61: {  	[sflag:s5] =	ssyncset.done $0x0  }
0x62: {  	s24 =	rddreg [dreg:$0x9];
	[sflag:s5] =	ssyncadd.s32 $0xFFFFF800  }
0x63: {  	[hbm4b:s24+s1] =	stream.linear.scatter [tilespmem:s2], [sflag:$0x7], $0x800, $0x38;
	[tilespmem:$0x77A0] =	vst v63  }
0x64: {  	_ =	swait.ge [sflag:s5], $0x800  }
0x65: {  	[sflag:s5] =	ssyncset.done $0x0  }
0x66: {  	s30 =	smov.u32 s31;
	[sflag:s5] =	ssyncadd.s32 $0xFFFFF800  }
0x67: {  	[tilespmem:s4], [sflag:$0x7] =	stream.linear.gather [spmem:s30], $0x800, $0x38;
	[tilespmem:$0x77A0] =	vst v63  }
0x68: {  	_ =	swait.ge [sflag:s5], $0x800  }
0x69: {  	[sflag:s5] =	ssyncset.done $0x0  }
0x6a: {  	s25 =	rddreg [dreg:$0xa];
	[sflag:s5] =	ssyncadd.s32 $0xFFFFF800  }
0x6b: {  	[hbm4b:s25+s1] =	stream.linear.scatter [tilespmem:s4], [sflag:$0x7], $0x800, $0x38;
	[tilespmem:$0x77A0] =	vst v63  }
0x6c: {  	_ =	swait.ge [sflag:s5], $0x800  }
0x6d: {  	[sflag:s5] =	ssyncset.done $0x0  }
0x6e: {  	[sflag:s5] =	ssyncadd.s32 $0xFFFFF800  }
0x6f: {  	[tilespmem:s2], [sflag:$0x7] =	stream.linear.gather [spmem:s13], $0x800, $0x38;
	[tilespmem:$0x77A0] =	vst v63  }
0x70: {  	_ =	swait.ge [sflag:s5], $0x800  }
0x71: {  	[sflag:s5] =	ssyncset.done $0x0  }
0x72: {  	s31 =	smov.u32 s13;
	s13 =	rddreg [dreg:$0xb];
	[sflag:s5] =	ssyncadd.s32 $0xFFFFF800  }
0x73: {  	[hbm4b:s13+s1] =	stream.linear.scatter [tilespmem:s2], [sflag:$0x7], $0x800, $0x38;
	[tilespmem:$0x77A0] =	vst v63  }
0x74: {  	_ =	swait.ge [sflag:s5], $0x800  }
0x75: {  	[sflag:s5] =	ssyncset.done $0x0  }
0x76: {  	s18 =	rddreg [dreg:$0x16];
	[sflag:s5] =	ssyncadd.s32 $0xFFFFF800  }
0x77: {  	[tilespmem:s4], [sflag:$0x7] =	stream.linear.gather [spmem:s18], $0x800, $0x38;
	[tilespmem:$0x77A0] =	vst v63  }
0x78: {  	_ =	swait.ge [sflag:s5], $0x800  }
0x79: {  	[sflag:s5] =	ssyncset.done $0x0  }
0x7a: {  	s24 =	rddreg [dreg:$0xc];
	[sflag:s5] =	ssyncadd.s32 $0xFFFFF800  }
0x7b: {  	[hbm4b:s24+s1] =	stream.linear.scatter [tilespmem:s4], [sflag:$0x7], $0x800, $0x38;
	[tilespmem:$0x77A0] =	vst v63  }
0x7c: {  	_ =	swait.ge [sflag:s5], $0x800  }
0x7d: {  	[sflag:s5] =	ssyncset.done $0x0  }
0x7e: {  	s25 =	rddreg [dreg:$0x17];
	[sflag:s5] =	ssyncadd.s32 $0xFFFFF800  }
0x7f: {  	[tilespmem:s2], [sflag:$0x7] =	stream.linear.gather [spmem:s25], $0x800, $0x38;
	[tilespmem:$0x77A0] =	vst v63  }
0x80: {  	_ =	swait.ge [sflag:s5], $0x800  }
0x81: {  	[sflag:s5] =	ssyncset.done $0x0  }
0x82: {  	s13 =	rddreg [dreg:$0xd];
	[sflag:s5] =	ssyncadd.s32 $0xFFFFF800  }
0x83: {  	[hbm4b:s13+s1] =	stream.linear.scatter [tilespmem:s2], [sflag:$0x7], $0x800, $0x38;
	[tilespmem:$0x77A0] =	vst v63  }
0x84: {  	_ =	swait.ge [sflag:s5], $0x800  }
0x85: {  	[sflag:s5] =	ssyncset.done $0x0  }
0x86: {  	s17 =	rddreg [dreg:$0x18];
	[sflag:s5] =	ssyncadd.s32 $0xFFFFF800  }
0x87: {  	[tilespmem:s4], [sflag:$0x7] =	stream.linear.gather [spmem:s17], $0x800, $0x38;
	[tilespmem:$0x77A0] =	vst v63  }
0x88: {  	_ =	swait.ge [sflag:s5], $0x800  }
0x89: {  	[sflag:s5] =	ssyncset.done $0x0  }
0x8a: {  	s18 =	rddreg [dreg:$0xe];
	[sflag:s5] =	ssyncadd.s32 $0xFFFFF800  }
0x8b: {  	[hbm4b:s18+s1] =	stream.linear.scatter [tilespmem:s4], [sflag:$0x7], $0x800, $0x38;
	[tilespmem:$0x77A0] =	vst v63  }
0x8c: {  	_ =	swait.ge [sflag:s5], $0x800  }
0x8d: {  	[sflag:s5] =	ssyncset.done $0x0  }
0x8e: {  	s24 =	rddreg [dreg:$0x19];
	[sflag:s5] =	ssyncadd.s32 $0xFFFFF800  }
0x8f: {  	[tilespmem:s2], [sflag:$0x7] =	stream.linear.gather [spmem:s24], $0x800, $0x38;
	[tilespmem:$0x77A0] =	vst v63  }
0x90: {  	_ =	swait.ge [sflag:s5], $0x800  }
0x91: {  	[sflag:s5] =	ssyncset.done $0x0  }
0x92: {  	s25 =	rddreg [dreg:$0xf];
	[sflag:s5] =	ssyncadd.s32 $0xFFFFF800  }
0x93: {  	[hbm4b:s25+s1] =	stream.linear.scatter [tilespmem:s2], [sflag:$0x7], $0x800, $0x38;
	[tilespmem:$0x77A0] =	vst v63  }
0x94: {  	_ =	swait.ge [sflag:s5], $0x800  }
0x95: {  	[sflag:s5] =	ssyncset.done $0x0  }
0x96: {  	[sflag:s5] =	ssyncadd.s32 $0xFFFFF800  }
0x97: {  	[tilespmem:s4], [sflag:$0x7] =	stream.linear.gather [spmem:s26], $0x710, $0x38;
	[tilespmem:$0x77A0] =	vst v63  }
0x98: {  	_ =	swait.ge [sflag:s5], $0x710  }
0x99: {  	[sflag:s5] =	ssyncset.done $0x0  }
0x9a: {  	s13 =	rddreg [dreg:$0x6];
	[sflag:s5] =	ssyncadd.s32 $0xFFFFF8F0  }
0x9b: {  	[hbm4b:s13+s1] =	stream.linear.scatter [tilespmem:s4], [sflag:$0x7], $0x710, $0x38;
	[tilespmem:$0x77A0] =	vst v63  }
0x9c: {  	_ =	swait.ge [sflag:s5], $0x710  }
0x9d: {  	[sflag:s5] =	ssyncset.done $0x0  }
0x9e: {  	s18 =	rddreg [dreg:$0x10];
	[sflag:s5] =	ssyncadd.s32 $0xFFFFF8F0  }
0x9f: {  	[tilespmem:s2], [sflag:$0x7] =	stream.linear.gather [spmem:s18], $0x710, $0x38;
	[tilespmem:$0x77A0] =	vst v63  }
0xa0: {  	_ =	swait.ge [sflag:s5], $0x710  }
0xa1: {  	[sflag:s5] =	ssyncset.done $0x0  }
0xa2: {  	s24 =	rddreg [dreg:$0x7];
	[sflag:s5] =	ssyncadd.s32 $0xFFFFF8F0  }
0xa3: {  	[hbm4b:s24+s1] =	stream.linear.scatter [tilespmem:s2], [sflag:$0x7], $0x710, $0x38;
	[tilespmem:$0x77A0] =	vst v63  }
0xa4: {  	_ =	swait.ge [sflag:s5], $0x710  }
0xa5: {  	s0 =	sadd.s32 $0x1, s0;
	s25 =	smov.u32 s26;
	s26 =	rddreg [dreg:$0x15]  }
0xa6: {  	p1 =	sne.s32 s0, s26  }
.Ltmp1:
0xa7: {  	_ = 	snop;
	(pc) =	sbr.rel @!p1 .LBB2_7-.Ltmp1, $3  }
0xa8: {  	_ =	sdelay $0x1  }
0xa9: {  	[sflag:s5] =	ssyncset.done $0x0  }
0xaa: {  	[sflag:s5] =	ssyncadd.s32 $0xFFFFF8F0  }
.LBB2_1:
0xab: {  	s17 =	simm.s32 $0x40;
	s18 =	simm.s32 $0x0  }
.LBB2_2:
0xac: {  	p1 =	sne.s32 s17, $0x1FC0;
	[tilespmem:s18+$0x5620] =	vst v0;
	s24 =	smov.u32 s17;
	s17 =	sadd.s32 $0x40, s17  }
.Ltmp2:
0xad: {  	[tilespmem:s18+$0x5EA0] =	vst v0;
	(pc) =	sbr.rel @p1 .LBB2_2-.Ltmp2, $2  }
0xae: {  	[tilespmem:s18+$0x4E20] =	vst v1;
	_ =	sdelay $0x2  }
0xaf: {  	s18 =	sshra.s32 s24, $0x2  }
0xb0: {  	[tilespmem:s18+$0x5620] =	vst v0  }
0xb1: {  	[tilespmem:s18+$0x5EA0] =	vst v0  }
0xb2: {  	[tilespmem:s18+$0x4E20] =	vst v1  }
0xb3: {  	[spmem:s28] =	stream.linear.scatter [tilespmem:s4], [sflag:$0x7], $0x800, $0x38;
	[tilespmem:$0x77A0] =	vst v63  }
0xb4: {  	_ =	swait.ge [sflag:s5], $0x800  }
0xb5: {  	[sflag:s5] =	ssyncset.done $0x0  }
0xb6: {  	[sflag:s5] =	ssyncadd.s32 $0xFFFFF800  }
0xb7: {  	[spmem:s29] =	stream.linear.scatter [tilespmem:s2], [sflag:$0x7], $0x800, $0x38;
	[tilespmem:$0x77A0] =	vst v63  }
0xb8: {  	_ =	swait.ge [sflag:s5], $0x800  }
0xb9: {  	[sflag:s5] =	ssyncset.done $0x0  }
0xba: {  	[sflag:s5] =	ssyncadd.s32 $0xFFFFF800  }
0xbb: {  	[spmem:s30] =	stream.linear.scatter [tilespmem:s4], [sflag:$0x7], $0x800, $0x38;
	[tilespmem:$0x77A0] =	vst v63  }
0xbc: {  	_ =	swait.ge [sflag:s5], $0x800  }
0xbd: {  	[sflag:s5] =	ssyncset.done $0x0  }
0xbe: {  	[sflag:s5] =	ssyncadd.s32 $0xFFFFF800  }
0xbf: {  	[spmem:s31] =	stream.linear.scatter [tilespmem:s2], [sflag:$0x7], $0x800, $0x38;
	[tilespmem:$0x77A0] =	vst v63  }
0xc0: {  	_ =	swait.ge [sflag:s5], $0x800  }
0xc1: {  	[sflag:s5] =	ssyncset.done $0x0  }
0xc2: {  	s13 =	rddreg [dreg:$0x16];
	[sflag:s5] =	ssyncadd.s32 $0xFFFFF800  }
0xc3: {  	[spmem:s13] =	stream.linear.scatter [tilespmem:s4], [sflag:$0x7], $0x800, $0x38;
	[tilespmem:$0x77A0] =	vst v63  }
0xc4: {  	_ =	swait.ge [sflag:s5], $0x800  }
0xc5: {  	[sflag:s5] =	ssyncset.done $0x0  }
0xc6: {  	s17 =	rddreg [dreg:$0x17];
	[sflag:s5] =	ssyncadd.s32 $0xFFFFF800  }
0xc7: {  	[spmem:s17] =	stream.linear.scatter [tilespmem:s2], [sflag:$0x7], $0x800, $0x38;
	[tilespmem:$0x77A0] =	vst v63  }
0xc8: {  	_ =	swait.ge [sflag:s5], $0x800  }
0xc9: {  	[sflag:s5] =	ssyncset.done $0x0  }
0xca: {  	s18 =	rddreg [dreg:$0x18];
	[sflag:s5] =	ssyncadd.s32 $0xFFFFF800  }
0xcb: {  	[spmem:s18] =	stream.linear.scatter [tilespmem:s4], [sflag:$0x7], $0x800, $0x38;
	[tilespmem:$0x77A0] =	vst v63  }
0xcc: {  	_ =	swait.ge [sflag:s5], $0x800  }
0xcd: {  	[sflag:s5] =	ssyncset.done $0x0  }
0xce: {  	s24 =	rddreg [dreg:$0x19];
	[sflag:s5] =	ssyncadd.s32 $0xFFFFF800  }
0xcf: {  	[spmem:s24] =	stream.linear.scatter [tilespmem:s2], [sflag:$0x7], $0x800, $0x38;
	[tilespmem:$0x77A0] =	vst v63  }
0xd0: {  	_ =	swait.ge [sflag:s5], $0x800  }
0xd1: {  	[sflag:s5] =	ssyncset.done $0x0  }
0xd2: {  	[sflag:s5] =	ssyncadd.s32 $0xFFFFF800  }
0xd3: {  	[spmem:s25] =	stream.linear.scatter [tilespmem:s4], [sflag:$0x7], $0x710, $0x38;
	[tilespmem:$0x77A0] =	vst v63  }
0xd4: {  	_ =	swait.ge [sflag:s5], $0x710  }
0xd5: {  	[sflag:s5] =	ssyncset.done $0x0  }
0xd6: {  	s17 =	rddreg [dreg:$0x10];
	[sflag:s5] =	ssyncadd.s32 $0xFFFFF8F0  }
0xd7: {  	[spmem:s17] =	stream.linear.scatter [tilespmem:s2], [sflag:$0x7], $0x710, $0x38;
	[tilespmem:$0x77A0] =	vst v63  }
0xd8: {  	_ =	swait.ge [sflag:s5], $0x710  }
0xd9: {  	[sflag:s5] =	ssyncset.done $0x0  }
0xda: {  	[sflag:s5] =	ssyncadd.s32 $0xFFFFF8F0  }
0xdb: {  	[bflag:$0x0] =	sbarrier.arrive $0xFFFF  }
0xdc: {  	s26 =	smov.u32 s25;
	s25 =	rddreg [dreg:$0x11]  }
0xdd: {  	s17 =	simm.s32 $0x0;
	s13 =	rddreg [dreg:$0x5]  }
0xde: {  	[tilespmem:s6], [sflag:$0x1] =	stream.linear.gather [hbm4b:s25+s17], $0x80, $0x38;
	[tilespmem:$0x77A0] =	vst v63  }
0xdf: {  	s24 =	rddreg [dreg:$0x12]  }
0xe0: {  	[tilespmem:s4], [sflag:$0x1] =	stream.linear.gather [hbm4b:s13+s17], $0x800, $0x38;
	[tilespmem:$0x77A0] =	vst v63  }
0xe1: {  	s18 =	rddreg [dreg:$0x1a]  }
0xe2: {  	[tilespmem:s7], [sflag:$0x3] =	stream.linear.gather [hbm4b:s24+s17], $0x80, $0x38;
	[tilespmem:$0x77A0] =	vst v63  }
0xe3: {  	s25 =	rddreg [dreg:$0x1b]  }
0xe4: {  	[tilespmem:s8], [sflag:$0x3] =	stream.linear.gather [hbm4b:s25+s17], $0x800, $0x38;
	[tilespmem:$0x77A0] =	vst v63  }
.LBB2_4:
0xe5: {  	_ =	swait.ge [sflag:s9], $0x80  }
0xe6: {  	[sflag:s9] =	ssyncset.done $0x0  }
0xe7: {  	[sflag:s9] =	ssyncadd.s32 $0xFFFFFF80  }
0xe8: {  	_ =	swait.ge [sflag:s9], $0x800  }
0xe9: {  	[sflag:s9] =	ssyncset.done $0x0  }
0xea: {  	p1 =	seq.s32 s17, $0x0;
	[sflag:s9] =	ssyncadd.s32 $0xFFFFF800  }
0xeb: {  	[spmem:s14] =	stream.indirect.scatter.add.f32 [tilespmem:s4], [sflag:$0x2], $0x10, s6, s10, $0xb8;
	[tilespmem:$0x77A0] =	vst v63  }
0xec: {  	s24 =	simm.s32 @!p1 $0x6  }
0xed: {  	[spmem:s15] =	stream.indirect.scatter.add.f32 [tilespmem:s11], [sflag:$0x2], $0x10, s6, s10, $0xb8;
	[tilespmem:$0x77A0] =	vst v63  }
0xee: {  	_ =	swait.ge @!p1 [sflag:s24], $0x800  }
0xef: {  	[sflag:s24] =	ssyncset.done @!p1 $0x0  }
0xf0: {  	[sflag:s24] =	ssyncadd.s32 @!p1 $0xFFFFF800  }
0xf1: {  	_ =	swait.ge @!p1 [sflag:s24], $0x800  }
0xf2: {  	[sflag:s24] =	ssyncset.done @!p1 $0x0  }
0xf3: {  	s25 =	sadd.s32 $0xFFFFFFE0, s18;
	[sflag:s24] =	ssyncadd.s32 @!p1 $0xFFFFF800;
	s24 =	sadd.s32 s17, s16  }
0xf4: {  	[tilespmem:s12], [sflag:$0x5] =	stream.linear.gather [hbm4b:s25+s1], $0x80, $0x38;
	[tilespmem:$0x77A0] =	vst v63  }
0xf5: {  	s25 =	sadd.s32 $0x200, s24  }
0xf6: {  	[tilespmem:s19], [sflag:$0x5] =	stream.linear.gather [hbm4b:s25+s1], $0x800, $0x38;
	[tilespmem:$0x77A0] =	vst v63  }
0xf7: {  	_ =	swait.ge [sflag:s20], $0x80  }
0xf8: {  	[sflag:s20] =	ssyncset.done $0x0  }
0xf9: {  	[sflag:s20] =	ssyncadd.s32 $0xFFFFFF80  }
0xfa: {  	p1 =	seq.s32 s17, $0x4B00;
	_ =	swait.ge [sflag:s20], $0x800  }
.Ltmp3:
0xfb: {  	[sflag:s20] =	ssyncset.done $0x0;
	(pc) =	sbr.rel @p1 .LBB2_6-.Ltmp3, $4  }
0xfc: {  	[sflag:s20] =	ssyncadd.s32 $0xFFFFF800  }
0xfd: {  	[spmem:s14] =	stream.indirect.scatter.add.f32 [tilespmem:s8], [sflag:$0x4], $0x10, s7, s10, $0xb8;
	[tilespmem:$0x77A0] =	vst v63  }
0xfe: {  	_ = 	snop  }
0xff: {  	[spmem:s15] =	stream.indirect.scatter.add.f32 [tilespmem:s11], [sflag:$0x4], $0x10, s7, s10, $0xb8;
	[tilespmem:$0x77A0] =	vst v63  }
0x100: {  	_ =	swait.ge [sflag:s22], $0x800  }
0x101: {  	[sflag:s22] =	ssyncset.done $0x0  }
0x102: {  	[sflag:s22] =	ssyncadd.s32 $0xFFFFF800  }
0x103: {  	_ =	swait.ge [sflag:s22], $0x800  }
0x104: {  	[sflag:s22] =	ssyncset.done $0x0  }
0x105: {  	s25 =	sadd.s32 $0xFFFFFFF0, s18;
	[sflag:s22] =	ssyncadd.s32 $0xFFFFF800  }
0x106: {  	[tilespmem:s6], [sflag:$0x1] =	stream.linear.gather [hbm4b:s25+s1], $0x80, $0x38;
	[tilespmem:$0x77A0] =	vst v63  }
0x107: {  	s13 =	sadd.s32 $0x300, s24  }
0x108: {  	[tilespmem:s4], [sflag:$0x1] =	stream.linear.gather [hbm4b:s13+s1], $0x800, $0x38;
	[tilespmem:$0x77A0] =	vst v63  }
0x109: {  	_ =	swait.ge [sflag:s21], $0x80  }
0x10a: {  	[sflag:s21] =	ssyncset.done $0x0  }
0x10b: {  	[sflag:s21] =	ssyncadd.s32 $0xFFFFFF80  }
0x10c: {  	_ =	swait.ge [sflag:s21], $0x800  }
0x10d: {  	[sflag:s21] =	ssyncset.done $0x0  }
0x10e: {  	[sflag:s21] =	ssyncadd.s32 $0xFFFFF800  }
0x10f: {  	[spmem:s14] =	stream.indirect.scatter.add.f32 [tilespmem:s19], [sflag:$0x6], $0x10, s12, s10, $0xb8;
	[tilespmem:$0x77A0] =	vst v63  }
0x110: {  	_ = 	snop  }
0x111: {  	[spmem:s15] =	stream.indirect.scatter.add.f32 [tilespmem:s11], [sflag:$0x6], $0x10, s12, s10, $0xb8;
	[tilespmem:$0x77A0] =	vst v63  }
0x112: {  	_ =	swait.ge [sflag:s23], $0x800  }
0x113: {  	[sflag:s23] =	ssyncset.done $0x0  }
0x114: {  	[sflag:s23] =	ssyncadd.s32 $0xFFFFF800  }
0x115: {  	_ =	swait.ge [sflag:s23], $0x800  }
.Ltmp4:
0x116: {  	[sflag:s23] =	ssyncset.done $0x0;
	(pc) =	sbr.rel .LBB2_4-.Ltmp4, $4  }
0x117: {  	[sflag:s23] =	ssyncadd.s32 $0xFFFFF800  }
0x118: {  	[tilespmem:s7], [sflag:$0x3] =	stream.linear.gather [hbm4b:s18+s1], $0x80, $0x38;
	[tilespmem:$0x77A0] =	vst v63  }
0x119: {  	s17 =	sadd.s32 $0x300, s17;
	s25 =	sadd.s32 $0x400, s24;
	s18 =	sadd.s32 $0x30, s18  }
0x11a: {  	[tilespmem:s8], [sflag:$0x3] =	stream.linear.gather [hbm4b:s25+s1], $0x800, $0x38;
	[tilespmem:$0x77A0] =	vst v63  }
.LBB2_7:
0x11b: {  	_ =	sfence.sel $0x180000  }
0x11c: {  	[bflag:$0x0] =	sbarrier.arrive $0xFFFF  }
0x11d: {  	_ =	strace $0x9000004A  }
0x11e: {  	s0 =	stileid.u32;
	[bflag:$0x2] =	sbarrier.arrive $0xFFFF  }
0x11f: {  	p0 =	sne.s32 s0, $0x0;
	s0 =	rddreg [dreg:$0x4]  }
0x120: {  	s0 =	sadd.s32 @!p0 $0x100000, s0  }
0x121: {  	[sflag:s0] =	ssyncadd.tile.s32 @!p0 $0x1;
	_ =	shalt  }
.Lfunc_end2:
_tile_overlayer_lowered:
.L_overlay_start_2:
0x122: {  	(tag) =	ssettag $0x2  }
0x123: {  	s0 =	rddreg [dreg:$0x0];
	s2 =	stileid.u32  }
0x124: {  	s1 =	rddreg [dreg:$0x1];
	p0 =	sne.s32 s2, $0x0  }
0x125: {  	s3 =	rddreg [dreg:$0x2];
	[bflag:$0x3] =	sbarrier.arrive $0xFFFF;
	s2 =	simm.s32 @!p0 $0x1C07  }
0x126: {  	[timem:s3], [sflag:s2] =	dma.local @!p0 [hbm:s0], s1  }
0x127: {  	s0 =	simm.s32 @!p0 $0x7  }
0x128: {  	_ =	swait.ge @!p0 [sflag:s0], s1  }
0x129: {  	s1 =	ssub.s32 @!p0 $0x0, s1;
	[sflag:s0] =	ssyncset.done @!p0 $0x0  }
0x12a: {  	[sflag:s0] =	ssyncadd.s32 @!p0 s1  }
0x12b: {  	[bflag:$0x3] =	sbarrier.arrive $0xFFFF  }
0x12c: {  	_ =	shalt  }

</sc_bundles>
